<compile_context>
chip_gen: v7x
topology: tpu7x:2x2x1
jax: 0.10.2.dev20260603
libtpu: 0.0.44.dev20260713+nightly
codegen_flags: <defaults>
</compile_context>

<pallas_src>
import jax
import jax.numpy as jnp
from jax import lax
from jax.experimental import pallas as pl
from jax.experimental.pallas import tpu as pltpu
from jax.experimental.pallas import tpu_sc as plsc

_B, _H, _W = 16, 512, 512
_NPIX = _H * _W
_ROWS = 2 * _B
_NB = 2048
_SHIFT = 19
_LANES = 16
_UNROLL = 8
_CHUNK = 16384
_NCHUNKS = _NPIX // _CHUNK



def _stage1_body(rl_ref, al_ref, rp_ref, ap_ref, m_ref, neg_ref, stats_ref):
    rl = rl_ref[0]
    al = al_ref[0]
    m = m_ref[0]
    lr = (rp_ref[0] - rl) ** 2 * m
    la = (ap_ref[0] - al) ** 2 * m
    pos_r = (rl > 0.1).astype(jnp.float32)
    pos_a = (al > 0.1).astype(jnp.float32)
    negl_r = lr * (1.0 - pos_r)
    negl_a = la * (1.0 - pos_a)
    neg_ref[0, 0] = negl_r.astype(jnp.bfloat16)
    neg_ref[1, 0] = negl_a.astype(jnp.bfloat16)
    row = lax.broadcasted_iota(jnp.int32, (8, 128), 0)
    col = lax.broadcasted_iota(jnp.int32, (8, 128), 1)
    stats = jnp.zeros((8, 128), jnp.float32)
    for r_, c_, v_ in (
        (0, 0, jnp.sum(pos_r)), (0, 1, jnp.sum(lr * pos_r)), (0, 2, jnp.sum(negl_r)),
        (1, 0, jnp.sum(pos_a)), (1, 1, jnp.sum(la * pos_a)), (1, 2, jnp.sum(negl_a)),
    ):
        stats = jnp.where((row == r_) & (col == c_), v_, stats)
    stats_ref[0] = stats


_HB = _B // 2


def _stage1_args(off):
    return dict(
        grid=(_HB,),
        in_specs=[pl.BlockSpec((1, _H, _W), lambda i, o=off: (i + o, 0, 0))] * 5,
        out_specs=[
            pl.BlockSpec((2, 1, _H, _W), lambda i: (0, i, 0, 0)),
            pl.BlockSpec((1, 8, 128), lambda i: (i, 0, 0)),
        ],
        out_shape=[
            jax.ShapeDtypeStruct((2, _HB, _H, _W), jnp.bfloat16),
            jax.ShapeDtypeStruct((_HB, 8, 128), jnp.float32),
        ],
    )



def _stage2_body(neg_hbm, cnt_hbm, chunk0, chunk1, subcnt, sem0, sem1):
    wid = lax.axis_index("s") * 2 + lax.axis_index("c")
    half = lax.shift_right_logical(wid, 4)
    row_local = wid & 15
    ch = lax.shift_right_logical(row_local, 3)
    img = row_local & 7
    row0 = half * (_H // 2)
    zero_i = jnp.zeros((_LANES,), jnp.int32)
    ones = jnp.full((_LANES,), 1, jnp.int32)
    lane = lax.iota(jnp.int32, _LANES)
    bufs = (chunk0, chunk1)
    sems = (sem0, sem1)

    def zero_body(i):
        subcnt[pl.ds(i * _LANES, _LANES)] = zero_i

    plsc.parallel_loop(0, _NB, 1, unroll=8)(zero_body)

    rows_per_chunk = _CHUNK // _W

    def src(ci):
        return neg_hbm.at[
            ch, img, pl.ds(row0 + ci * rows_per_chunk, rows_per_chunk), :]

    pltpu.async_copy(src(0), chunk0, sem0)
    pltpu.async_copy(src(1), chunk1, sem1)

    def process(buf):
        def body(j):
            v = buf[j >> 4, pl.ds((j & 15) * 32, 32)]
            x = plsc.bitcast(v, jnp.int32)
            bhi = jnp.minimum(lax.shift_right_logical(x, _SHIFT), _NB - 1)
            blo = jnp.minimum(
                lax.shift_right_logical(x, _SHIFT - 16)
                & ((1 << (32 - _SHIFT)) - 1),
                _NB - 1)
            plsc.addupdate_scatter(subcnt, [(blo << 4) + lane], ones)
            plsc.addupdate_scatter(subcnt, [(bhi << 4) + lane], ones)

        plsc.parallel_loop(0, _CHUNK // 32, 1, unroll=_UNROLL)(body)

    nchunks = (_NPIX // 2) // _CHUNK

    def ring_body(g, _):
        for b in range(2):
            ci = g * 2 + b
            pltpu.make_async_copy(src(0), bufs[b], sems[b]).wait()
            process(bufs[b])

            @pl.when(ci + 2 < nchunks)
            def _start_next():
                pltpu.async_copy(src(ci + 2), bufs[b], sems[b])

        return 0

    lax.fori_loop(0, nchunks // 2, ring_body, 0)
    pltpu.sync_copy(subcnt, cnt_hbm.at[wid])


def _stage2_call(neg_map):
    mesh = plsc.VectorSubcoreMesh(core_axis_name="c", subcore_axis_name="s")
    k = pl.kernel(
        _stage2_body,
        mesh=mesh,
        out_type=jax.ShapeDtypeStruct((_ROWS, _NB * _LANES), jnp.int32),
        scratch_types=[
            pltpu.VMEM((_CHUNK // _W, _W), jnp.bfloat16),
            pltpu.VMEM((_CHUNK // _W, _W), jnp.bfloat16),
            pltpu.VMEM((_NB * _LANES,), jnp.int32),
            pltpu.SemaphoreType.DMA,
            pltpu.SemaphoreType.DMA,
        ],
        compiler_params=pltpu.CompilerParams(needs_layout_passes=False),
    )
    return k(neg_map)



def _stage3_body(nr_ref, cnta_ref, cntb_ref, statsa_ref, statsb_ref, out_ref):
    nr = nr_ref[0]
    ncell = _NB * _LANES
    ca = cnta_ref[...].astype(jnp.float32)
    cb = cntb_ref[...].astype(jnp.float32)
    ca = ca[:16, :] + ca[16:, :]
    cb = cb[:16, :] + cb[16:, :]
    cnt = jnp.concatenate(
        [ca[0:8], cb[0:8], ca[8:16], cb[8:16]], axis=0)
    bidx = lax.shift_right_logical(
        lax.broadcasted_iota(jnp.int32, (_ROWS, ncell), 1), 4)
    vlo = lax.bitcast_convert_type(bidx << _SHIFT, jnp.float32)
    vhi = lax.bitcast_convert_type((bidx + 1) << _SHIFT, jnp.float32)
    lat = float(1 << (_SHIFT - 16))
    mid = vlo + (vhi - vlo) * ((lat - 1.0) / (2.0 * lat))
    row = lax.broadcasted_iota(jnp.int32, (_HB, 8, 128), 1)
    col = lax.broadcasted_iota(jnp.int32, (_HB, 8, 128), 2)

    def ext(st, r_, c_):
        v = jnp.sum(jnp.where((row == r_) & (col == c_), st, 0.0), axis=(1, 2))
        return jnp.reshape(v, (_HB, 1))

    sta = statsa_ref[...]
    stb = statsb_ref[...]

    def stat(c_):
        return jnp.concatenate(
            [ext(sta, 0, c_), ext(stb, 0, c_), ext(sta, 1, c_), ext(stb, 1, c_)],
            axis=0)

    pcnt = stat(0)
    psum = stat(1)
    nsum = stat(2)

    s = cnt
    off = 1
    while off < ncell:
        s = s + jnp.concatenate(
            [s[:, off:], jnp.zeros((_ROWS, off), jnp.float32)], axis=1)
        off *= 2
    above = s - cnt

    npix = jnp.float32(_NPIX)
    has_pos = pcnt > 0.0
    ncnt = npix - pcnt
    pos_eff = jnp.where(has_pos, pcnt, 1000.0)
    kf = nr * pos_eff
    take = jnp.clip(kf - above, 0.0, cnt)
    topk = jnp.sum(take * mid, axis=1, keepdims=True)
    pos_loss = jnp.where(has_pos, psum / jnp.maximum(pcnt, 1.0), 0.0)
    hard = topk / kf
    alln = nsum / ncnt
    use_all = has_pos & (ncnt < nr * pcnt)
    neg_loss = jnp.where(use_all, alln, hard)
    total = jnp.sum(pos_loss + neg_loss) / jnp.float32(_B)
    out_ref[...] = jnp.reshape(total, (1, 1))


_STAGE3_ARGS = dict(
    in_specs=[
        pl.BlockSpec(memory_space=pltpu.SMEM),
        pl.BlockSpec((_ROWS, _NB * _LANES), lambda: (0, 0)),
        pl.BlockSpec((_ROWS, _NB * _LANES), lambda: (0, 0)),
        pl.BlockSpec((_HB, 8, 128), lambda: (0, 0, 0)),
        pl.BlockSpec((_HB, 8, 128), lambda: (0, 0, 0)),
    ],
    out_specs=pl.BlockSpec((1, 1), lambda: (0, 0)),
    out_shape=jax.ShapeDtypeStruct((1, 1), jnp.float32),
)



def kernel(region_scores_label, affinity_socres_label, region_scores_pre,
           affinity_scores_pre, mask, neg_rto):
    ins = (region_scores_label, affinity_socres_label, region_scores_pre,
           affinity_scores_pre, mask)
    neg_a, stats_a = pl.pallas_call(_stage1_body, **_stage1_args(0))(*ins)
    cnt_a = _stage2_call(neg_a)
    neg_b, stats_b = pl.pallas_call(_stage1_body, **_stage1_args(_HB))(*ins)
    cnt_b = _stage2_call(neg_b)
    nr = jnp.asarray(neg_rto, jnp.float32).reshape(1)
    out = pl.pallas_call(_stage3_body, **_STAGE3_ARGS)(
        nr, cnt_a, cnt_b, stats_a, stats_b)
    return out[0, 0]

# --- scband reference (transcript-rebuilt; emitter-appended) ---
"""Pipeline reference for scband-maploss-v3-3358664425475 (READ-ONLY COPY).

The authoritative reference and input builder live on the scoring server;
editing this copy changes nothing except your own understanding.
"""

import jax, jax.numpy as jnp
import numpy as np

B, H, W = 16, 512, 512


def setup_inputs(seed: int = 0):
    key = jax.random.key(seed)
    ks = jax.random.split(key, 5)
    # labels are raised to a power so positives (>0.1) are ~11% of pixels,
    # which forces the hard-negative-mining top_k branch (neg >= neg_rto*pos)
    region_scores_label = jax.random.uniform(ks[0], (B, H, W), dtype=jnp.float32) ** 20
    affinity_socres_label = jax.random.uniform(ks[1], (B, H, W), dtype=jnp.float32) ** 20
    region_scores_pre = jax.random.uniform(ks[2], (B, H, W), dtype=jnp.float32)
    affinity_scores_pre = jax.random.uniform(ks[3], (B, H, W), dtype=jnp.float32)
    mask = jax.random.uniform(ks[4], (B, H, W), dtype=jnp.float32)
    return {
        "region_scores_label": region_scores_label,
        "affinity_socres_label": affinity_socres_label,
        "region_scores_pre": region_scores_pre,
        "affinity_scores_pre": affinity_scores_pre,
        "mask": mask,
        "neg_rto": 3,
    }


def _single_image_loss(pred_loss, label_score, neg_rto, prev_pos_pixel_number):
    positive_pixel = (label_score > 0.1).astype(jnp.float32)
    positive_pixel_number = jnp.sum(positive_pixel)
    negative_pixel = (label_score <= 0.1).astype(jnp.float32)
    negative_pixel_number = jnp.sum(negative_pixel)
    negative_loss_region = pred_loss * negative_pixel
    has_positive = positive_pixel_number != 0
    pos_eff = jnp.where(
        has_positive,
        positive_pixel_number,
        jnp.array(prev_pos_pixel_number, dtype=jnp.float32),
    )
    positive_loss = jnp.where(
        has_positive,
        jnp.sum(pred_loss * positive_pixel) / positive_pixel_number,
        jnp.array(0.0, dtype=jnp.float32),
    )
    flat = negative_loss_region.reshape(-1)
    n = flat.shape[0]
    sorted_desc, _ = jax.lax.top_k(flat, n)
    k = (neg_rto * pos_eff).astype(jnp.int32)
    topk_sum = jnp.sum(jnp.where(jnp.arange(n) < k, sorted_desc, jnp.float32(0.0)))
    hard_negative_loss = topk_sum / (neg_rto * pos_eff)
    all_negative_loss = jnp.sum(negative_loss_region) / negative_pixel_number
    use_all = has_positive & (negative_pixel_number < neg_rto * positive_pixel_number)
    negative_loss = jnp.where(use_all, all_negative_loss, hard_negative_loss)
    total_loss = positive_loss + negative_loss
    return total_loss, pos_eff


def reference(region_scores_label, affinity_socres_label, region_scores_pre, affinity_scores_pre, mask, neg_rto):
    loss1 = (region_scores_pre - region_scores_label) ** 2
    loss2 = (affinity_scores_pre - affinity_socres_label) ** 2
    loss_region = loss1 * mask
    loss_affinity = loss2 * mask
    batch_size = loss_region.shape[0]
    char_losses = jnp.array(0.0, dtype=jnp.float32)
    affi_losses = jnp.array(0.0, dtype=jnp.float32)
    pos_pixel_number = 1000
    for i in range(batch_size):
        char_loss, _ = _single_image_loss(loss_region[i], region_scores_label[i], neg_rto, pos_pixel_number)
        char_losses = char_losses + char_loss
        affi_loss, _ = _single_image_loss(loss_affinity[i], affinity_socres_label[i], neg_rto, pos_pixel_number)
        affi_losses = affi_losses + affi_loss
    return (char_losses + affi_losses) / batch_size

if __name__ == "__main__":
    import jax
    _d = setup_inputs()
    print(jax.jit(kernel)(*tuple(_d.values())))

</pallas_src>

<mosaic_0001>
#map = affine_map<(d0, d1) -> (0, 0, 0, 0)>
#map1 = affine_map<(d0, d1) -> (0, 0)>
module attributes {stable_mosaic.version = 14 : i64} {
  func.func @_stage2_body(%arg0: i32, %arg1: i32, %arg2: memref<2x8x512x512xbf16, #tpu.memory_space<hbm>>, %arg3: memref<32x32768xi32, #tpu.memory_space<hbm>>, %arg4: memref<32x512xbf16, #tpu.memory_space<vmem>>, %arg5: memref<32x512xbf16, #tpu.memory_space<vmem>>, %arg6: memref<32768xi32, #tpu.memory_space<vmem>>, %arg7: memref<!tpu.dma_semaphore, #tpu.memory_space<semaphore_mem>>, %arg8: memref<!tpu.dma_semaphore, #tpu.memory_space<semaphore_mem>>) attributes {dimension_semantics = [#tpu.dimension_semantics<core_parallel>, #tpu.dimension_semantics<subcore_parallel>], iteration_bounds = array<i64: 2, 16>, scalar_prefetch = 0 : i64, scratch_operands = 5 : i64, tpu.core_type = #tpu.core_type<sc_vector_subcore>, window_params = [{transform_indices = #map}, {transform_indices = #map1}]} {
    %mul3A = arith.constant 2 : i32
    %mul3A_0 = arith.muli %arg1, %mul3A : i32
    %add3A = arith.addi %mul3A_0, %arg0 : i32
    %shift_right_logical3A = arith.constant 4 : i32
    %shift_right_logical3A_1 = arith.shrui %add3A, %shift_right_logical3A : i32
    %and3A = arith.constant 15 : i32
    %and3A_2 = arith.andi %add3A, %and3A : i32
    %shift_right_logical3A_3 = arith.constant 3 : i32
    %shift_right_logical3A_4 = arith.shrui %and3A_2, %shift_right_logical3A_3 : i32
    %and3A_5 = arith.constant 7 : i32
    %and3A_6 = arith.andi %and3A_2, %and3A_5 : i32
    %mul3A_7 = arith.constant 256 : i32
    %mul3A_8 = arith.muli %shift_right_logical3A_1, %mul3A_7 : i32
    %broadcast_in_dim3A = arith.constant 0 : i32
    %broadcast_in_dim3A_9 = vector.broadcast %broadcast_in_dim3A : i32 to vector<16xi32>
    %broadcast_in_dim3A_10 = arith.constant 1 : i32
    %broadcast_in_dim3A_11 = vector.broadcast %broadcast_in_dim3A_10 : i32 to vector<16xi32>
    %iota3A = tpu.iota {dimensions = array<i32: 0>} : vector<16xi32>
    %parallel_loop3A = arith.constant 0 : i32
    %parallel_loop3A_12 = arith.constant 2048 : i32
    %parallel_loop3A_13 = arith.constant 1 : i32
    scf.for %parallel_loop3A_35 = %parallel_loop3A to %parallel_loop3A_12 step %parallel_loop3A_13  : i32 {
      %parallel_loop3A_36 = arith.constant 16 : i32
      %parallel_loop3A_37 = arith.muli %parallel_loop3A_35, %parallel_loop3A_36 : i32
      %parallel_loop3A_38 = arith.index_cast %parallel_loop3A_37 : i32 to index
      %parallel_loop3A_39 = tpu.vector_load %arg6[%parallel_loop3A_38] {strides = array<i32>} : memref<32768xi32, #tpu.memory_space<vmem>>, vector<16xi32>,
      tpu.vector_store %arg6[%parallel_loop3A_38], %broadcast_in_dim3A_9 {strides = array<i32>} : memref<32768xi32, #tpu.memory_space<vmem>>, vector<16xi32>,
    } {sc.loop_unroll_factor = 8 : i64, sc.parallel_access}
    %add3A_14 = arith.constant 0 : i32
    %add3A_15 = arith.addi %mul3A_8, %add3A_14 : i32
    %dma_start3A = arith.constant 0 : i32
    %dma_start3A_16 = tpu.memref_slice %arg2[%shift_right_logical3A_4, %and3A_6, %add3A_15, %dma_start3A] : memref<2x8x512x512xbf16, #tpu.memory_space<hbm>> -> memref<1x1x32x512xbf16, #tpu.memory_space<hbm>>
    %dma_start3A_17 = tpu.memref_squeeze %dma_start3A_16 : memref<1x1x32x512xbf16, #tpu.memory_space<hbm>> -> memref<32x512xbf16, #tpu.memory_space<hbm>>
    %dma_start3A_18 = arith.constant 0 : i32
    %dma_start3A_19 = tpu.memref_slice %arg2[%shift_right_logical3A_4, %and3A_6, %add3A_15, %dma_start3A_18] : memref<2x8x512x512xbf16, #tpu.memory_space<hbm>> -> memref<1x1x32x512xbf16, #tpu.memory_space<hbm>>
    %dma_start3A_20 = tpu.memref_squeeze %dma_start3A_19 : memref<1x1x32x512xbf16, #tpu.memory_space<hbm>> -> memref<32x512xbf16, #tpu.memory_space<hbm>>
    tpu.enqueue_dma source(%dma_start3A_20 : memref<32x512xbf16, #tpu.memory_space<hbm>>) target(%arg4 : memref<32x512xbf16, #tpu.memory_space<vmem>>) target_semaphore(%arg7 : memref<!tpu.dma_semaphore, #tpu.memory_space<semaphore_mem>>)
    %add3A_21 = arith.constant 32 : i32
    %add3A_22 = arith.addi %mul3A_8, %add3A_21 : i32
    %dma_start3A_23 = arith.constant 0 : i32
    %dma_start3A_24 = tpu.memref_slice %arg2[%shift_right_logical3A_4, %and3A_6, %add3A_22, %dma_start3A_23] : memref<2x8x512x512xbf16, #tpu.memory_space<hbm>> -> memref<1x1x32x512xbf16, #tpu.memory_space<hbm>>
    %dma_start3A_25 = tpu.memref_squeeze %dma_start3A_24 : memref<1x1x32x512xbf16, #tpu.memory_space<hbm>> -> memref<32x512xbf16, #tpu.memory_space<hbm>>
    %dma_start3A_26 = arith.constant 0 : i32
    %dma_start3A_27 = tpu.memref_slice %arg2[%shift_right_logical3A_4, %and3A_6, %add3A_22, %dma_start3A_26] : memref<2x8x512x512xbf16, #tpu.memory_space<hbm>> -> memref<1x1x32x512xbf16, #tpu.memory_space<hbm>>
    %dma_start3A_28 = tpu.memref_squeeze %dma_start3A_27 : memref<1x1x32x512xbf16, #tpu.memory_space<hbm>> -> memref<32x512xbf16, #tpu.memory_space<hbm>>
    tpu.enqueue_dma source(%dma_start3A_28 : memref<32x512xbf16, #tpu.memory_space<hbm>>) target(%arg5 : memref<32x512xbf16, #tpu.memory_space<vmem>>) target_semaphore(%arg8 : memref<!tpu.dma_semaphore, #tpu.memory_space<semaphore_mem>>)
    %scan3A = arith.constant 0 : i32
    %scan3A_29 = arith.constant 0 : i32
    %scan3A_30 = arith.constant 4 : i32
    %scan3A_31 = arith.addi %scan3A_29, %scan3A_30 : i32
    %scan3A_32 = arith.constant 1 : i32
    %scan3A_33 = scf.for %scan3A_35 = %scan3A_29 to %scan3A_31 step %scan3A_32 iter_args(%scan3A_36 = %scan3A) -> (i32)  : i32 {
      %mul3A_37 = arith.constant 2 : i32
      %mul3A_38 = arith.muli %scan3A_35, %mul3A_37 : i32
      %add3A_39 = arith.constant 0 : i32
      %add3A_40 = arith.addi %mul3A_38, %add3A_39 : i32
      %add3A_41 = arith.constant 0 : i32
      %add3A_42 = arith.addi %mul3A_8, %add3A_41 : i32
      %dma_wait3A = arith.constant 0 : i32
      %dma_wait3A_43 = tpu.memref_slice %arg2[%shift_right_logical3A_4, %and3A_6, %add3A_42, %dma_wait3A] : memref<2x8x512x512xbf16, #tpu.memory_space<hbm>> -> memref<1x1x32x512xbf16, #tpu.memory_space<hbm>>
      %dma_wait3A_44 = tpu.memref_squeeze %dma_wait3A_43 : memref<1x1x32x512xbf16, #tpu.memory_space<hbm>> -> memref<32x512xbf16, #tpu.memory_space<hbm>>
      %dma_wait3A_45 = arith.constant 0 : i32
      %dma_wait3A_46 = tpu.memref_slice %arg2[%shift_right_logical3A_4, %and3A_6, %add3A_42, %dma_wait3A_45] : memref<2x8x512x512xbf16, #tpu.memory_space<hbm>> -> memref<1x1x32x512xbf16, #tpu.memory_space<hbm>>
      %dma_wait3A_47 = tpu.memref_squeeze %dma_wait3A_46 : memref<1x1x32x512xbf16, #tpu.memory_space<hbm>> -> memref<32x512xbf16, #tpu.memory_space<hbm>>
      tpu.wait_dma2 semaphore(%arg7 : memref<!tpu.dma_semaphore, #tpu.memory_space<semaphore_mem>>) src(%dma_wait3A_47 : memref<32x512xbf16, #tpu.memory_space<hbm>>) dst(%arg4 : memref<32x512xbf16, #tpu.memory_space<vmem>>)
      %parallel_loop3A_48 = arith.constant 0 : i32
      %parallel_loop3A_49 = arith.constant 512 : i32
      %parallel_loop3A_50 = arith.constant 1 : i32
      scf.for %parallel_loop3A_78 = %parallel_loop3A_48 to %parallel_loop3A_49 step %parallel_loop3A_50  : i32 {
        %parallel_loop3A_79 = arith.constant 4 : i32
        %parallel_loop3A_80 = arith.shrsi %parallel_loop3A_78, %parallel_loop3A_79 : i32
        %parallel_loop3A_81 = arith.constant 15 : i32
        %parallel_loop3A_82 = arith.andi %parallel_loop3A_78, %parallel_loop3A_81 : i32
        %parallel_loop3A_83 = arith.constant 32 : i32
        %parallel_loop3A_84 = arith.muli %parallel_loop3A_82, %parallel_loop3A_83 : i32
        %parallel_loop3A_85 = arith.index_cast %parallel_loop3A_80 : i32 to index
        %parallel_loop3A_86 = arith.index_cast %parallel_loop3A_84 : i32 to index
        %parallel_loop3A_87 = tpu.vector_load %arg4[%parallel_loop3A_85, %parallel_loop3A_86] {strides = array<i32>} : memref<32x512xbf16, #tpu.memory_space<vmem>>, vector<32xbf16>,
        %parallel_loop3A_88 = vector.bitcast %parallel_loop3A_87 : vector<32xbf16> to vector<16xi32>
        %parallel_loop3A_89 = arith.constant 19 : i32
        %parallel_loop3A_90 = vector.broadcast %parallel_loop3A_89 : i32 to vector<16xi32>
        %parallel_loop3A_91 = arith.shrui %parallel_loop3A_88, %parallel_loop3A_90 : vector<16xi32>
        %parallel_loop3A_92 = arith.constant 2047 : i32
        %parallel_loop3A_93 = vector.broadcast %parallel_loop3A_92 : i32 to vector<16xi32>
        %parallel_loop3A_94 = arith.minsi %parallel_loop3A_91, %parallel_loop3A_93 : vector<16xi32>
        %parallel_loop3A_95 = arith.constant 3 : i32
        %parallel_loop3A_96 = vector.broadcast %parallel_loop3A_95 : i32 to vector<16xi32>
        %parallel_loop3A_97 = arith.shrui %parallel_loop3A_88, %parallel_loop3A_96 : vector<16xi32>
        %parallel_loop3A_98 = arith.constant 8191 : i32
        %parallel_loop3A_99 = vector.broadcast %parallel_loop3A_98 : i32 to vector<16xi32>
        %parallel_loop3A_100 = arith.andi %parallel_loop3A_97, %parallel_loop3A_99 : vector<16xi32>
        %parallel_loop3A_101 = arith.constant 2047 : i32
        %parallel_loop3A_102 = vector.broadcast %parallel_loop3A_101 : i32 to vector<16xi32>
        %parallel_loop3A_103 = arith.minsi %parallel_loop3A_100, %parallel_loop3A_102 : vector<16xi32>
        %parallel_loop3A_104 = arith.constant 4 : i32
        %parallel_loop3A_105 = vector.broadcast %parallel_loop3A_104 : i32 to vector<16xi32>
        %parallel_loop3A_106 = arith.shli %parallel_loop3A_103, %parallel_loop3A_105 : vector<16xi32>
        %parallel_loop3A_107 = arith.addi %parallel_loop3A_106, %iota3A : vector<16xi32>
        tpu.vector_store_idx %arg6[%parallel_loop3A_107], %broadcast_in_dim3A_11 {add = true} : memref<32768xi32, #tpu.memory_space<vmem>>[vector<16xi32>], vector<16xi32>,
        %parallel_loop3A_108 = arith.constant 4 : i32
        %parallel_loop3A_109 = vector.broadcast %parallel_loop3A_108 : i32 to vector<16xi32>
        %parallel_loop3A_110 = arith.shli %parallel_loop3A_94, %parallel_loop3A_109 : vector<16xi32>
        %parallel_loop3A_111 = arith.addi %parallel_loop3A_110, %iota3A : vector<16xi32>
        tpu.vector_store_idx %arg6[%parallel_loop3A_111], %broadcast_in_dim3A_11 {add = true} : memref<32768xi32, #tpu.memory_space<vmem>>[vector<16xi32>], vector<16xi32>,
      } {sc.loop_unroll_factor = 8 : i64, sc.parallel_access}
      %add3A_51 = arith.constant 2 : i32
      %add3A_52 = arith.addi %add3A_40, %add3A_51 : i32
      %lt3A = arith.constant 8 : i32
      %lt3A_53 = arith.cmpi slt, %add3A_52, %lt3A : i32
      %convert_element_type3A = arith.extui %lt3A_53 : i1 to i32
      %cond3A = arith.constant 0 : i32
      %cond3A_54 = arith.cmpi ne, %convert_element_type3A, %cond3A : i32
      scf.if %cond3A_54 {
        %add3A_78 = arith.constant 2 : i32
        %add3A_79 = arith.addi %add3A_40, %add3A_78 : i32
        %mul3A_80 = arith.constant 32 : i32
        %mul3A_81 = arith.muli %add3A_79, %mul3A_80 : i32
        %add3A_82 = arith.addi %mul3A_8, %mul3A_81 : i32
        %dma_start3A_83 = arith.constant 0 : i32
        %dma_start3A_84 = tpu.memref_slice %arg2[%shift_right_logical3A_4, %and3A_6, %add3A_82, %dma_start3A_83] : memref<2x8x512x512xbf16, #tpu.memory_space<hbm>> -> memref<1x1x32x512xbf16, #tpu.memory_space<hbm>>
        %dma_start3A_85 = tpu.memref_squeeze %dma_start3A_84 : memref<1x1x32x512xbf16, #tpu.memory_space<hbm>> -> memref<32x512xbf16, #tpu.memory_space<hbm>>
        %dma_start3A_86 = arith.constant 0 : i32
        %dma_start3A_87 = tpu.memref_slice %arg2[%shift_right_logical3A_4, %and3A_6, %add3A_82, %dma_start3A_86] : memref<2x8x512x512xbf16, #tpu.memory_space<hbm>> -> memref<1x1x32x512xbf16, #tpu.memory_space<hbm>>
        %dma_start3A_88 = tpu.memref_squeeze %dma_start3A_87 : memref<1x1x32x512xbf16, #tpu.memory_space<hbm>> -> memref<32x512xbf16, #tpu.memory_space<hbm>>
        tpu.enqueue_dma source(%dma_start3A_88 : memref<32x512xbf16, #tpu.memory_space<hbm>>) target(%arg4 : memref<32x512xbf16, #tpu.memory_space<vmem>>) target_semaphore(%arg7 : memref<!tpu.dma_semaphore, #tpu.memory_space<semaphore_mem>>)
      } else {
      }
      %mul3A_55 = arith.constant 2 : i32
      %mul3A_56 = arith.muli %scan3A_35, %mul3A_55 : i32
      %add3A_57 = arith.constant 1 : i32
      %add3A_58 = arith.addi %mul3A_56, %add3A_57 : i32
      %add3A_59 = arith.constant 0 : i32
      %add3A_60 = arith.addi %mul3A_8, %add3A_59 : i32
      %dma_wait3A_61 = arith.constant 0 : i32
      %dma_wait3A_62 = tpu.memref_slice %arg2[%shift_right_logical3A_4, %and3A_6, %add3A_60, %dma_wait3A_61] : memref<2x8x512x512xbf16, #tpu.memory_space<hbm>> -> memref<1x1x32x512xbf16, #tpu.memory_space<hbm>>
      %dma_wait3A_63 = tpu.memref_squeeze %dma_wait3A_62 : memref<1x1x32x512xbf16, #tpu.memory_space<hbm>> -> memref<32x512xbf16, #tpu.memory_space<hbm>>
      %dma_wait3A_64 = arith.constant 0 : i32
      %dma_wait3A_65 = tpu.memref_slice %arg2[%shift_right_logical3A_4, %and3A_6, %add3A_60, %dma_wait3A_64] : memref<2x8x512x512xbf16, #tpu.memory_space<hbm>> -> memref<1x1x32x512xbf16, #tpu.memory_space<hbm>>
      %dma_wait3A_66 = tpu.memref_squeeze %dma_wait3A_65 : memref<1x1x32x512xbf16, #tpu.memory_space<hbm>> -> memref<32x512xbf16, #tpu.memory_space<hbm>>
      tpu.wait_dma2 semaphore(%arg8 : memref<!tpu.dma_semaphore, #tpu.memory_space<semaphore_mem>>) src(%dma_wait3A_66 : memref<32x512xbf16, #tpu.memory_space<hbm>>) dst(%arg5 : memref<32x512xbf16, #tpu.memory_space<vmem>>)
      %parallel_loop3A_67 = arith.constant 0 : i32
      %parallel_loop3A_68 = arith.constant 512 : i32
      %parallel_loop3A_69 = arith.constant 1 : i32
      scf.for %parallel_loop3A_78 = %parallel_loop3A_67 to %parallel_loop3A_68 step %parallel_loop3A_69  : i32 {
        %parallel_loop3A_79 = arith.constant 4 : i32
        %parallel_loop3A_80 = arith.shrsi %parallel_loop3A_78, %parallel_loop3A_79 : i32
        %parallel_loop3A_81 = arith.constant 15 : i32
        %parallel_loop3A_82 = arith.andi %parallel_loop3A_78, %parallel_loop3A_81 : i32
        %parallel_loop3A_83 = arith.constant 32 : i32
        %parallel_loop3A_84 = arith.muli %parallel_loop3A_82, %parallel_loop3A_83 : i32
        %parallel_loop3A_85 = arith.index_cast %parallel_loop3A_80 : i32 to index
        %parallel_loop3A_86 = arith.index_cast %parallel_loop3A_84 : i32 to index
        %parallel_loop3A_87 = tpu.vector_load %arg5[%parallel_loop3A_85, %parallel_loop3A_86] {strides = array<i32>} : memref<32x512xbf16, #tpu.memory_space<vmem>>, vector<32xbf16>,
        %parallel_loop3A_88 = vector.bitcast %parallel_loop3A_87 : vector<32xbf16> to vector<16xi32>
        %parallel_loop3A_89 = arith.constant 19 : i32
        %parallel_loop3A_90 = vector.broadcast %parallel_loop3A_89 : i32 to vector<16xi32>
        %parallel_loop3A_91 = arith.shrui %parallel_loop3A_88, %parallel_loop3A_90 : vector<16xi32>
        %parallel_loop3A_92 = arith.constant 2047 : i32
        %parallel_loop3A_93 = vector.broadcast %parallel_loop3A_92 : i32 to vector<16xi32>
        %parallel_loop3A_94 = arith.minsi %parallel_loop3A_91, %parallel_loop3A_93 : vector<16xi32>
        %parallel_loop3A_95 = arith.constant 3 : i32
        %parallel_loop3A_96 = vector.broadcast %parallel_loop3A_95 : i32 to vector<16xi32>
        %parallel_loop3A_97 = arith.shrui %parallel_loop3A_88, %parallel_loop3A_96 : vector<16xi32>
        %parallel_loop3A_98 = arith.constant 8191 : i32
        %parallel_loop3A_99 = vector.broadcast %parallel_loop3A_98 : i32 to vector<16xi32>
        %parallel_loop3A_100 = arith.andi %parallel_loop3A_97, %parallel_loop3A_99 : vector<16xi32>
        %parallel_loop3A_101 = arith.constant 2047 : i32
        %parallel_loop3A_102 = vector.broadcast %parallel_loop3A_101 : i32 to vector<16xi32>
        %parallel_loop3A_103 = arith.minsi %parallel_loop3A_100, %parallel_loop3A_102 : vector<16xi32>
        %parallel_loop3A_104 = arith.constant 4 : i32
        %parallel_loop3A_105 = vector.broadcast %parallel_loop3A_104 : i32 to vector<16xi32>
        %parallel_loop3A_106 = arith.shli %parallel_loop3A_103, %parallel_loop3A_105 : vector<16xi32>
        %parallel_loop3A_107 = arith.addi %parallel_loop3A_106, %iota3A : vector<16xi32>
        tpu.vector_store_idx %arg6[%parallel_loop3A_107], %broadcast_in_dim3A_11 {add = true} : memref<32768xi32, #tpu.memory_space<vmem>>[vector<16xi32>], vector<16xi32>,
        %parallel_loop3A_108 = arith.constant 4 : i32
        %parallel_loop3A_109 = vector.broadcast %parallel_loop3A_108 : i32 to vector<16xi32>
        %parallel_loop3A_110 = arith.shli %parallel_loop3A_94, %parallel_loop3A_109 : vector<16xi32>
        %parallel_loop3A_111 = arith.addi %parallel_loop3A_110, %iota3A : vector<16xi32>
        tpu.vector_store_idx %arg6[%parallel_loop3A_111], %broadcast_in_dim3A_11 {add = true} : memref<32768xi32, #tpu.memory_space<vmem>>[vector<16xi32>], vector<16xi32>,
      } {sc.loop_unroll_factor = 8 : i64, sc.parallel_access}
      %add3A_70 = arith.constant 2 : i32
      %add3A_71 = arith.addi %add3A_58, %add3A_70 : i32
      %lt3A_72 = arith.constant 8 : i32
      %lt3A_73 = arith.cmpi slt, %add3A_71, %lt3A_72 : i32
      %convert_element_type3A_74 = arith.extui %lt3A_73 : i1 to i32
      %cond3A_75 = arith.constant 0 : i32
      %cond3A_76 = arith.cmpi ne, %convert_element_type3A_74, %cond3A_75 : i32
      scf.if %cond3A_76 {
        %add3A_78 = arith.constant 2 : i32
        %add3A_79 = arith.addi %add3A_58, %add3A_78 : i32
        %mul3A_80 = arith.constant 32 : i32
        %mul3A_81 = arith.muli %add3A_79, %mul3A_80 : i32
        %add3A_82 = arith.addi %mul3A_8, %mul3A_81 : i32
        %dma_start3A_83 = arith.constant 0 : i32
        %dma_start3A_84 = tpu.memref_slice %arg2[%shift_right_logical3A_4, %and3A_6, %add3A_82, %dma_start3A_83] : memref<2x8x512x512xbf16, #tpu.memory_space<hbm>> -> memref<1x1x32x512xbf16, #tpu.memory_space<hbm>>
        %dma_start3A_85 = tpu.memref_squeeze %dma_start3A_84 : memref<1x1x32x512xbf16, #tpu.memory_space<hbm>> -> memref<32x512xbf16, #tpu.memory_space<hbm>>
        %dma_start3A_86 = arith.constant 0 : i32
        %dma_start3A_87 = tpu.memref_slice %arg2[%shift_right_logical3A_4, %and3A_6, %add3A_82, %dma_start3A_86] : memref<2x8x512x512xbf16, #tpu.memory_space<hbm>> -> memref<1x1x32x512xbf16, #tpu.memory_space<hbm>>
        %dma_start3A_88 = tpu.memref_squeeze %dma_start3A_87 : memref<1x1x32x512xbf16, #tpu.memory_space<hbm>> -> memref<32x512xbf16, #tpu.memory_space<hbm>>
        tpu.enqueue_dma source(%dma_start3A_88 : memref<32x512xbf16, #tpu.memory_space<hbm>>) target(%arg5 : memref<32x512xbf16, #tpu.memory_space<vmem>>) target_semaphore(%arg8 : memref<!tpu.dma_semaphore, #tpu.memory_space<semaphore_mem>>)
      } else {
      }
      %scan3A_77 = arith.constant 0 : i32
      scf.yield %scan3A_77 : i32
    }
    %scan3A_34 = arith.constant 4 : i32
    "tpu.region"() ({
      %run_scoped3A = tpu.sem_alloc : memref<!tpu.dma_semaphore, #tpu.memory_space<semaphore_mem>>
      %dma_start3A_35 = arith.constant 0 : i32
      %dma_start3A_36 = tpu.memref_slice %arg3[%add3A, %dma_start3A_35] : memref<32x32768xi32, #tpu.memory_space<hbm>> -> memref<1x32768xi32, #tpu.memory_space<hbm>>
      %dma_start3A_37 = tpu.memref_squeeze %dma_start3A_36 : memref<1x32768xi32, #tpu.memory_space<hbm>> -> memref<32768xi32, #tpu.memory_space<hbm>>
      %dma_start3A_38 = arith.constant 0 : i32
      %dma_start3A_39 = tpu.memref_slice %arg3[%add3A, %dma_start3A_38] : memref<32x32768xi32, #tpu.memory_space<hbm>> -> memref<1x32768xi32, #tpu.memory_space<hbm>>
      %dma_start3A_40 = tpu.memref_squeeze %dma_start3A_39 : memref<1x32768xi32, #tpu.memory_space<hbm>> -> memref<32768xi32, #tpu.memory_space<hbm>>
      tpu.enqueue_dma source(%arg6 : memref<32768xi32, #tpu.memory_space<vmem>>) target(%dma_start3A_40 : memref<32768xi32, #tpu.memory_space<hbm>>) target_semaphore(%run_scoped3A : memref<!tpu.dma_semaphore, #tpu.memory_space<semaphore_mem>>)
      %dma_wait3A = arith.constant 0 : i32
      %dma_wait3A_41 = tpu.memref_slice %arg3[%add3A, %dma_wait3A] : memref<32x32768xi32, #tpu.memory_space<hbm>> -> memref<1x32768xi32, #tpu.memory_space<hbm>>
      %dma_wait3A_42 = tpu.memref_squeeze %dma_wait3A_41 : memref<1x32768xi32, #tpu.memory_space<hbm>> -> memref<32768xi32, #tpu.memory_space<hbm>>
      %dma_wait3A_43 = arith.constant 0 : i32
      %dma_wait3A_44 = tpu.memref_slice %arg3[%add3A, %dma_wait3A_43] : memref<32x32768xi32, #tpu.memory_space<hbm>> -> memref<1x32768xi32, #tpu.memory_space<hbm>>
      %dma_wait3A_45 = tpu.memref_squeeze %dma_wait3A_44 : memref<1x32768xi32, #tpu.memory_space<hbm>> -> memref<32768xi32, #tpu.memory_space<hbm>>
      tpu.wait_dma2 semaphore(%run_scoped3A : memref<!tpu.dma_semaphore, #tpu.memory_space<semaphore_mem>>) src(%arg6 : memref<32768xi32, #tpu.memory_space<vmem>>) dst(%dma_wait3A_45 : memref<32768xi32, #tpu.memory_space<hbm>>)
      tpu.yield
    }) : () -> ()
    return
  }
}

#map = affine_map<(d0, d1) -> (0, 0, 0, 0)>
#map1 = affine_map<(d0, d1) -> (0, 0)>
module attributes {stable_mosaic.version = 14 : i64} {
  func.func @_stage2_body(%arg0: i32, %arg1: i32, %arg2: memref<2x8x512x512xbf16, #tpu.memory_space<hbm>>, %arg3: memref<32x32768xi32, #tpu.memory_space<hbm>>, %arg4: memref<32x512xbf16, #tpu.memory_space<vmem>>, %arg5: memref<32x512xbf16, #tpu.memory_space<vmem>>, %arg6: memref<32768xi32, #tpu.memory_space<vmem>>, %arg7: memref<!tpu.dma_semaphore, #tpu.memory_space<semaphore_mem>>, %arg8: memref<!tpu.dma_semaphore, #tpu.memory_space<semaphore_mem>>) attributes {dimension_semantics = [#tpu.dimension_semantics<core_parallel>, #tpu.dimension_semantics<subcore_parallel>], iteration_bounds = array<i64: 2, 16>, scalar_prefetch = 0 : i64, scratch_operands = 5 : i64, tpu.core_type = #tpu.core_type<sc_vector_subcore>, window_params = [{transform_indices = #map}, {transform_indices = #map1}]} {
    %mul3A = arith.constant 2 : i32
    %mul3A_0 = arith.muli %arg1, %mul3A : i32
    %add3A = arith.addi %mul3A_0, %arg0 : i32
    %shift_right_logical3A = arith.constant 4 : i32
    %shift_right_logical3A_1 = arith.shrui %add3A, %shift_right_logical3A : i32
    %and3A = arith.constant 15 : i32
    %and3A_2 = arith.andi %add3A, %and3A : i32
    %shift_right_logical3A_3 = arith.constant 3 : i32
    %shift_right_logical3A_4 = arith.shrui %and3A_2, %shift_right_logical3A_3 : i32
    %and3A_5 = arith.constant 7 : i32
    %and3A_6 = arith.andi %and3A_2, %and3A_5 : i32
    %mul3A_7 = arith.constant 256 : i32
    %mul3A_8 = arith.muli %shift_right_logical3A_1, %mul3A_7 : i32
    %broadcast_in_dim3A = arith.constant 0 : i32
    %broadcast_in_dim3A_9 = vector.broadcast %broadcast_in_dim3A : i32 to vector<16xi32>
    %broadcast_in_dim3A_10 = arith.constant 1 : i32
    %broadcast_in_dim3A_11 = vector.broadcast %broadcast_in_dim3A_10 : i32 to vector<16xi32>
    %iota3A = tpu.iota {dimensions = array<i32: 0>} : vector<16xi32>
    %parallel_loop3A = arith.constant 0 : i32
    %parallel_loop3A_12 = arith.constant 2048 : i32
    %parallel_loop3A_13 = arith.constant 1 : i32
    scf.for %parallel_loop3A_35 = %parallel_loop3A to %parallel_loop3A_12 step %parallel_loop3A_13  : i32 {
      %parallel_loop3A_36 = arith.constant 16 : i32
      %parallel_loop3A_37 = arith.muli %parallel_loop3A_35, %parallel_loop3A_36 : i32
      %parallel_loop3A_38 = arith.index_cast %parallel_loop3A_37 : i32 to index
      %parallel_loop3A_39 = tpu.vector_load %arg6[%parallel_loop3A_38] {strides = array<i32>} : memref<32768xi32, #tpu.memory_space<vmem>>, vector<16xi32>,
      tpu.vector_store %arg6[%parallel_loop3A_38], %broadcast_in_dim3A_9 {strides = array<i32>} : memref<32768xi32, #tpu.memory_space<vmem>>, vector<16xi32>,
    } {sc.loop_unroll_factor = 8 : i64, sc.parallel_access}
    %add3A_14 = arith.constant 0 : i32
    %add3A_15 = arith.addi %mul3A_8, %add3A_14 : i32
    %dma_start3A = arith.constant 0 : i32
    %dma_start3A_16 = tpu.memref_slice %arg2[%shift_right_logical3A_4, %and3A_6, %add3A_15, %dma_start3A] : memref<2x8x512x512xbf16, #tpu.memory_space<hbm>> -> memref<1x1x32x512xbf16, #tpu.memory_space<hbm>>
    %dma_start3A_17 = tpu.memref_squeeze %dma_start3A_16 : memref<1x1x32x512xbf16, #tpu.memory_space<hbm>> -> memref<32x512xbf16, #tpu.memory_space<hbm>>
    %dma_start3A_18 = arith.constant 0 : i32
    %dma_start3A_19 = tpu.memref_slice %arg2[%shift_right_logical3A_4, %and3A_6, %add3A_15, %dma_start3A_18] : memref<2x8x512x512xbf16, #tpu.memory_space<hbm>> -> memref<1x1x32x512xbf16, #tpu.memory_space<hbm>>
    %dma_start3A_20 = tpu.memref_squeeze %dma_start3A_19 : memref<1x1x32x512xbf16, #tpu.memory_space<hbm>> -> memref<32x512xbf16, #tpu.memory_space<hbm>>
    tpu.enqueue_dma source(%dma_start3A_20 : memref<32x512xbf16, #tpu.memory_space<hbm>>) target(%arg4 : memref<32x512xbf16, #tpu.memory_space<vmem>>) target_semaphore(%arg7 : memref<!tpu.dma_semaphore, #tpu.memory_space<semaphore_mem>>)
    %add3A_21 = arith.constant 32 : i32
    %add3A_22 = arith.addi %mul3A_8, %add3A_21 : i32
    %dma_start3A_23 = arith.constant 0 : i32
    %dma_start3A_24 = tpu.memref_slice %arg2[%shift_right_logical3A_4, %and3A_6, %add3A_22, %dma_start3A_23] : memref<2x8x512x512xbf16, #tpu.memory_space<hbm>> -> memref<1x1x32x512xbf16, #tpu.memory_space<hbm>>
    %dma_start3A_25 = tpu.memref_squeeze %dma_start3A_24 : memref<1x1x32x512xbf16, #tpu.memory_space<hbm>> -> memref<32x512xbf16, #tpu.memory_space<hbm>>
    %dma_start3A_26 = arith.constant 0 : i32
    %dma_start3A_27 = tpu.memref_slice %arg2[%shift_right_logical3A_4, %and3A_6, %add3A_22, %dma_start3A_26] : memref<2x8x512x512xbf16, #tpu.memory_space<hbm>> -> memref<1x1x32x512xbf16, #tpu.memory_space<hbm>>
    %dma_start3A_28 = tpu.memref_squeeze %dma_start3A_27 : memref<1x1x32x512xbf16, #tpu.memory_space<hbm>> -> memref<32x512xbf16, #tpu.memory_space<hbm>>
    tpu.enqueue_dma source(%dma_start3A_28 : memref<32x512xbf16, #tpu.memory_space<hbm>>) target(%arg5 : memref<32x512xbf16, #tpu.memory_space<vmem>>) target_semaphore(%arg8 : memref<!tpu.dma_semaphore, #tpu.memory_space<semaphore_mem>>)
    %scan3A = arith.constant 0 : i32
    %scan3A_29 = arith.constant 0 : i32
    %scan3A_30 = arith.constant 4 : i32
    %scan3A_31 = arith.addi %scan3A_29, %scan3A_30 : i32
    %scan3A_32 = arith.constant 1 : i32
    %scan3A_33 = scf.for %scan3A_35 = %scan3A_29 to %scan3A_31 step %scan3A_32 iter_args(%scan3A_36 = %scan3A) -> (i32)  : i32 {
      %mul3A_37 = arith.constant 2 : i32
      %mul3A_38 = arith.muli %scan3A_35, %mul3A_37 : i32
      %add3A_39 = arith.constant 0 : i32
      %add3A_40 = arith.addi %mul3A_38, %add3A_39 : i32
      %add3A_41 = arith.constant 0 : i32
      %add3A_42 = arith.addi %mul3A_8, %add3A_41 : i32
      %dma_wait3A = arith.constant 0 : i32
      %dma_wait3A_43 = tpu.memref_slice %arg2[%shift_right_logical3A_4, %and3A_6, %add3A_42, %dma_wait3A] : memref<2x8x512x512xbf16, #tpu.memory_space<hbm>> -> memref<1x1x32x512xbf16, #tpu.memory_space<hbm>>
      %dma_wait3A_44 = tpu.memref_squeeze %dma_wait3A_43 : memref<1x1x32x512xbf16, #tpu.memory_space<hbm>> -> memref<32x512xbf16, #tpu.memory_space<hbm>>
      %dma_wait3A_45 = arith.constant 0 : i32
      %dma_wait3A_46 = tpu.memref_slice %arg2[%shift_right_logical3A_4, %and3A_6, %add3A_42, %dma_wait3A_45] : memref<2x8x512x512xbf16, #tpu.memory_space<hbm>> -> memref<1x1x32x512xbf16, #tpu.memory_space<hbm>>
      %dma_wait3A_47 = tpu.memref_squeeze %dma_wait3A_46 : memref<1x1x32x512xbf16, #tpu.memory_space<hbm>> -> memref<32x512xbf16, #tpu.memory_space<hbm>>
      tpu.wait_dma2 semaphore(%arg7 : memref<!tpu.dma_semaphore, #tpu.memory_space<semaphore_mem>>) src(%dma_wait3A_47 : memref<32x512xbf16, #tpu.memory_space<hbm>>) dst(%arg4 : memref<32x512xbf16, #tpu.memory_space<vmem>>)
      %parallel_loop3A_48 = arith.constant 0 : i32
      %parallel_loop3A_49 = arith.constant 512 : i32
      %parallel_loop3A_50 = arith.constant 1 : i32
      scf.for %parallel_loop3A_78 = %parallel_loop3A_48 to %parallel_loop3A_49 step %parallel_loop3A_50  : i32 {
        %parallel_loop3A_79 = arith.constant 4 : i32
        %parallel_loop3A_80 = arith.shrsi %parallel_loop3A_78, %parallel_loop3A_79 : i32
        %parallel_loop3A_81 = arith.constant 15 : i32
        %parallel_loop3A_82 = arith.andi %parallel_loop3A_78, %parallel_loop3A_81 : i32
        %parallel_loop3A_83 = arith.constant 32 : i32
        %parallel_loop3A_84 = arith.muli %parallel_loop3A_82, %parallel_loop3A_83 : i32
        %parallel_loop3A_85 = arith.index_cast %parallel_loop3A_80 : i32 to index
        %parallel_loop3A_86 = arith.index_cast %parallel_loop3A_84 : i32 to index
        %parallel_loop3A_87 = tpu.vector_load %arg4[%parallel_loop3A_85, %parallel_loop3A_86] {strides = array<i32>} : memref<32x512xbf16, #tpu.memory_space<vmem>>, vector<32xbf16>,
        %parallel_loop3A_88 = vector.bitcast %parallel_loop3A_87 : vector<32xbf16> to vector<16xi32>
        %parallel_loop3A_89 = arith.constant 19 : i32
        %parallel_loop3A_90 = vector.broadcast %parallel_loop3A_89 : i32 to vector<16xi32>
        %parallel_loop3A_91 = arith.shrui %parallel_loop3A_88, %parallel_loop3A_90 : vector<16xi32>
        %parallel_loop3A_92 = arith.constant 2047 : i32
        %parallel_loop3A_93 = vector.broadcast %parallel_loop3A_92 : i32 to vector<16xi32>
        %parallel_loop3A_94 = arith.minsi %parallel_loop3A_91, %parallel_loop3A_93 : vector<16xi32>
        %parallel_loop3A_95 = arith.constant 3 : i32
        %parallel_loop3A_96 = vector.broadcast %parallel_loop3A_95 : i32 to vector<16xi32>
        %parallel_loop3A_97 = arith.shrui %parallel_loop3A_88, %parallel_loop3A_96 : vector<16xi32>
        %parallel_loop3A_98 = arith.constant 8191 : i32
        %parallel_loop3A_99 = vector.broadcast %parallel_loop3A_98 : i32 to vector<16xi32>
        %parallel_loop3A_100 = arith.andi %parallel_loop3A_97, %parallel_loop3A_99 : vector<16xi32>
        %parallel_loop3A_101 = arith.constant 2047 : i32
        %parallel_loop3A_102 = vector.broadcast %parallel_loop3A_101 : i32 to vector<16xi32>
        %parallel_loop3A_103 = arith.minsi %parallel_loop3A_100, %parallel_loop3A_102 : vector<16xi32>
        %parallel_loop3A_104 = arith.constant 4 : i32
        %parallel_loop3A_105 = vector.broadcast %parallel_loop3A_104 : i32 to vector<16xi32>
        %parallel_loop3A_106 = arith.shli %parallel_loop3A_103, %parallel_loop3A_105 : vector<16xi32>
        %parallel_loop3A_107 = arith.addi %parallel_loop3A_106, %iota3A : vector<16xi32>
        tpu.vector_store_idx %arg6[%parallel_loop3A_107], %broadcast_in_dim3A_11 {add = true} : memref<32768xi32, #tpu.memory_space<vmem>>[vector<16xi32>], vector<16xi32>,
        %parallel_loop3A_108 = arith.constant 4 : i32
        %parallel_loop3A_109 = vector.broadcast %parallel_loop3A_108 : i32 to vector<16xi32>
        %parallel_loop3A_110 = arith.shli %parallel_loop3A_94, %parallel_loop3A_109 : vector<16xi32>
        %parallel_loop3A_111 = arith.addi %parallel_loop3A_110, %iota3A : vector<16xi32>
        tpu.vector_store_idx %arg6[%parallel_loop3A_111], %broadcast_in_dim3A_11 {add = true} : memref<32768xi32, #tpu.memory_space<vmem>>[vector<16xi32>], vector<16xi32>,
      } {sc.loop_unroll_factor = 8 : i64, sc.parallel_access}
      %add3A_51 = arith.constant 2 : i32
      %add3A_52 = arith.addi %add3A_40, %add3A_51 : i32
      %lt3A = arith.constant 8 : i32
      %lt3A_53 = arith.cmpi slt, %add3A_52, %lt3A : i32
      %convert_element_type3A = arith.extui %lt3A_53 : i1 to i32
      %cond3A = arith.constant 0 : i32
      %cond3A_54 = arith.cmpi ne, %convert_element_type3A, %cond3A : i32
      scf.if %cond3A_54 {
        %add3A_78 = arith.constant 2 : i32
        %add3A_79 = arith.addi %add3A_40, %add3A_78 : i32
        %mul3A_80 = arith.constant 32 : i32
        %mul3A_81 = arith.muli %add3A_79, %mul3A_80 : i32
        %add3A_82 = arith.addi %mul3A_8, %mul3A_81 : i32
        %dma_start3A_83 = arith.constant 0 : i32
        %dma_start3A_84 = tpu.memref_slice %arg2[%shift_right_logical3A_4, %and3A_6, %add3A_82, %dma_start3A_83] : memref<2x8x512x512xbf16, #tpu.memory_space<hbm>> -> memref<1x1x32x512xbf16, #tpu.memory_space<hbm>>
        %dma_start3A_85 = tpu.memref_squeeze %dma_start3A_84 : memref<1x1x32x512xbf16, #tpu.memory_space<hbm>> -> memref<32x512xbf16, #tpu.memory_space<hbm>>
        %dma_start3A_86 = arith.constant 0 : i32
        %dma_start3A_87 = tpu.memref_slice %arg2[%shift_right_logical3A_4, %and3A_6, %add3A_82, %dma_start3A_86] : memref<2x8x512x512xbf16, #tpu.memory_space<hbm>> -> memref<1x1x32x512xbf16, #tpu.memory_space<hbm>>
        %dma_start3A_88 = tpu.memref_squeeze %dma_start3A_87 : memref<1x1x32x512xbf16, #tpu.memory_space<hbm>> -> memref<32x512xbf16, #tpu.memory_space<hbm>>
        tpu.enqueue_dma source(%dma_start3A_88 : memref<32x512xbf16, #tpu.memory_space<hbm>>) target(%arg4 : memref<32x512xbf16, #tpu.memory_space<vmem>>) target_semaphore(%arg7 : memref<!tpu.dma_semaphore, #tpu.memory_space<semaphore_mem>>)
      } else {
      }
      %mul3A_55 = arith.constant 2 : i32
      %mul3A_56 = arith.muli %scan3A_35, %mul3A_55 : i32
      %add3A_57 = arith.constant 1 : i32
      %add3A_58 = arith.addi %mul3A_56, %add3A_57 : i32
      %add3A_59 = arith.constant 0 : i32
      %add3A_60 = arith.addi %mul3A_8, %add3A_59 : i32
      %dma_wait3A_61 = arith.constant 0 : i32
      %dma_wait3A_62 = tpu.memref_slice %arg2[%shift_right_logical3A_4, %and3A_6, %add3A_60, %dma_wait3A_61] : memref<2x8x512x512xbf16, #tpu.memory_space<hbm>> -> memref<1x1x32x512xbf16, #tpu.memory_space<hbm>>
      %dma_wait3A_63 = tpu.memref_squeeze %dma_wait3A_62 : memref<1x1x32x512xbf16, #tpu.memory_space<hbm>> -> memref<32x512xbf16, #tpu.memory_space<hbm>>
      %dma_wait3A_64 = arith.constant 0 : i32
      %dma_wait3A_65 = tpu.memref_slice %arg2[%shift_right_logical3A_4, %and3A_6, %add3A_60, %dma_wait3A_64] : memref<2x8x512x512xbf16, #tpu.memory_space<hbm>> -> memref<1x1x32x512xbf16, #tpu.memory_space<hbm>>
      %dma_wait3A_66 = tpu.memref_squeeze %dma_wait3A_65 : memref<1x1x32x512xbf16, #tpu.memory_space<hbm>> -> memref<32x512xbf16, #tpu.memory_space<hbm>>
      tpu.wait_dma2 semaphore(%arg8 : memref<!tpu.dma_semaphore, #tpu.memory_space<semaphore_mem>>) src(%dma_wait3A_66 : memref<32x512xbf16, #tpu.memory_space<hbm>>) dst(%arg5 : memref<32x512xbf16, #tpu.memory_space<vmem>>)
      %parallel_loop3A_67 = arith.constant 0 : i32
      %parallel_loop3A_68 = arith.constant 512 : i32
      %parallel_loop3A_69 = arith.constant 1 : i32
      scf.for %parallel_loop3A_78 = %parallel_loop3A_67 to %parallel_loop3A_68 step %parallel_loop3A_69  : i32 {
        %parallel_loop3A_79 = arith.constant 4 : i32
        %parallel_loop3A_80 = arith.shrsi %parallel_loop3A_78, %parallel_loop3A_79 : i32
        %parallel_loop3A_81 = arith.constant 15 : i32
        %parallel_loop3A_82 = arith.andi %parallel_loop3A_78, %parallel_loop3A_81 : i32
        %parallel_loop3A_83 = arith.constant 32 : i32
        %parallel_loop3A_84 = arith.muli %parallel_loop3A_82, %parallel_loop3A_83 : i32
        %parallel_loop3A_85 = arith.index_cast %parallel_loop3A_80 : i32 to index
        %parallel_loop3A_86 = arith.index_cast %parallel_loop3A_84 : i32 to index
        %parallel_loop3A_87 = tpu.vector_load %arg5[%parallel_loop3A_85, %parallel_loop3A_86] {strides = array<i32>} : memref<32x512xbf16, #tpu.memory_space<vmem>>, vector<32xbf16>,
        %parallel_loop3A_88 = vector.bitcast %parallel_loop3A_87 : vector<32xbf16> to vector<16xi32>
        %parallel_loop3A_89 = arith.constant 19 : i32
        %parallel_loop3A_90 = vector.broadcast %parallel_loop3A_89 : i32 to vector<16xi32>
        %parallel_loop3A_91 = arith.shrui %parallel_loop3A_88, %parallel_loop3A_90 : vector<16xi32>
        %parallel_loop3A_92 = arith.constant 2047 : i32
        %parallel_loop3A_93 = vector.broadcast %parallel_loop3A_92 : i32 to vector<16xi32>
        %parallel_loop3A_94 = arith.minsi %parallel_loop3A_91, %parallel_loop3A_93 : vector<16xi32>
        %parallel_loop3A_95 = arith.constant 3 : i32
        %parallel_loop3A_96 = vector.broadcast %parallel_loop3A_95 : i32 to vector<16xi32>
        %parallel_loop3A_97 = arith.shrui %parallel_loop3A_88, %parallel_loop3A_96 : vector<16xi32>
        %parallel_loop3A_98 = arith.constant 8191 : i32
        %parallel_loop3A_99 = vector.broadcast %parallel_loop3A_98 : i32 to vector<16xi32>
        %parallel_loop3A_100 = arith.andi %parallel_loop3A_97, %parallel_loop3A_99 : vector<16xi32>
        %parallel_loop3A_101 = arith.constant 2047 : i32
        %parallel_loop3A_102 = vector.broadcast %parallel_loop3A_101 : i32 to vector<16xi32>
        %parallel_loop3A_103 = arith.minsi %parallel_loop3A_100, %parallel_loop3A_102 : vector<16xi32>
        %parallel_loop3A_104 = arith.constant 4 : i32
        %parallel_loop3A_105 = vector.broadcast %parallel_loop3A_104 : i32 to vector<16xi32>
        %parallel_loop3A_106 = arith.shli %parallel_loop3A_103, %parallel_loop3A_105 : vector<16xi32>
        %parallel_loop3A_107 = arith.addi %parallel_loop3A_106, %iota3A : vector<16xi32>
        tpu.vector_store_idx %arg6[%parallel_loop3A_107], %broadcast_in_dim3A_11 {add = true} : memref<32768xi32, #tpu.memory_space<vmem>>[vector<16xi32>], vector<16xi32>,
        %parallel_loop3A_108 = arith.constant 4 : i32
        %parallel_loop3A_109 = vector.broadcast %parallel_loop3A_108 : i32 to vector<16xi32>
        %parallel_loop3A_110 = arith.shli %parallel_loop3A_94, %parallel_loop3A_109 : vector<16xi32>
        %parallel_loop3A_111 = arith.addi %parallel_loop3A_110, %iota3A : vector<16xi32>
        tpu.vector_store_idx %arg6[%parallel_loop3A_111], %broadcast_in_dim3A_11 {add = true} : memref<32768xi32, #tpu.memory_space<vmem>>[vector<16xi32>], vector<16xi32>,
      } {sc.loop_unroll_factor = 8 : i64, sc.parallel_access}
      %add3A_70 = arith.constant 2 : i32
      %add3A_71 = arith.addi %add3A_58, %add3A_70 : i32
      %lt3A_72 = arith.constant 8 : i32
      %lt3A_73 = arith.cmpi slt, %add3A_71, %lt3A_72 : i32
      %convert_element_type3A_74 = arith.extui %lt3A_73 : i1 to i32
      %cond3A_75 = arith.constant 0 : i32
      %cond3A_76 = arith.cmpi ne, %convert_element_type3A_74, %cond3A_75 : i32
      scf.if %cond3A_76 {
        %add3A_78 = arith.constant 2 : i32
        %add3A_79 = arith.addi %add3A_58, %add3A_78 : i32
        %mul3A_80 = arith.constant 32 : i32
        %mul3A_81 = arith.muli %add3A_79, %mul3A_80 : i32
        %add3A_82 = arith.addi %mul3A_8, %mul3A_81 : i32
        %dma_start3A_83 = arith.constant 0 : i32
        %dma_start3A_84 = tpu.memref_slice %arg2[%shift_right_logical3A_4, %and3A_6, %add3A_82, %dma_start3A_83] : memref<2x8x512x512xbf16, #tpu.memory_space<hbm>> -> memref<1x1x32x512xbf16, #tpu.memory_space<hbm>>
        %dma_start3A_85 = tpu.memref_squeeze %dma_start3A_84 : memref<1x1x32x512xbf16, #tpu.memory_space<hbm>> -> memref<32x512xbf16, #tpu.memory_space<hbm>>
        %dma_start3A_86 = arith.constant 0 : i32
        %dma_start3A_87 = tpu.memref_slice %arg2[%shift_right_logical3A_4, %and3A_6, %add3A_82, %dma_start3A_86] : memref<2x8x512x512xbf16, #tpu.memory_space<hbm>> -> memref<1x1x32x512xbf16, #tpu.memory_space<hbm>>
        %dma_start3A_88 = tpu.memref_squeeze %dma_start3A_87 : memref<1x1x32x512xbf16, #tpu.memory_space<hbm>> -> memref<32x512xbf16, #tpu.memory_space<hbm>>
        tpu.enqueue_dma source(%dma_start3A_88 : memref<32x512xbf16, #tpu.memory_space<hbm>>) target(%arg5 : memref<32x512xbf16, #tpu.memory_space<vmem>>) target_semaphore(%arg8 : memref<!tpu.dma_semaphore, #tpu.memory_space<semaphore_mem>>)
      } else {
      }
      %scan3A_77 = arith.constant 0 : i32
      scf.yield %scan3A_77 : i32
    }
    %scan3A_34 = arith.constant 4 : i32
    "tpu.region"() ({
      %run_scoped3A = tpu.sem_alloc : memref<!tpu.dma_semaphore, #tpu.memory_space<semaphore_mem>>
      %dma_start3A_35 = arith.constant 0 : i32
      %dma_start3A_36 = tpu.memref_slice %arg3[%add3A, %dma_start3A_35] : memref<32x32768xi32, #tpu.memory_space<hbm>> -> memref<1x32768xi32, #tpu.memory_space<hbm>>
      %dma_start3A_37 = tpu.memref_squeeze %dma_start3A_36 : memref<1x32768xi32, #tpu.memory_space<hbm>> -> memref<32768xi32, #tpu.memory_space<hbm>>
      %dma_start3A_38 = arith.constant 0 : i32
      %dma_start3A_39 = tpu.memref_slice %arg3[%add3A, %dma_start3A_38] : memref<32x32768xi32, #tpu.memory_space<hbm>> -> memref<1x32768xi32, #tpu.memory_space<hbm>>
      %dma_start3A_40 = tpu.memref_squeeze %dma_start3A_39 : memref<1x32768xi32, #tpu.memory_space<hbm>> -> memref<32768xi32, #tpu.memory_space<hbm>>
      tpu.enqueue_dma source(%arg6 : memref<32768xi32, #tpu.memory_space<vmem>>) target(%dma_start3A_40 : memref<32768xi32, #tpu.memory_space<hbm>>) target_semaphore(%run_scoped3A : memref<!tpu.dma_semaphore, #tpu.memory_space<semaphore_mem>>)
      %dma_wait3A = arith.constant 0 : i32
      %dma_wait3A_41 = tpu.memref_slice %arg3[%add3A, %dma_wait3A] : memref<32x32768xi32, #tpu.memory_space<hbm>> -> memref<1x32768xi32, #tpu.memory_space<hbm>>
      %dma_wait3A_42 = tpu.memref_squeeze %dma_wait3A_41 : memref<1x32768xi32, #tpu.memory_space<hbm>> -> memref<32768xi32, #tpu.memory_space<hbm>>
      %dma_wait3A_43 = arith.constant 0 : i32
      %dma_wait3A_44 = tpu.memref_slice %arg3[%add3A, %dma_wait3A_43] : memref<32x32768xi32, #tpu.memory_space<hbm>> -> memref<1x32768xi32, #tpu.memory_space<hbm>>
      %dma_wait3A_45 = tpu.memref_squeeze %dma_wait3A_44 : memref<1x32768xi32, #tpu.memory_space<hbm>> -> memref<32768xi32, #tpu.memory_space<hbm>>
      tpu.wait_dma2 semaphore(%run_scoped3A : memref<!tpu.dma_semaphore, #tpu.memory_space<semaphore_mem>>) src(%arg6 : memref<32768xi32, #tpu.memory_space<vmem>>) dst(%dma_wait3A_45 : memref<32768xi32, #tpu.memory_space<hbm>>)
      tpu.yield
    }) : () -> ()
    return
  }
}

module attributes {stable_mosaic.version = 14 : i64} {
  func.func @_stage1_body(%arg0: i32, %arg1: memref<1x512x512xf32, #tpu.memory_space<vmem>>, %arg2: memref<1x512x512xf32, #tpu.memory_space<vmem>>, %arg3: memref<1x512x512xf32, #tpu.memory_space<vmem>>, %arg4: memref<1x512x512xf32, #tpu.memory_space<vmem>>, %arg5: memref<1x512x512xf32, #tpu.memory_space<vmem>>, %arg6: memref<2x1x512x512xbf16, #tpu.memory_space<vmem>>, %arg7: memref<1x8x128xf32, #tpu.memory_space<vmem>>) attributes {dimension_semantics = [#tpu.dimension_semantics<arbitrary>], iteration_bounds = array<i64: 8>, scalar_prefetch = 0 : i64, scratch_operands = 0 : i64, tpu.core_type = #tpu.core_type<tc>, window_params = [{transform_indices = @transform_0, window_bounds = array<i64: 1, 512, 512>}, {transform_indices = @transform_1, window_bounds = array<i64: 1, 512, 512>}, {transform_indices = @transform_2, window_bounds = array<i64: 1, 512, 512>}, {transform_indices = @transform_3, window_bounds = array<i64: 1, 512, 512>}, {transform_indices = @transform_4, window_bounds = array<i64: 1, 512, 512>}, {transform_indices = @transform_5, window_bounds = array<i64: 2, 1, 512, 512>}, {transform_indices = @transform_6, window_bounds = array<i64: 1, 8, 128>}]} {
    %get3A = arith.constant 0 : index
    %get3A_0 = arith.constant 0 : index
    %get3A_1 = arith.constant 0 : index
    %get3A_2 = vector.load %arg1[%get3A, %get3A_0, %get3A_1] : memref<1x512x512xf32, #tpu.memory_space<vmem>>, vector<1x512x512xf32>
    %get3A_3 = vector.shape_cast %get3A_2 : vector<1x512x512xf32> to vector<512x512xf32>
    %get3A_4 = arith.constant 0 : index
    %get3A_5 = arith.constant 0 : index
    %get3A_6 = arith.constant 0 : index
    %get3A_7 = vector.load %arg2[%get3A_4, %get3A_5, %get3A_6] : memref<1x512x512xf32, #tpu.memory_space<vmem>>, vector<1x512x512xf32>
    %get3A_8 = vector.shape_cast %get3A_7 : vector<1x512x512xf32> to vector<512x512xf32>
    %get3A_9 = arith.constant 0 : index
    %get3A_10 = arith.constant 0 : index
    %get3A_11 = arith.constant 0 : index
    %get3A_12 = vector.load %arg5[%get3A_9, %get3A_10, %get3A_11] : memref<1x512x512xf32, #tpu.memory_space<vmem>>, vector<1x512x512xf32>
    %get3A_13 = vector.shape_cast %get3A_12 : vector<1x512x512xf32> to vector<512x512xf32>
    %get3A_14 = arith.constant 0 : index
    %get3A_15 = arith.constant 0 : index
    %get3A_16 = arith.constant 0 : index
    %get3A_17 = vector.load %arg3[%get3A_14, %get3A_15, %get3A_16] : memref<1x512x512xf32, #tpu.memory_space<vmem>>, vector<1x512x512xf32>
    %get3A_18 = vector.shape_cast %get3A_17 : vector<1x512x512xf32> to vector<512x512xf32>
    %sub3A = arith.subf %get3A_18, %get3A_3 : vector<512x512xf32>
    %integer_pow3A = arith.mulf %sub3A, %sub3A : vector<512x512xf32>
    %mul3A = arith.mulf %integer_pow3A, %get3A_13 : vector<512x512xf32>
    %get3A_19 = arith.constant 0 : index
    %get3A_20 = arith.constant 0 : index
    %get3A_21 = arith.constant 0 : index
    %get3A_22 = vector.load %arg4[%get3A_19, %get3A_20, %get3A_21] : memref<1x512x512xf32, #tpu.memory_space<vmem>>, vector<1x512x512xf32>
    %get3A_23 = vector.shape_cast %get3A_22 : vector<1x512x512xf32> to vector<512x512xf32>
    %sub3A_24 = arith.subf %get3A_23, %get3A_8 : vector<512x512xf32>
    %integer_pow3A_25 = arith.mulf %sub3A_24, %sub3A_24 : vector<512x512xf32>
    %mul3A_26 = arith.mulf %integer_pow3A_25, %get3A_13 : vector<512x512xf32>
    %gt3A = arith.constant 1.000000e-01 : f32
    %gt3A_27 = vector.broadcast %gt3A : f32 to vector<512x512xf32>
    %gt3A_28 = arith.cmpf ogt, %get3A_3, %gt3A_27 : vector<512x512xf32>
    %convert_element_type3A = arith.extui %gt3A_28 : vector<512x512xi1> to vector<512x512xi32>
    %convert_element_type3A_29 = arith.sitofp %convert_element_type3A : vector<512x512xi32> to vector<512x512xf32>
    %gt3A_30 = arith.constant 1.000000e-01 : f32
    %gt3A_31 = vector.broadcast %gt3A_30 : f32 to vector<512x512xf32>
    %gt3A_32 = arith.cmpf ogt, %get3A_8, %gt3A_31 : vector<512x512xf32>
    %convert_element_type3A_33 = arith.extui %gt3A_32 : vector<512x512xi1> to vector<512x512xi32>
    %convert_element_type3A_34 = arith.sitofp %convert_element_type3A_33 : vector<512x512xi32> to vector<512x512xf32>
    %sub3A_35 = arith.constant 1.000000e+00 : f32
    %sub3A_36 = vector.broadcast %sub3A_35 : f32 to vector<512x512xf32>
    %sub3A_37 = arith.subf %sub3A_36, %convert_element_type3A_29 : vector<512x512xf32>
    %mul3A_38 = arith.mulf %mul3A, %sub3A_37 : vector<512x512xf32>
    %sub3A_39 = arith.constant 1.000000e+00 : f32
    %sub3A_40 = vector.broadcast %sub3A_39 : f32 to vector<512x512xf32>
    %sub3A_41 = arith.subf %sub3A_40, %convert_element_type3A_34 : vector<512x512xf32>
    %mul3A_42 = arith.mulf %mul3A_26, %sub3A_41 : vector<512x512xf32>
    %convert_element_type3A_43 = arith.truncf %mul3A_38 : vector<512x512xf32> to vector<512x512xbf16>
    %swap3A = arith.constant 0 : index
    %swap3A_44 = arith.constant 0 : index
    %swap3A_45 = arith.constant 0 : index
    %swap3A_46 = arith.constant 0 : index
    %swap3A_47 = vector.load %arg6[%swap3A, %swap3A_44, %swap3A_45, %swap3A_46] : memref<2x1x512x512xbf16, #tpu.memory_space<vmem>>, vector<1x1x512x512xbf16>
    %swap3A_48 = vector.shape_cast %swap3A_47 : vector<1x1x512x512xbf16> to vector<512x512xbf16>
    %swap3A_49 = vector.shape_cast %convert_element_type3A_43 : vector<512x512xbf16> to vector<1x1x512x512xbf16>
    tpu.vector_store %arg6[%swap3A, %swap3A_44, %swap3A_45, %swap3A_46], %swap3A_49 {strides = array<i32>} : memref<2x1x512x512xbf16, #tpu.memory_space<vmem>>, vector<1x1x512x512xbf16>,
    %convert_element_type3A_50 = arith.truncf %mul3A_42 : vector<512x512xf32> to vector<512x512xbf16>
    %swap3A_51 = arith.constant 1 : index
    %swap3A_52 = arith.constant 0 : index
    %swap3A_53 = arith.constant 0 : index
    %swap3A_54 = arith.constant 0 : index
    %swap3A_55 = vector.load %arg6[%swap3A_51, %swap3A_52, %swap3A_53, %swap3A_54] : memref<2x1x512x512xbf16, #tpu.memory_space<vmem>>, vector<1x1x512x512xbf16>
    %swap3A_56 = vector.shape_cast %swap3A_55 : vector<1x1x512x512xbf16> to vector<512x512xbf16>
    %swap3A_57 = vector.shape_cast %convert_element_type3A_50 : vector<512x512xbf16> to vector<1x1x512x512xbf16>
    tpu.vector_store %arg6[%swap3A_51, %swap3A_52, %swap3A_53, %swap3A_54], %swap3A_57 {strides = array<i32>} : memref<2x1x512x512xbf16, #tpu.memory_space<vmem>>, vector<1x1x512x512xbf16>,
    %iota3A = tpu.iota {dimensions = array<i32: 0>} : vector<8x128xi32>
    %iota3A_58 = tpu.iota {dimensions = array<i32: 1>} : vector<8x128xi32>
    %broadcast_in_dim3A = arith.constant 0.000000e+00 : f32
    %broadcast_in_dim3A_59 = vector.broadcast %broadcast_in_dim3A : f32 to vector<8x128xf32>
    %reduce_sum3A = vector.shape_cast %convert_element_type3A_29 : vector<512x512xf32> to vector<1x512x512xf32>
    %reduce_sum3A_60 = arith.constant dense<0.000000e+00> : vector<1xf32>
    %reduce_sum3A_61 = vector.multi_reduction <add>, %reduce_sum3A, %reduce_sum3A_60 [1, 2] : vector<1x512x512xf32> to vector<1xf32>
    %reduce_sum3A_62 = vector.shape_cast %reduce_sum3A_61 : vector<1xf32> to vector<1x1x1xf32>
    %reduce_sum3A_63 = vector.extract %reduce_sum3A_62[0, 0, 0] : f32 from vector<1x1x1xf32>
    %mul3A_64 = arith.mulf %mul3A, %convert_element_type3A_29 : vector<512x512xf32>
    %reduce_sum3A_65 = vector.shape_cast %mul3A_64 : vector<512x512xf32> to vector<1x512x512xf32>
    %reduce_sum3A_66 = arith.constant dense<0.000000e+00> : vector<1xf32>
    %reduce_sum3A_67 = vector.multi_reduction <add>, %reduce_sum3A_65, %reduce_sum3A_66 [1, 2] : vector<1x512x512xf32> to vector<1xf32>
    %reduce_sum3A_68 = vector.shape_cast %reduce_sum3A_67 : vector<1xf32> to vector<1x1x1xf32>
    %reduce_sum3A_69 = vector.extract %reduce_sum3A_68[0, 0, 0] : f32 from vector<1x1x1xf32>
    %reduce_sum3A_70 = vector.shape_cast %mul3A_38 : vector<512x512xf32> to vector<1x512x512xf32>
    %reduce_sum3A_71 = arith.constant dense<0.000000e+00> : vector<1xf32>
    %reduce_sum3A_72 = vector.multi_reduction <add>, %reduce_sum3A_70, %reduce_sum3A_71 [1, 2] : vector<1x512x512xf32> to vector<1xf32>
    %reduce_sum3A_73 = vector.shape_cast %reduce_sum3A_72 : vector<1xf32> to vector<1x1x1xf32>
    %reduce_sum3A_74 = vector.extract %reduce_sum3A_73[0, 0, 0] : f32 from vector<1x1x1xf32>
    %reduce_sum3A_75 = vector.shape_cast %convert_element_type3A_34 : vector<512x512xf32> to vector<1x512x512xf32>
    %reduce_sum3A_76 = arith.constant dense<0.000000e+00> : vector<1xf32>
    %reduce_sum3A_77 = vector.multi_reduction <add>, %reduce_sum3A_75, %reduce_sum3A_76 [1, 2] : vector<1x512x512xf32> to vector<1xf32>
    %reduce_sum3A_78 = vector.shape_cast %reduce_sum3A_77 : vector<1xf32> to vector<1x1x1xf32>
    %reduce_sum3A_79 = vector.extract %reduce_sum3A_78[0, 0, 0] : f32 from vector<1x1x1xf32>
    %mul3A_80 = arith.mulf %mul3A_26, %convert_element_type3A_34 : vector<512x512xf32>
    %reduce_sum3A_81 = vector.shape_cast %mul3A_80 : vector<512x512xf32> to vector<1x512x512xf32>
    %reduce_sum3A_82 = arith.constant dense<0.000000e+00> : vector<1xf32>
    %reduce_sum3A_83 = vector.multi_reduction <add>, %reduce_sum3A_81, %reduce_sum3A_82 [1, 2] : vector<1x512x512xf32> to vector<1xf32>
    %reduce_sum3A_84 = vector.shape_cast %reduce_sum3A_83 : vector<1xf32> to vector<1x1x1xf32>
    %reduce_sum3A_85 = vector.extract %reduce_sum3A_84[0, 0, 0] : f32 from vector<1x1x1xf32>
    %reduce_sum3A_86 = vector.shape_cast %mul3A_42 : vector<512x512xf32> to vector<1x512x512xf32>
    %reduce_sum3A_87 = arith.constant dense<0.000000e+00> : vector<1xf32>
    %reduce_sum3A_88 = vector.multi_reduction <add>, %reduce_sum3A_86, %reduce_sum3A_87 [1, 2] : vector<1x512x512xf32> to vector<1xf32>
    %reduce_sum3A_89 = vector.shape_cast %reduce_sum3A_88 : vector<1xf32> to vector<1x1x1xf32>
    %reduce_sum3A_90 = vector.extract %reduce_sum3A_89[0, 0, 0] : f32 from vector<1x1x1xf32>
    %eq3A = arith.constant 0 : i32
    %eq3A_91 = vector.broadcast %eq3A : i32 to vector<8x128xi32>
    %eq3A_92 = arith.cmpi eq, %iota3A, %eq3A_91 : vector<8x128xi32>
    %eq3A_93 = arith.constant 0 : i32
    %eq3A_94 = vector.broadcast %eq3A_93 : i32 to vector<8x128xi32>
    %eq3A_95 = arith.cmpi eq, %iota3A_58, %eq3A_94 : vector<8x128xi32>
    %and3A = arith.andi %eq3A_92, %eq3A_95 : vector<8x128xi1>
    %broadcast_in_dim3A_96 = vector.broadcast %reduce_sum3A_63 : f32 to vector<8x128xf32>
    %select_n3A = arith.select %and3A, %broadcast_in_dim3A_96, %broadcast_in_dim3A_59 : vector<8x128xi1>, vector<8x128xf32>
    %eq3A_97 = arith.constant 0 : i32
    %eq3A_98 = vector.broadcast %eq3A_97 : i32 to vector<8x128xi32>
    %eq3A_99 = arith.cmpi eq, %iota3A, %eq3A_98 : vector<8x128xi32>
    %eq3A_100 = arith.constant 1 : i32
    %eq3A_101 = vector.broadcast %eq3A_100 : i32 to vector<8x128xi32>
    %eq3A_102 = arith.cmpi eq, %iota3A_58, %eq3A_101 : vector<8x128xi32>
    %and3A_103 = arith.andi %eq3A_99, %eq3A_102 : vector<8x128xi1>
    %broadcast_in_dim3A_104 = vector.broadcast %reduce_sum3A_69 : f32 to vector<8x128xf32>
    %select_n3A_105 = arith.select %and3A_103, %broadcast_in_dim3A_104, %select_n3A : vector<8x128xi1>, vector<8x128xf32>
    %eq3A_106 = arith.constant 0 : i32
    %eq3A_107 = vector.broadcast %eq3A_106 : i32 to vector<8x128xi32>
    %eq3A_108 = arith.cmpi eq, %iota3A, %eq3A_107 : vector<8x128xi32>
    %eq3A_109 = arith.constant 2 : i32
    %eq3A_110 = vector.broadcast %eq3A_109 : i32 to vector<8x128xi32>
    %eq3A_111 = arith.cmpi eq, %iota3A_58, %eq3A_110 : vector<8x128xi32>
    %and3A_112 = arith.andi %eq3A_108, %eq3A_111 : vector<8x128xi1>
    %broadcast_in_dim3A_113 = vector.broadcast %reduce_sum3A_74 : f32 to vector<8x128xf32>
    %select_n3A_114 = arith.select %and3A_112, %broadcast_in_dim3A_113, %select_n3A_105 : vector<8x128xi1>, vector<8x128xf32>
    %eq3A_115 = arith.constant 1 : i32
    %eq3A_116 = vector.broadcast %eq3A_115 : i32 to vector<8x128xi32>
    %eq3A_117 = arith.cmpi eq, %iota3A, %eq3A_116 : vector<8x128xi32>
    %eq3A_118 = arith.constant 0 : i32
    %eq3A_119 = vector.broadcast %eq3A_118 : i32 to vector<8x128xi32>
    %eq3A_120 = arith.cmpi eq, %iota3A_58, %eq3A_119 : vector<8x128xi32>
    %and3A_121 = arith.andi %eq3A_117, %eq3A_120 : vector<8x128xi1>
    %broadcast_in_dim3A_122 = vector.broadcast %reduce_sum3A_79 : f32 to vector<8x128xf32>
    %select_n3A_123 = arith.select %and3A_121, %broadcast_in_dim3A_122, %select_n3A_114 : vector<8x128xi1>, vector<8x128xf32>
    %eq3A_124 = arith.constant 1 : i32
    %eq3A_125 = vector.broadcast %eq3A_124 : i32 to vector<8x128xi32>
    %eq3A_126 = arith.cmpi eq, %iota3A, %eq3A_125 : vector<8x128xi32>
    %eq3A_127 = arith.constant 1 : i32
    %eq3A_128 = vector.broadcast %eq3A_127 : i32 to vector<8x128xi32>
    %eq3A_129 = arith.cmpi eq, %iota3A_58, %eq3A_128 : vector<8x128xi32>
    %and3A_130 = arith.andi %eq3A_126, %eq3A_129 : vector<8x128xi1>
    %broadcast_in_dim3A_131 = vector.broadcast %reduce_sum3A_85 : f32 to vector<8x128xf32>
    %select_n3A_132 = arith.select %and3A_130, %broadcast_in_dim3A_131, %select_n3A_123 : vector<8x128xi1>, vector<8x128xf32>
    %eq3A_133 = arith.constant 1 : i32
    %eq3A_134 = vector.broadcast %eq3A_133 : i32 to vector<8x128xi32>
    %eq3A_135 = arith.cmpi eq, %iota3A, %eq3A_134 : vector<8x128xi32>
    %eq3A_136 = arith.constant 2 : i32
    %eq3A_137 = vector.broadcast %eq3A_136 : i32 to vector<8x128xi32>
    %eq3A_138 = arith.cmpi eq, %iota3A_58, %eq3A_137 : vector<8x128xi32>
    %and3A_139 = arith.andi %eq3A_135, %eq3A_138 : vector<8x128xi1>
    %broadcast_in_dim3A_140 = vector.broadcast %reduce_sum3A_90 : f32 to vector<8x128xf32>
    %select_n3A_141 = arith.select %and3A_139, %broadcast_in_dim3A_140, %select_n3A_132 : vector<8x128xi1>, vector<8x128xf32>
    %swap3A_142 = arith.constant 0 : index
    %swap3A_143 = arith.constant 0 : index
    %swap3A_144 = arith.constant 0 : index
    %swap3A_145 = vector.load %arg7[%swap3A_142, %swap3A_143, %swap3A_144] : memref<1x8x128xf32, #tpu.memory_space<vmem>>, vector<1x8x128xf32>
    %swap3A_146 = vector.shape_cast %swap3A_145 : vector<1x8x128xf32> to vector<8x128xf32>
    %swap3A_147 = vector.shape_cast %select_n3A_141 : vector<8x128xf32> to vector<1x8x128xf32>
    tpu.vector_store %arg7[%swap3A_142, %swap3A_143, %swap3A_144], %swap3A_147 {strides = array<i32>} : memref<1x8x128xf32, #tpu.memory_space<vmem>>, vector<1x8x128xf32>,
    return
  }
  func.func @transform_0(%arg0: i32) -> (i32, i32, i32) {
    %add3A = arith.constant 8 : i32
    %add3A_0 = arith.addi %arg0, %add3A : i32
    %c0_i32 = arith.constant 0 : i32
    %c0_i32_1 = arith.constant 0 : i32
    %c0_i32_2 = arith.constant 0 : i32
    return %add3A_0, %c0_i32, %c0_i32_1 : i32, i32, i32
  }
  func.func @transform_1(%arg0: i32) -> (i32, i32, i32) {
    %add3A = arith.constant 8 : i32
    %add3A_0 = arith.addi %arg0, %add3A : i32
    %c0_i32 = arith.constant 0 : i32
    %c0_i32_1 = arith.constant 0 : i32
    %c0_i32_2 = arith.constant 0 : i32
    return %add3A_0, %c0_i32, %c0_i32_1 : i32, i32, i32
  }
  func.func @transform_2(%arg0: i32) -> (i32, i32, i32) {
    %add3A = arith.constant 8 : i32
    %add3A_0 = arith.addi %arg0, %add3A : i32
    %c0_i32 = arith.constant 0 : i32
    %c0_i32_1 = arith.constant 0 : i32
    %c0_i32_2 = arith.constant 0 : i32
    return %add3A_0, %c0_i32, %c0_i32_1 : i32, i32, i32
  }
  func.func @transform_3(%arg0: i32) -> (i32, i32, i32) {
    %add3A = arith.constant 8 : i32
    %add3A_0 = arith.addi %arg0, %add3A : i32
    %c0_i32 = arith.constant 0 : i32
    %c0_i32_1 = arith.constant 0 : i32
    %c0_i32_2 = arith.constant 0 : i32
    return %add3A_0, %c0_i32, %c0_i32_1 : i32, i32, i32
  }
  func.func @transform_4(%arg0: i32) -> (i32, i32, i32) {
    %add3A = arith.constant 8 : i32
    %add3A_0 = arith.addi %arg0, %add3A : i32
    %c0_i32 = arith.constant 0 : i32
    %c0_i32_1 = arith.constant 0 : i32
    %c0_i32_2 = arith.constant 0 : i32
    return %add3A_0, %c0_i32, %c0_i32_1 : i32, i32, i32
  }
  func.func @transform_5(%arg0: i32) -> (i32, i32, i32, i32) {
    %c0_i32 = arith.constant 0 : i32
    %c0_i32_0 = arith.constant 0 : i32
    %c0_i32_1 = arith.constant 0 : i32
    %c0_i32_2 = arith.constant 0 : i32
    return %c0_i32, %arg0, %c0_i32_0, %c0_i32_1 : i32, i32, i32, i32
  }
  func.func @transform_6(%arg0: i32) -> (i32, i32, i32) {
    %c0_i32 = arith.constant 0 : i32
    %c0_i32_0 = arith.constant 0 : i32
    %c0_i32_1 = arith.constant 0 : i32
    return %arg0, %c0_i32, %c0_i32_0 : i32, i32, i32
  }
}

module attributes {stable_mosaic.version = 14 : i64} {
  func.func @_stage3_body(%arg0: memref<1xf32, #tpu.memory_space<smem>>, %arg1: memref<32x32768xi32, #tpu.memory_space<vmem>>, %arg2: memref<32x32768xi32, #tpu.memory_space<vmem>>, %arg3: memref<8x8x128xf32, #tpu.memory_space<vmem>>, %arg4: memref<8x8x128xf32, #tpu.memory_space<vmem>>, %arg5: memref<1x1xf32, #tpu.memory_space<vmem>>) attributes {dimension_semantics = [], scalar_prefetch = 0 : i64, scratch_operands = 0 : i64, tpu.core_type = #tpu.core_type<tc>} {
    %get3A = arith.constant 0 : index
    %get3A_0 = memref.load %arg0[%get3A] : memref<1xf32, #tpu.memory_space<smem>>
    %get3A_1 = arith.constant 0 : index
    %get3A_2 = arith.constant 0 : index
    %get3A_3 = vector.load %arg1[%get3A_1, %get3A_2] : memref<32x32768xi32, #tpu.memory_space<vmem>>, vector<32x32768xi32>
    %convert_element_type3A = arith.sitofp %get3A_3 : vector<32x32768xi32> to vector<32x32768xf32>
    %get3A_4 = arith.constant 0 : index
    %get3A_5 = arith.constant 0 : index
    %get3A_6 = vector.load %arg2[%get3A_4, %get3A_5] : memref<32x32768xi32, #tpu.memory_space<vmem>>, vector<32x32768xi32>
    %convert_element_type3A_7 = arith.sitofp %get3A_6 : vector<32x32768xi32> to vector<32x32768xf32>
    %slice3A = vector.extract_strided_slice %convert_element_type3A {offsets = [0, 0], sizes = [16, 32768], strides = [1, 1]} : vector<32x32768xf32> to vector<16x32768xf32>
    %slice3A_8 = vector.extract_strided_slice %convert_element_type3A {offsets = [16, 0], sizes = [16, 32768], strides = [1, 1]} : vector<32x32768xf32> to vector<16x32768xf32>
    %add3A = arith.addf %slice3A, %slice3A_8 : vector<16x32768xf32>
    %slice3A_9 = vector.extract_strided_slice %convert_element_type3A_7 {offsets = [0, 0], sizes = [16, 32768], strides = [1, 1]} : vector<32x32768xf32> to vector<16x32768xf32>
    %slice3A_10 = vector.extract_strided_slice %convert_element_type3A_7 {offsets = [16, 0], sizes = [16, 32768], strides = [1, 1]} : vector<32x32768xf32> to vector<16x32768xf32>
    %add3A_11 = arith.addf %slice3A_9, %slice3A_10 : vector<16x32768xf32>
    %slice3A_12 = vector.extract_strided_slice %add3A {offsets = [0, 0], sizes = [8, 32768], strides = [1, 1]} : vector<16x32768xf32> to vector<8x32768xf32>
    %slice3A_13 = vector.extract_strided_slice %add3A_11 {offsets = [0, 0], sizes = [8, 32768], strides = [1, 1]} : vector<16x32768xf32> to vector<8x32768xf32>
    %slice3A_14 = vector.extract_strided_slice %add3A {offsets = [8, 0], sizes = [8, 32768], strides = [1, 1]} : vector<16x32768xf32> to vector<8x32768xf32>
    %slice3A_15 = vector.extract_strided_slice %add3A_11 {offsets = [8, 0], sizes = [8, 32768], strides = [1, 1]} : vector<16x32768xf32> to vector<8x32768xf32>
    %concatenate3A = tpu.concatenate %slice3A_12, %slice3A_13, %slice3A_14, %slice3A_15 in 0 : vector<8x32768xf32>, vector<8x32768xf32>, vector<8x32768xf32>, vector<8x32768xf32> -> vector<32x32768xf32>
    %iota3A = tpu.iota {dimensions = array<i32: 1>} : vector<32x32768xi32>
    %shift_right_logical3A = arith.constant 4 : i32
    %shift_right_logical3A_16 = vector.broadcast %shift_right_logical3A : i32 to vector<32x32768xi32>
    %shift_right_logical3A_17 = arith.shrui %iota3A, %shift_right_logical3A_16 : vector<32x32768xi32>
    %shift_left3A = arith.constant 19 : i32
    %shift_left3A_18 = vector.broadcast %shift_left3A : i32 to vector<32x32768xi32>
    %shift_left3A_19 = arith.shli %shift_right_logical3A_17, %shift_left3A_18 : vector<32x32768xi32>
    %bitcast_convert_type3A = tpu.bitcast %shift_left3A_19 : vector<32x32768xi32> -> vector<32x32768xf32>
    %add3A_20 = arith.constant 1 : i32
    %add3A_21 = vector.broadcast %add3A_20 : i32 to vector<32x32768xi32>
    %add3A_22 = arith.addi %shift_right_logical3A_17, %add3A_21 : vector<32x32768xi32>
    %shift_left3A_23 = arith.constant 19 : i32
    %shift_left3A_24 = vector.broadcast %shift_left3A_23 : i32 to vector<32x32768xi32>
    %shift_left3A_25 = arith.shli %add3A_22, %shift_left3A_24 : vector<32x32768xi32>
    %bitcast_convert_type3A_26 = tpu.bitcast %shift_left3A_25 : vector<32x32768xi32> -> vector<32x32768xf32>
    %sub3A = arith.subf %bitcast_convert_type3A_26, %bitcast_convert_type3A : vector<32x32768xf32>
    %mul3A = arith.constant 4.375000e-01 : f32
    %mul3A_27 = vector.broadcast %mul3A : f32 to vector<32x32768xf32>
    %mul3A_28 = arith.mulf %sub3A, %mul3A_27 : vector<32x32768xf32>
    %add3A_29 = arith.addf %bitcast_convert_type3A, %mul3A_28 : vector<32x32768xf32>
    %iota3A_30 = tpu.iota {dimensions = array<i32: 1>} : vector<8x8x128xi32>
    %iota3A_31 = tpu.iota {dimensions = array<i32: 2>} : vector<8x8x128xi32>
    %get3A_32 = arith.constant 0 : index
    %get3A_33 = arith.constant 0 : index
    %get3A_34 = arith.constant 0 : index
    %get3A_35 = vector.load %arg3[%get3A_32, %get3A_33, %get3A_34] : memref<8x8x128xf32, #tpu.memory_space<vmem>>, vector<8x8x128xf32>
    %get3A_36 = arith.constant 0 : index
    %get3A_37 = arith.constant 0 : index
    %get3A_38 = arith.constant 0 : index
    %get3A_39 = vector.load %arg4[%get3A_36, %get3A_37, %get3A_38] : memref<8x8x128xf32, #tpu.memory_space<vmem>>, vector<8x8x128xf32>
    %eq3A = arith.constant 0 : i32
    %eq3A_40 = vector.broadcast %eq3A : i32 to vector<8x8x128xi32>
    %eq3A_41 = arith.cmpi eq, %iota3A_30, %eq3A_40 : vector<8x8x128xi32>
    %eq3A_42 = arith.constant 0 : i32
    %eq3A_43 = vector.broadcast %eq3A_42 : i32 to vector<8x8x128xi32>
    %eq3A_44 = arith.cmpi eq, %iota3A_31, %eq3A_43 : vector<8x8x128xi32>
    %and3A = arith.andi %eq3A_41, %eq3A_44 : vector<8x8x128xi1>
    %jit3A = arith.constant 0.000000e+00 : f32
    %broadcast_in_dim3A = vector.broadcast %jit3A : f32 to vector<8x8x128xf32>
    %select_n3A = arith.select %and3A, %get3A_35, %broadcast_in_dim3A : vector<8x8x128xi1>, vector<8x8x128xf32>
    %reduce_sum3A = arith.constant dense<0.000000e+00> : vector<8xf32>
    %reduce_sum3A_45 = vector.multi_reduction <add>, %select_n3A, %reduce_sum3A [1, 2] : vector<8x8x128xf32> to vector<8xf32>
    %reshape3A = vector.shape_cast %reduce_sum3A_45 : vector<8xf32> to vector<8x1xf32>
    %eq3A_46 = arith.constant 0 : i32
    %eq3A_47 = vector.broadcast %eq3A_46 : i32 to vector<8x8x128xi32>
    %eq3A_48 = arith.cmpi eq, %iota3A_30, %eq3A_47 : vector<8x8x128xi32>
    %eq3A_49 = arith.constant 0 : i32
    %eq3A_50 = vector.broadcast %eq3A_49 : i32 to vector<8x8x128xi32>
    %eq3A_51 = arith.cmpi eq, %iota3A_31, %eq3A_50 : vector<8x8x128xi32>
    %and3A_52 = arith.andi %eq3A_48, %eq3A_51 : vector<8x8x128xi1>
    %jit3A_53 = arith.constant 0.000000e+00 : f32
    %broadcast_in_dim3A_54 = vector.broadcast %jit3A_53 : f32 to vector<8x8x128xf32>
    %select_n3A_55 = arith.select %and3A_52, %get3A_39, %broadcast_in_dim3A_54 : vector<8x8x128xi1>, vector<8x8x128xf32>
    %reduce_sum3A_56 = arith.constant dense<0.000000e+00> : vector<8xf32>
    %reduce_sum3A_57 = vector.multi_reduction <add>, %select_n3A_55, %reduce_sum3A_56 [1, 2] : vector<8x8x128xf32> to vector<8xf32>
    %reshape3A_58 = vector.shape_cast %reduce_sum3A_57 : vector<8xf32> to vector<8x1xf32>
    %eq3A_59 = arith.constant 1 : i32
    %eq3A_60 = vector.broadcast %eq3A_59 : i32 to vector<8x8x128xi32>
    %eq3A_61 = arith.cmpi eq, %iota3A_30, %eq3A_60 : vector<8x8x128xi32>
    %eq3A_62 = arith.constant 0 : i32
    %eq3A_63 = vector.broadcast %eq3A_62 : i32 to vector<8x8x128xi32>
    %eq3A_64 = arith.cmpi eq, %iota3A_31, %eq3A_63 : vector<8x8x128xi32>
    %and3A_65 = arith.andi %eq3A_61, %eq3A_64 : vector<8x8x128xi1>
    %jit3A_66 = arith.constant 0.000000e+00 : f32
    %broadcast_in_dim3A_67 = vector.broadcast %jit3A_66 : f32 to vector<8x8x128xf32>
    %select_n3A_68 = arith.select %and3A_65, %get3A_35, %broadcast_in_dim3A_67 : vector<8x8x128xi1>, vector<8x8x128xf32>
    %reduce_sum3A_69 = arith.constant dense<0.000000e+00> : vector<8xf32>
    %reduce_sum3A_70 = vector.multi_reduction <add>, %select_n3A_68, %reduce_sum3A_69 [1, 2] : vector<8x8x128xf32> to vector<8xf32>
    %reshape3A_71 = vector.shape_cast %reduce_sum3A_70 : vector<8xf32> to vector<8x1xf32>
    %eq3A_72 = arith.constant 1 : i32
    %eq3A_73 = vector.broadcast %eq3A_72 : i32 to vector<8x8x128xi32>
    %eq3A_74 = arith.cmpi eq, %iota3A_30, %eq3A_73 : vector<8x8x128xi32>
    %eq3A_75 = arith.constant 0 : i32
    %eq3A_76 = vector.broadcast %eq3A_75 : i32 to vector<8x8x128xi32>
    %eq3A_77 = arith.cmpi eq, %iota3A_31, %eq3A_76 : vector<8x8x128xi32>
    %and3A_78 = arith.andi %eq3A_74, %eq3A_77 : vector<8x8x128xi1>
    %jit3A_79 = arith.constant 0.000000e+00 : f32
    %broadcast_in_dim3A_80 = vector.broadcast %jit3A_79 : f32 to vector<8x8x128xf32>
    %select_n3A_81 = arith.select %and3A_78, %get3A_39, %broadcast_in_dim3A_80 : vector<8x8x128xi1>, vector<8x8x128xf32>
    %reduce_sum3A_82 = arith.constant dense<0.000000e+00> : vector<8xf32>
    %reduce_sum3A_83 = vector.multi_reduction <add>, %select_n3A_81, %reduce_sum3A_82 [1, 2] : vector<8x8x128xf32> to vector<8xf32>
    %reshape3A_84 = vector.shape_cast %reduce_sum3A_83 : vector<8xf32> to vector<8x1xf32>
    %concatenate3A_85 = tpu.concatenate %reshape3A, %reshape3A_58, %reshape3A_71, %reshape3A_84 in 0 : vector<8x1xf32>, vector<8x1xf32>, vector<8x1xf32>, vector<8x1xf32> -> vector<32x1xf32>
    %eq3A_86 = arith.constant 0 : i32
    %eq3A_87 = vector.broadcast %eq3A_86 : i32 to vector<8x8x128xi32>
    %eq3A_88 = arith.cmpi eq, %iota3A_30, %eq3A_87 : vector<8x8x128xi32>
    %eq3A_89 = arith.constant 1 : i32
    %eq3A_90 = vector.broadcast %eq3A_89 : i32 to vector<8x8x128xi32>
    %eq3A_91 = arith.cmpi eq, %iota3A_31, %eq3A_90 : vector<8x8x128xi32>
    %and3A_92 = arith.andi %eq3A_88, %eq3A_91 : vector<8x8x128xi1>
    %jit3A_93 = arith.constant 0.000000e+00 : f32
    %broadcast_in_dim3A_94 = vector.broadcast %jit3A_93 : f32 to vector<8x8x128xf32>
    %select_n3A_95 = arith.select %and3A_92, %get3A_35, %broadcast_in_dim3A_94 : vector<8x8x128xi1>, vector<8x8x128xf32>
    %reduce_sum3A_96 = arith.constant dense<0.000000e+00> : vector<8xf32>
    %reduce_sum3A_97 = vector.multi_reduction <add>, %select_n3A_95, %reduce_sum3A_96 [1, 2] : vector<8x8x128xf32> to vector<8xf32>
    %reshape3A_98 = vector.shape_cast %reduce_sum3A_97 : vector<8xf32> to vector<8x1xf32>
    %eq3A_99 = arith.constant 0 : i32
    %eq3A_100 = vector.broadcast %eq3A_99 : i32 to vector<8x8x128xi32>
    %eq3A_101 = arith.cmpi eq, %iota3A_30, %eq3A_100 : vector<8x8x128xi32>
    %eq3A_102 = arith.constant 1 : i32
    %eq3A_103 = vector.broadcast %eq3A_102 : i32 to vector<8x8x128xi32>
    %eq3A_104 = arith.cmpi eq, %iota3A_31, %eq3A_103 : vector<8x8x128xi32>
    %and3A_105 = arith.andi %eq3A_101, %eq3A_104 : vector<8x8x128xi1>
    %jit3A_106 = arith.constant 0.000000e+00 : f32
    %broadcast_in_dim3A_107 = vector.broadcast %jit3A_106 : f32 to vector<8x8x128xf32>
    %select_n3A_108 = arith.select %and3A_105, %get3A_39, %broadcast_in_dim3A_107 : vector<8x8x128xi1>, vector<8x8x128xf32>
    %reduce_sum3A_109 = arith.constant dense<0.000000e+00> : vector<8xf32>
    %reduce_sum3A_110 = vector.multi_reduction <add>, %select_n3A_108, %reduce_sum3A_109 [1, 2] : vector<8x8x128xf32> to vector<8xf32>
    %reshape3A_111 = vector.shape_cast %reduce_sum3A_110 : vector<8xf32> to vector<8x1xf32>
    %eq3A_112 = arith.constant 1 : i32
    %eq3A_113 = vector.broadcast %eq3A_112 : i32 to vector<8x8x128xi32>
    %eq3A_114 = arith.cmpi eq, %iota3A_30, %eq3A_113 : vector<8x8x128xi32>
    %eq3A_115 = arith.constant 1 : i32
    %eq3A_116 = vector.broadcast %eq3A_115 : i32 to vector<8x8x128xi32>
    %eq3A_117 = arith.cmpi eq, %iota3A_31, %eq3A_116 : vector<8x8x128xi32>
    %and3A_118 = arith.andi %eq3A_114, %eq3A_117 : vector<8x8x128xi1>
    %jit3A_119 = arith.constant 0.000000e+00 : f32
    %broadcast_in_dim3A_120 = vector.broadcast %jit3A_119 : f32 to vector<8x8x128xf32>
    %select_n3A_121 = arith.select %and3A_118, %get3A_35, %broadcast_in_dim3A_120 : vector<8x8x128xi1>, vector<8x8x128xf32>
    %reduce_sum3A_122 = arith.constant dense<0.000000e+00> : vector<8xf32>
    %reduce_sum3A_123 = vector.multi_reduction <add>, %select_n3A_121, %reduce_sum3A_122 [1, 2] : vector<8x8x128xf32> to vector<8xf32>
    %reshape3A_124 = vector.shape_cast %reduce_sum3A_123 : vector<8xf32> to vector<8x1xf32>
    %eq3A_125 = arith.constant 1 : i32
    %eq3A_126 = vector.broadcast %eq3A_125 : i32 to vector<8x8x128xi32>
    %eq3A_127 = arith.cmpi eq, %iota3A_30, %eq3A_126 : vector<8x8x128xi32>
    %eq3A_128 = arith.constant 1 : i32
    %eq3A_129 = vector.broadcast %eq3A_128 : i32 to vector<8x8x128xi32>
    %eq3A_130 = arith.cmpi eq, %iota3A_31, %eq3A_129 : vector<8x8x128xi32>
    %and3A_131 = arith.andi %eq3A_127, %eq3A_130 : vector<8x8x128xi1>
    %jit3A_132 = arith.constant 0.000000e+00 : f32
    %broadcast_in_dim3A_133 = vector.broadcast %jit3A_132 : f32 to vector<8x8x128xf32>
    %select_n3A_134 = arith.select %and3A_131, %get3A_39, %broadcast_in_dim3A_133 : vector<8x8x128xi1>, vector<8x8x128xf32>
    %reduce_sum3A_135 = arith.constant dense<0.000000e+00> : vector<8xf32>
    %reduce_sum3A_136 = vector.multi_reduction <add>, %select_n3A_134, %reduce_sum3A_135 [1, 2] : vector<8x8x128xf32> to vector<8xf32>
    %reshape3A_137 = vector.shape_cast %reduce_sum3A_136 : vector<8xf32> to vector<8x1xf32>
    %concatenate3A_138 = tpu.concatenate %reshape3A_98, %reshape3A_111, %reshape3A_124, %reshape3A_137 in 0 : vector<8x1xf32>, vector<8x1xf32>, vector<8x1xf32>, vector<8x1xf32> -> vector<32x1xf32>
    %eq3A_139 = arith.constant 0 : i32
    %eq3A_140 = vector.broadcast %eq3A_139 : i32 to vector<8x8x128xi32>
    %eq3A_141 = arith.cmpi eq, %iota3A_30, %eq3A_140 : vector<8x8x128xi32>
    %eq3A_142 = arith.constant 2 : i32
    %eq3A_143 = vector.broadcast %eq3A_142 : i32 to vector<8x8x128xi32>
    %eq3A_144 = arith.cmpi eq, %iota3A_31, %eq3A_143 : vector<8x8x128xi32>
    %and3A_145 = arith.andi %eq3A_141, %eq3A_144 : vector<8x8x128xi1>
    %jit3A_146 = arith.constant 0.000000e+00 : f32
    %broadcast_in_dim3A_147 = vector.broadcast %jit3A_146 : f32 to vector<8x8x128xf32>
    %select_n3A_148 = arith.select %and3A_145, %get3A_35, %broadcast_in_dim3A_147 : vector<8x8x128xi1>, vector<8x8x128xf32>
    %reduce_sum3A_149 = arith.constant dense<0.000000e+00> : vector<8xf32>
    %reduce_sum3A_150 = vector.multi_reduction <add>, %select_n3A_148, %reduce_sum3A_149 [1, 2] : vector<8x8x128xf32> to vector<8xf32>
    %reshape3A_151 = vector.shape_cast %reduce_sum3A_150 : vector<8xf32> to vector<8x1xf32>
    %eq3A_152 = arith.constant 0 : i32
    %eq3A_153 = vector.broadcast %eq3A_152 : i32 to vector<8x8x128xi32>
    %eq3A_154 = arith.cmpi eq, %iota3A_30, %eq3A_153 : vector<8x8x128xi32>
    %eq3A_155 = arith.constant 2 : i32
    %eq3A_156 = vector.broadcast %eq3A_155 : i32 to vector<8x8x128xi32>
    %eq3A_157 = arith.cmpi eq, %iota3A_31, %eq3A_156 : vector<8x8x128xi32>
    %and3A_158 = arith.andi %eq3A_154, %eq3A_157 : vector<8x8x128xi1>
    %jit3A_159 = arith.constant 0.000000e+00 : f32
    %broadcast_in_dim3A_160 = vector.broadcast %jit3A_159 : f32 to vector<8x8x128xf32>
    %select_n3A_161 = arith.select %and3A_158, %get3A_39, %broadcast_in_dim3A_160 : vector<8x8x128xi1>, vector<8x8x128xf32>
    %reduce_sum3A_162 = arith.constant dense<0.000000e+00> : vector<8xf32>
    %reduce_sum3A_163 = vector.multi_reduction <add>, %select_n3A_161, %reduce_sum3A_162 [1, 2] : vector<8x8x128xf32> to vector<8xf32>
    %reshape3A_164 = vector.shape_cast %reduce_sum3A_163 : vector<8xf32> to vector<8x1xf32>
    %eq3A_165 = arith.constant 1 : i32
    %eq3A_166 = vector.broadcast %eq3A_165 : i32 to vector<8x8x128xi32>
    %eq3A_167 = arith.cmpi eq, %iota3A_30, %eq3A_166 : vector<8x8x128xi32>
    %eq3A_168 = arith.constant 2 : i32
    %eq3A_169 = vector.broadcast %eq3A_168 : i32 to vector<8x8x128xi32>
    %eq3A_170 = arith.cmpi eq, %iota3A_31, %eq3A_169 : vector<8x8x128xi32>
    %and3A_171 = arith.andi %eq3A_167, %eq3A_170 : vector<8x8x128xi1>
    %jit3A_172 = arith.constant 0.000000e+00 : f32
    %broadcast_in_dim3A_173 = vector.broadcast %jit3A_172 : f32 to vector<8x8x128xf32>
    %select_n3A_174 = arith.select %and3A_171, %get3A_35, %broadcast_in_dim3A_173 : vector<8x8x128xi1>, vector<8x8x128xf32>
    %reduce_sum3A_175 = arith.constant dense<0.000000e+00> : vector<8xf32>
    %reduce_sum3A_176 = vector.multi_reduction <add>, %select_n3A_174, %reduce_sum3A_175 [1, 2] : vector<8x8x128xf32> to vector<8xf32>
    %reshape3A_177 = vector.shape_cast %reduce_sum3A_176 : vector<8xf32> to vector<8x1xf32>
    %eq3A_178 = arith.constant 1 : i32
    %eq3A_179 = vector.broadcast %eq3A_178 : i32 to vector<8x8x128xi32>
    %eq3A_180 = arith.cmpi eq, %iota3A_30, %eq3A_179 : vector<8x8x128xi32>
    %eq3A_181 = arith.constant 2 : i32
    %eq3A_182 = vector.broadcast %eq3A_181 : i32 to vector<8x8x128xi32>
    %eq3A_183 = arith.cmpi eq, %iota3A_31, %eq3A_182 : vector<8x8x128xi32>
    %and3A_184 = arith.andi %eq3A_180, %eq3A_183 : vector<8x8x128xi1>
    %jit3A_185 = arith.constant 0.000000e+00 : f32
    %broadcast_in_dim3A_186 = vector.broadcast %jit3A_185 : f32 to vector<8x8x128xf32>
    %select_n3A_187 = arith.select %and3A_184, %get3A_39, %broadcast_in_dim3A_186 : vector<8x8x128xi1>, vector<8x8x128xf32>
    %reduce_sum3A_188 = arith.constant dense<0.000000e+00> : vector<8xf32>
    %reduce_sum3A_189 = vector.multi_reduction <add>, %select_n3A_187, %reduce_sum3A_188 [1, 2] : vector<8x8x128xf32> to vector<8xf32>
    %reshape3A_190 = vector.shape_cast %reduce_sum3A_189 : vector<8xf32> to vector<8x1xf32>
    %concatenate3A_191 = tpu.concatenate %reshape3A_151, %reshape3A_164, %reshape3A_177, %reshape3A_190 in 0 : vector<8x1xf32>, vector<8x1xf32>, vector<8x1xf32>, vector<8x1xf32> -> vector<32x1xf32>
    %slice3A_192 = vector.extract_strided_slice %concatenate3A {offsets = [0, 1], sizes = [32, 32767], strides = [1, 1]} : vector<32x32768xf32> to vector<32x32767xf32>
    %broadcast_in_dim3A_193 = arith.constant 0.000000e+00 : f32
    %broadcast_in_dim3A_194 = vector.broadcast %broadcast_in_dim3A_193 : f32 to vector<32x1xf32>
    %concatenate3A_195 = tpu.concatenate %slice3A_192, %broadcast_in_dim3A_194 in 1 : vector<32x32767xf32>, vector<32x1xf32> -> vector<32x32768xf32>
    %add3A_196 = arith.addf %concatenate3A, %concatenate3A_195 : vector<32x32768xf32>
    %slice3A_197 = vector.extract_strided_slice %add3A_196 {offsets = [0, 2], sizes = [32, 32766], strides = [1, 1]} : vector<32x32768xf32> to vector<32x32766xf32>
    %broadcast_in_dim3A_198 = arith.constant 0.000000e+00 : f32
    %broadcast_in_dim3A_199 = vector.broadcast %broadcast_in_dim3A_198 : f32 to vector<32x2xf32>
    %concatenate3A_200 = tpu.concatenate %slice3A_197, %broadcast_in_dim3A_199 in 1 : vector<32x32766xf32>, vector<32x2xf32> -> vector<32x32768xf32>
    %add3A_201 = arith.addf %add3A_196, %concatenate3A_200 : vector<32x32768xf32>
    %slice3A_202 = vector.extract_strided_slice %add3A_201 {offsets = [0, 4], sizes = [32, 32764], strides = [1, 1]} : vector<32x32768xf32> to vector<32x32764xf32>
    %broadcast_in_dim3A_203 = arith.constant 0.000000e+00 : f32
    %broadcast_in_dim3A_204 = vector.broadcast %broadcast_in_dim3A_203 : f32 to vector<32x4xf32>
    %concatenate3A_205 = tpu.concatenate %slice3A_202, %broadcast_in_dim3A_204 in 1 : vector<32x32764xf32>, vector<32x4xf32> -> vector<32x32768xf32>
    %add3A_206 = arith.addf %add3A_201, %concatenate3A_205 : vector<32x32768xf32>
    %slice3A_207 = vector.extract_strided_slice %add3A_206 {offsets = [0, 8], sizes = [32, 32760], strides = [1, 1]} : vector<32x32768xf32> to vector<32x32760xf32>
    %broadcast_in_dim3A_208 = arith.constant 0.000000e+00 : f32
    %broadcast_in_dim3A_209 = vector.broadcast %broadcast_in_dim3A_208 : f32 to vector<32x8xf32>
    %concatenate3A_210 = tpu.concatenate %slice3A_207, %broadcast_in_dim3A_209 in 1 : vector<32x32760xf32>, vector<32x8xf32> -> vector<32x32768xf32>
    %add3A_211 = arith.addf %add3A_206, %concatenate3A_210 : vector<32x32768xf32>
    %slice3A_212 = vector.extract_strided_slice %add3A_211 {offsets = [0, 16], sizes = [32, 32752], strides = [1, 1]} : vector<32x32768xf32> to vector<32x32752xf32>
    %broadcast_in_dim3A_213 = arith.constant 0.000000e+00 : f32
    %broadcast_in_dim3A_214 = vector.broadcast %broadcast_in_dim3A_213 : f32 to vector<32x16xf32>
    %concatenate3A_215 = tpu.concatenate %slice3A_212, %broadcast_in_dim3A_214 in 1 : vector<32x32752xf32>, vector<32x16xf32> -> vector<32x32768xf32>
    %add3A_216 = arith.addf %add3A_211, %concatenate3A_215 : vector<32x32768xf32>
    %slice3A_217 = vector.extract_strided_slice %add3A_216 {offsets = [0, 32], sizes = [32, 32736], strides = [1, 1]} : vector<32x32768xf32> to vector<32x32736xf32>
    %broadcast_in_dim3A_218 = arith.constant 0.000000e+00 : f32
    %broadcast_in_dim3A_219 = vector.broadcast %broadcast_in_dim3A_218 : f32 to vector<32x32xf32>
    %concatenate3A_220 = tpu.concatenate %slice3A_217, %broadcast_in_dim3A_219 in 1 : vector<32x32736xf32>, vector<32x32xf32> -> vector<32x32768xf32>
    %add3A_221 = arith.addf %add3A_216, %concatenate3A_220 : vector<32x32768xf32>
    %slice3A_222 = vector.extract_strided_slice %add3A_221 {offsets = [0, 64], sizes = [32, 32704], strides = [1, 1]} : vector<32x32768xf32> to vector<32x32704xf32>
    %broadcast_in_dim3A_223 = arith.constant 0.000000e+00 : f32
    %broadcast_in_dim3A_224 = vector.broadcast %broadcast_in_dim3A_223 : f32 to vector<32x64xf32>
    %concatenate3A_225 = tpu.concatenate %slice3A_222, %broadcast_in_dim3A_224 in 1 : vector<32x32704xf32>, vector<32x64xf32> -> vector<32x32768xf32>
    %add3A_226 = arith.addf %add3A_221, %concatenate3A_225 : vector<32x32768xf32>
    %slice3A_227 = vector.extract_strided_slice %add3A_226 {offsets = [0, 128], sizes = [32, 32640], strides = [1, 1]} : vector<32x32768xf32> to vector<32x32640xf32>
    %broadcast_in_dim3A_228 = arith.constant 0.000000e+00 : f32
    %broadcast_in_dim3A_229 = vector.broadcast %broadcast_in_dim3A_228 : f32 to vector<32x128xf32>
    %concatenate3A_230 = tpu.concatenate %slice3A_227, %broadcast_in_dim3A_229 in 1 : vector<32x32640xf32>, vector<32x128xf32> -> vector<32x32768xf32>
    %add3A_231 = arith.addf %add3A_226, %concatenate3A_230 : vector<32x32768xf32>
    %slice3A_232 = vector.extract_strided_slice %add3A_231 {offsets = [0, 256], sizes = [32, 32512], strides = [1, 1]} : vector<32x32768xf32> to vector<32x32512xf32>
    %broadcast_in_dim3A_233 = arith.constant 0.000000e+00 : f32
    %broadcast_in_dim3A_234 = vector.broadcast %broadcast_in_dim3A_233 : f32 to vector<32x256xf32>
    %concatenate3A_235 = tpu.concatenate %slice3A_232, %broadcast_in_dim3A_234 in 1 : vector<32x32512xf32>, vector<32x256xf32> -> vector<32x32768xf32>
    %add3A_236 = arith.addf %add3A_231, %concatenate3A_235 : vector<32x32768xf32>
    %slice3A_237 = vector.extract_strided_slice %add3A_236 {offsets = [0, 512], sizes = [32, 32256], strides = [1, 1]} : vector<32x32768xf32> to vector<32x32256xf32>
    %broadcast_in_dim3A_238 = arith.constant 0.000000e+00 : f32
    %broadcast_in_dim3A_239 = vector.broadcast %broadcast_in_dim3A_238 : f32 to vector<32x512xf32>
    %concatenate3A_240 = tpu.concatenate %slice3A_237, %broadcast_in_dim3A_239 in 1 : vector<32x32256xf32>, vector<32x512xf32> -> vector<32x32768xf32>
    %add3A_241 = arith.addf %add3A_236, %concatenate3A_240 : vector<32x32768xf32>
    %slice3A_242 = vector.extract_strided_slice %add3A_241 {offsets = [0, 1024], sizes = [32, 31744], strides = [1, 1]} : vector<32x32768xf32> to vector<32x31744xf32>
    %broadcast_in_dim3A_243 = arith.constant 0.000000e+00 : f32
    %broadcast_in_dim3A_244 = vector.broadcast %broadcast_in_dim3A_243 : f32 to vector<32x1024xf32>
    %concatenate3A_245 = tpu.concatenate %slice3A_242, %broadcast_in_dim3A_244 in 1 : vector<32x31744xf32>, vector<32x1024xf32> -> vector<32x32768xf32>
    %add3A_246 = arith.addf %add3A_241, %concatenate3A_245 : vector<32x32768xf32>
    %slice3A_247 = vector.extract_strided_slice %add3A_246 {offsets = [0, 2048], sizes = [32, 30720], strides = [1, 1]} : vector<32x32768xf32> to vector<32x30720xf32>
    %broadcast_in_dim3A_248 = arith.constant 0.000000e+00 : f32
    %broadcast_in_dim3A_249 = vector.broadcast %broadcast_in_dim3A_248 : f32 to vector<32x2048xf32>
    %concatenate3A_250 = tpu.concatenate %slice3A_247, %broadcast_in_dim3A_249 in 1 : vector<32x30720xf32>, vector<32x2048xf32> -> vector<32x32768xf32>
    %add3A_251 = arith.addf %add3A_246, %concatenate3A_250 : vector<32x32768xf32>
    %slice3A_252 = vector.extract_strided_slice %add3A_251 {offsets = [0, 4096], sizes = [32, 28672], strides = [1, 1]} : vector<32x32768xf32> to vector<32x28672xf32>
    %broadcast_in_dim3A_253 = arith.constant 0.000000e+00 : f32
    %broadcast_in_dim3A_254 = vector.broadcast %broadcast_in_dim3A_253 : f32 to vector<32x4096xf32>
    %concatenate3A_255 = tpu.concatenate %slice3A_252, %broadcast_in_dim3A_254 in 1 : vector<32x28672xf32>, vector<32x4096xf32> -> vector<32x32768xf32>
    %add3A_256 = arith.addf %add3A_251, %concatenate3A_255 : vector<32x32768xf32>
    %slice3A_257 = vector.extract_strided_slice %add3A_256 {offsets = [0, 8192], sizes = [32, 24576], strides = [1, 1]} : vector<32x32768xf32> to vector<32x24576xf32>
    %broadcast_in_dim3A_258 = arith.constant 0.000000e+00 : f32
    %broadcast_in_dim3A_259 = vector.broadcast %broadcast_in_dim3A_258 : f32 to vector<32x8192xf32>
    %concatenate3A_260 = tpu.concatenate %slice3A_257, %broadcast_in_dim3A_259 in 1 : vector<32x24576xf32>, vector<32x8192xf32> -> vector<32x32768xf32>
    %add3A_261 = arith.addf %add3A_256, %concatenate3A_260 : vector<32x32768xf32>
    %slice3A_262 = vector.extract_strided_slice %add3A_261 {offsets = [0, 16384], sizes = [32, 16384], strides = [1, 1]} : vector<32x32768xf32> to vector<32x16384xf32>
    %broadcast_in_dim3A_263 = arith.constant 0.000000e+00 : f32
    %broadcast_in_dim3A_264 = vector.broadcast %broadcast_in_dim3A_263 : f32 to vector<32x16384xf32>
    %concatenate3A_265 = tpu.concatenate %slice3A_262, %broadcast_in_dim3A_264 in 1 : vector<32x16384xf32>, vector<32x16384xf32> -> vector<32x32768xf32>
    %add3A_266 = arith.addf %add3A_261, %concatenate3A_265 : vector<32x32768xf32>
    %sub3A_267 = arith.subf %add3A_266, %concatenate3A : vector<32x32768xf32>
    %gt3A = arith.constant 0.000000e+00 : f32
    %gt3A_268 = vector.broadcast %gt3A : f32 to vector<32x1xf32>
    %gt3A_269 = arith.cmpf ogt, %concatenate3A_85, %gt3A_268 : vector<32x1xf32>
    %sub3A_270 = arith.constant 2.621440e+05 : f32
    %sub3A_271 = vector.broadcast %sub3A_270 : f32 to vector<32x1xf32>
    %sub3A_272 = arith.subf %sub3A_271, %concatenate3A_85 : vector<32x1xf32>
    %jit3A_273 = arith.constant 1.000000e+03 : f32
    %broadcast_in_dim3A_274 = vector.broadcast %jit3A_273 : f32 to vector<32x1xf32>
    %select_n3A_275 = arith.select %gt3A_269, %concatenate3A_85, %broadcast_in_dim3A_274 : vector<32x1xi1>, vector<32x1xf32>
    %mul3A_276 = vector.broadcast %get3A_0 : f32 to vector<32x1xf32>
    %mul3A_277 = arith.mulf %mul3A_276, %select_n3A_275 : vector<32x1xf32>
    %sub3A_278 = vector.broadcast %mul3A_277 : vector<32x1xf32> to vector<32x32768xf32>
    %sub3A_279 = arith.subf %sub3A_278, %sub3A_267 : vector<32x32768xf32>
    %jit3A_280 = arith.constant 0.000000e+00 : f32
    %max3A = vector.broadcast %jit3A_280 : f32 to vector<32x32768xf32>
    %max3A_281 = arith.maximumf %max3A, %sub3A_279 : vector<32x32768xf32>
    %min3A = arith.minimumf %concatenate3A, %max3A_281 : vector<32x32768xf32>
    %mul3A_282 = arith.mulf %min3A, %add3A_29 : vector<32x32768xf32>
    %reduce_sum3A_283 = arith.constant dense<0.000000e+00> : vector<32xf32>
    %reduce_sum3A_284 = vector.multi_reduction <add>, %mul3A_282, %reduce_sum3A_283 [1] : vector<32x32768xf32> to vector<32xf32>
    %broadcast_in_dim3A_285 = vector.shape_cast %reduce_sum3A_284 : vector<32xf32> to vector<32x1xf32>
    %max3A_286 = arith.constant 1.000000e+00 : f32
    %max3A_287 = vector.broadcast %max3A_286 : f32 to vector<32x1xf32>
    %max3A_288 = arith.maximumf %concatenate3A_85, %max3A_287 : vector<32x1xf32>
    %div3A = arith.divf %concatenate3A_138, %max3A_288 : vector<32x1xf32>
    %jit3A_289 = arith.constant 0.000000e+00 : f32
    %broadcast_in_dim3A_290 = vector.broadcast %jit3A_289 : f32 to vector<32x1xf32>
    %select_n3A_291 = arith.select %gt3A_269, %div3A, %broadcast_in_dim3A_290 : vector<32x1xi1>, vector<32x1xf32>
    %div3A_292 = arith.divf %broadcast_in_dim3A_285, %mul3A_277 : vector<32x1xf32>
    %div3A_293 = arith.divf %concatenate3A_191, %sub3A_272 : vector<32x1xf32>
    %mul3A_294 = vector.broadcast %get3A_0 : f32 to vector<32x1xf32>
    %mul3A_295 = arith.mulf %mul3A_294, %concatenate3A_85 : vector<32x1xf32>
    %lt3A = arith.cmpf olt, %sub3A_272, %mul3A_295 : vector<32x1xf32>
    %and3A_296 = arith.andi %gt3A_269, %lt3A : vector<32x1xi1>
    %select_n3A_297 = arith.select %and3A_296, %div3A_293, %div3A_292 : vector<32x1xi1>, vector<32x1xf32>
    %add3A_298 = arith.addf %select_n3A_291, %select_n3A_297 : vector<32x1xf32>
    %reduce_sum3A_299 = vector.shape_cast %add3A_298 : vector<32x1xf32> to vector<1x32x1xf32>
    %reduce_sum3A_300 = arith.constant dense<0.000000e+00> : vector<1xf32>
    %reduce_sum3A_301 = vector.multi_reduction <add>, %reduce_sum3A_299, %reduce_sum3A_300 [1, 2] : vector<1x32x1xf32> to vector<1xf32>
    %reduce_sum3A_302 = vector.shape_cast %reduce_sum3A_301 : vector<1xf32> to vector<1x1x1xf32>
    %reduce_sum3A_303 = vector.extract %reduce_sum3A_302[0, 0, 0] : f32 from vector<1x1x1xf32>
    %div3A_304 = arith.constant 1.600000e+01 : f32
    %div3A_305 = arith.divf %reduce_sum3A_303, %div3A_304 : f32
    %reshape3A_306 = vector.broadcast %div3A_305 : f32 to vector<1x1xf32>
    %swap3A = arith.constant 0 : index
    %swap3A_307 = arith.constant 0 : index
    %swap3A_308 = vector.load %arg5[%swap3A, %swap3A_307] : memref<1x1xf32, #tpu.memory_space<vmem>>, vector<1x1xf32>
    tpu.vector_store %arg5[%swap3A, %swap3A_307], %reshape3A_306 {strides = array<i32>} : memref<1x1xf32, #tpu.memory_space<vmem>>, vector<1x1xf32>,
    return
  }
}

module attributes {stable_mosaic.version = 14 : i64} {
  func.func @_stage1_body(%arg0: i32, %arg1: memref<1x512x512xf32, #tpu.memory_space<vmem>>, %arg2: memref<1x512x512xf32, #tpu.memory_space<vmem>>, %arg3: memref<1x512x512xf32, #tpu.memory_space<vmem>>, %arg4: memref<1x512x512xf32, #tpu.memory_space<vmem>>, %arg5: memref<1x512x512xf32, #tpu.memory_space<vmem>>, %arg6: memref<2x1x512x512xbf16, #tpu.memory_space<vmem>>, %arg7: memref<1x8x128xf32, #tpu.memory_space<vmem>>) attributes {dimension_semantics = [#tpu.dimension_semantics<arbitrary>], iteration_bounds = array<i64: 8>, scalar_prefetch = 0 : i64, scratch_operands = 0 : i64, tpu.core_type = #tpu.core_type<tc>, window_params = [{transform_indices = @transform_0, window_bounds = array<i64: 1, 512, 512>}, {transform_indices = @transform_1, window_bounds = array<i64: 1, 512, 512>}, {transform_indices = @transform_2, window_bounds = array<i64: 1, 512, 512>}, {transform_indices = @transform_3, window_bounds = array<i64: 1, 512, 512>}, {transform_indices = @transform_4, window_bounds = array<i64: 1, 512, 512>}, {transform_indices = @transform_5, window_bounds = array<i64: 2, 1, 512, 512>}, {transform_indices = @transform_6, window_bounds = array<i64: 1, 8, 128>}]} {
    %get3A = arith.constant 0 : index
    %get3A_0 = arith.constant 0 : index
    %get3A_1 = arith.constant 0 : index
    %get3A_2 = vector.load %arg1[%get3A, %get3A_0, %get3A_1] : memref<1x512x512xf32, #tpu.memory_space<vmem>>, vector<1x512x512xf32>
    %get3A_3 = vector.shape_cast %get3A_2 : vector<1x512x512xf32> to vector<512x512xf32>
    %get3A_4 = arith.constant 0 : index
    %get3A_5 = arith.constant 0 : index
    %get3A_6 = arith.constant 0 : index
    %get3A_7 = vector.load %arg2[%get3A_4, %get3A_5, %get3A_6] : memref<1x512x512xf32, #tpu.memory_space<vmem>>, vector<1x512x512xf32>
    %get3A_8 = vector.shape_cast %get3A_7 : vector<1x512x512xf32> to vector<512x512xf32>
    %get3A_9 = arith.constant 0 : index
    %get3A_10 = arith.constant 0 : index
    %get3A_11 = arith.constant 0 : index
    %get3A_12 = vector.load %arg5[%get3A_9, %get3A_10, %get3A_11] : memref<1x512x512xf32, #tpu.memory_space<vmem>>, vector<1x512x512xf32>
    %get3A_13 = vector.shape_cast %get3A_12 : vector<1x512x512xf32> to vector<512x512xf32>
    %get3A_14 = arith.constant 0 : index
    %get3A_15 = arith.constant 0 : index
    %get3A_16 = arith.constant 0 : index
    %get3A_17 = vector.load %arg3[%get3A_14, %get3A_15, %get3A_16] : memref<1x512x512xf32, #tpu.memory_space<vmem>>, vector<1x512x512xf32>
    %get3A_18 = vector.shape_cast %get3A_17 : vector<1x512x512xf32> to vector<512x512xf32>
    %sub3A = arith.subf %get3A_18, %get3A_3 : vector<512x512xf32>
    %integer_pow3A = arith.mulf %sub3A, %sub3A : vector<512x512xf32>
    %mul3A = arith.mulf %integer_pow3A, %get3A_13 : vector<512x512xf32>
    %get3A_19 = arith.constant 0 : index
    %get3A_20 = arith.constant 0 : index
    %get3A_21 = arith.constant 0 : index
    %get3A_22 = vector.load %arg4[%get3A_19, %get3A_20, %get3A_21] : memref<1x512x512xf32, #tpu.memory_space<vmem>>, vector<1x512x512xf32>
    %get3A_23 = vector.shape_cast %get3A_22 : vector<1x512x512xf32> to vector<512x512xf32>
    %sub3A_24 = arith.subf %get3A_23, %get3A_8 : vector<512x512xf32>
    %integer_pow3A_25 = arith.mulf %sub3A_24, %sub3A_24 : vector<512x512xf32>
    %mul3A_26 = arith.mulf %integer_pow3A_25, %get3A_13 : vector<512x512xf32>
    %gt3A = arith.constant 1.000000e-01 : f32
    %gt3A_27 = vector.broadcast %gt3A : f32 to vector<512x512xf32>
    %gt3A_28 = arith.cmpf ogt, %get3A_3, %gt3A_27 : vector<512x512xf32>
    %convert_element_type3A = arith.extui %gt3A_28 : vector<512x512xi1> to vector<512x512xi32>
    %convert_element_type3A_29 = arith.sitofp %convert_element_type3A : vector<512x512xi32> to vector<512x512xf32>
    %gt3A_30 = arith.constant 1.000000e-01 : f32
    %gt3A_31 = vector.broadcast %gt3A_30 : f32 to vector<512x512xf32>
    %gt3A_32 = arith.cmpf ogt, %get3A_8, %gt3A_31 : vector<512x512xf32>
    %convert_element_type3A_33 = arith.extui %gt3A_32 : vector<512x512xi1> to vector<512x512xi32>
    %convert_element_type3A_34 = arith.sitofp %convert_element_type3A_33 : vector<512x512xi32> to vector<512x512xf32>
    %sub3A_35 = arith.constant 1.000000e+00 : f32
    %sub3A_36 = vector.broadcast %sub3A_35 : f32 to vector<512x512xf32>
    %sub3A_37 = arith.subf %sub3A_36, %convert_element_type3A_29 : vector<512x512xf32>
    %mul3A_38 = arith.mulf %mul3A, %sub3A_37 : vector<512x512xf32>
    %sub3A_39 = arith.constant 1.000000e+00 : f32
    %sub3A_40 = vector.broadcast %sub3A_39 : f32 to vector<512x512xf32>
    %sub3A_41 = arith.subf %sub3A_40, %convert_element_type3A_34 : vector<512x512xf32>
    %mul3A_42 = arith.mulf %mul3A_26, %sub3A_41 : vector<512x512xf32>
    %convert_element_type3A_43 = arith.truncf %mul3A_38 : vector<512x512xf32> to vector<512x512xbf16>
    %swap3A = arith.constant 0 : index
    %swap3A_44 = arith.constant 0 : index
    %swap3A_45 = arith.constant 0 : index
    %swap3A_46 = arith.constant 0 : index
    %swap3A_47 = vector.load %arg6[%swap3A, %swap3A_44, %swap3A_45, %swap3A_46] : memref<2x1x512x512xbf16, #tpu.memory_space<vmem>>, vector<1x1x512x512xbf16>
    %swap3A_48 = vector.shape_cast %swap3A_47 : vector<1x1x512x512xbf16> to vector<512x512xbf16>
    %swap3A_49 = vector.shape_cast %convert_element_type3A_43 : vector<512x512xbf16> to vector<1x1x512x512xbf16>
    tpu.vector_store %arg6[%swap3A, %swap3A_44, %swap3A_45, %swap3A_46], %swap3A_49 {strides = array<i32>} : memref<2x1x512x512xbf16, #tpu.memory_space<vmem>>, vector<1x1x512x512xbf16>,
    %convert_element_type3A_50 = arith.truncf %mul3A_42 : vector<512x512xf32> to vector<512x512xbf16>
    %swap3A_51 = arith.constant 1 : index
    %swap3A_52 = arith.constant 0 : index
    %swap3A_53 = arith.constant 0 : index
    %swap3A_54 = arith.constant 0 : index
    %swap3A_55 = vector.load %arg6[%swap3A_51, %swap3A_52, %swap3A_53, %swap3A_54] : memref<2x1x512x512xbf16, #tpu.memory_space<vmem>>, vector<1x1x512x512xbf16>
    %swap3A_56 = vector.shape_cast %swap3A_55 : vector<1x1x512x512xbf16> to vector<512x512xbf16>
    %swap3A_57 = vector.shape_cast %convert_element_type3A_50 : vector<512x512xbf16> to vector<1x1x512x512xbf16>
    tpu.vector_store %arg6[%swap3A_51, %swap3A_52, %swap3A_53, %swap3A_54], %swap3A_57 {strides = array<i32>} : memref<2x1x512x512xbf16, #tpu.memory_space<vmem>>, vector<1x1x512x512xbf16>,
    %iota3A = tpu.iota {dimensions = array<i32: 0>} : vector<8x128xi32>
    %iota3A_58 = tpu.iota {dimensions = array<i32: 1>} : vector<8x128xi32>
    %broadcast_in_dim3A = arith.constant 0.000000e+00 : f32
    %broadcast_in_dim3A_59 = vector.broadcast %broadcast_in_dim3A : f32 to vector<8x128xf32>
    %reduce_sum3A = vector.shape_cast %convert_element_type3A_29 : vector<512x512xf32> to vector<1x512x512xf32>
    %reduce_sum3A_60 = arith.constant dense<0.000000e+00> : vector<1xf32>
    %reduce_sum3A_61 = vector.multi_reduction <add>, %reduce_sum3A, %reduce_sum3A_60 [1, 2] : vector<1x512x512xf32> to vector<1xf32>
    %reduce_sum3A_62 = vector.shape_cast %reduce_sum3A_61 : vector<1xf32> to vector<1x1x1xf32>
    %reduce_sum3A_63 = vector.extract %reduce_sum3A_62[0, 0, 0] : f32 from vector<1x1x1xf32>
    %mul3A_64 = arith.mulf %mul3A, %convert_element_type3A_29 : vector<512x512xf32>
    %reduce_sum3A_65 = vector.shape_cast %mul3A_64 : vector<512x512xf32> to vector<1x512x512xf32>
    %reduce_sum3A_66 = arith.constant dense<0.000000e+00> : vector<1xf32>
    %reduce_sum3A_67 = vector.multi_reduction <add>, %reduce_sum3A_65, %reduce_sum3A_66 [1, 2] : vector<1x512x512xf32> to vector<1xf32>
    %reduce_sum3A_68 = vector.shape_cast %reduce_sum3A_67 : vector<1xf32> to vector<1x1x1xf32>
    %reduce_sum3A_69 = vector.extract %reduce_sum3A_68[0, 0, 0] : f32 from vector<1x1x1xf32>
    %reduce_sum3A_70 = vector.shape_cast %mul3A_38 : vector<512x512xf32> to vector<1x512x512xf32>
    %reduce_sum3A_71 = arith.constant dense<0.000000e+00> : vector<1xf32>
    %reduce_sum3A_72 = vector.multi_reduction <add>, %reduce_sum3A_70, %reduce_sum3A_71 [1, 2] : vector<1x512x512xf32> to vector<1xf32>
    %reduce_sum3A_73 = vector.shape_cast %reduce_sum3A_72 : vector<1xf32> to vector<1x1x1xf32>
    %reduce_sum3A_74 = vector.extract %reduce_sum3A_73[0, 0, 0] : f32 from vector<1x1x1xf32>
    %reduce_sum3A_75 = vector.shape_cast %convert_element_type3A_34 : vector<512x512xf32> to vector<1x512x512xf32>
    %reduce_sum3A_76 = arith.constant dense<0.000000e+00> : vector<1xf32>
    %reduce_sum3A_77 = vector.multi_reduction <add>, %reduce_sum3A_75, %reduce_sum3A_76 [1, 2] : vector<1x512x512xf32> to vector<1xf32>
    %reduce_sum3A_78 = vector.shape_cast %reduce_sum3A_77 : vector<1xf32> to vector<1x1x1xf32>
    %reduce_sum3A_79 = vector.extract %reduce_sum3A_78[0, 0, 0] : f32 from vector<1x1x1xf32>
    %mul3A_80 = arith.mulf %mul3A_26, %convert_element_type3A_34 : vector<512x512xf32>
    %reduce_sum3A_81 = vector.shape_cast %mul3A_80 : vector<512x512xf32> to vector<1x512x512xf32>
    %reduce_sum3A_82 = arith.constant dense<0.000000e+00> : vector<1xf32>
    %reduce_sum3A_83 = vector.multi_reduction <add>, %reduce_sum3A_81, %reduce_sum3A_82 [1, 2] : vector<1x512x512xf32> to vector<1xf32>
    %reduce_sum3A_84 = vector.shape_cast %reduce_sum3A_83 : vector<1xf32> to vector<1x1x1xf32>
    %reduce_sum3A_85 = vector.extract %reduce_sum3A_84[0, 0, 0] : f32 from vector<1x1x1xf32>
    %reduce_sum3A_86 = vector.shape_cast %mul3A_42 : vector<512x512xf32> to vector<1x512x512xf32>
    %reduce_sum3A_87 = arith.constant dense<0.000000e+00> : vector<1xf32>
    %reduce_sum3A_88 = vector.multi_reduction <add>, %reduce_sum3A_86, %reduce_sum3A_87 [1, 2] : vector<1x512x512xf32> to vector<1xf32>
    %reduce_sum3A_89 = vector.shape_cast %reduce_sum3A_88 : vector<1xf32> to vector<1x1x1xf32>
    %reduce_sum3A_90 = vector.extract %reduce_sum3A_89[0, 0, 0] : f32 from vector<1x1x1xf32>
    %eq3A = arith.constant 0 : i32
    %eq3A_91 = vector.broadcast %eq3A : i32 to vector<8x128xi32>
    %eq3A_92 = arith.cmpi eq, %iota3A, %eq3A_91 : vector<8x128xi32>
    %eq3A_93 = arith.constant 0 : i32
    %eq3A_94 = vector.broadcast %eq3A_93 : i32 to vector<8x128xi32>
    %eq3A_95 = arith.cmpi eq, %iota3A_58, %eq3A_94 : vector<8x128xi32>
    %and3A = arith.andi %eq3A_92, %eq3A_95 : vector<8x128xi1>
    %broadcast_in_dim3A_96 = vector.broadcast %reduce_sum3A_63 : f32 to vector<8x128xf32>
    %select_n3A = arith.select %and3A, %broadcast_in_dim3A_96, %broadcast_in_dim3A_59 : vector<8x128xi1>, vector<8x128xf32>
    %eq3A_97 = arith.constant 0 : i32
    %eq3A_98 = vector.broadcast %eq3A_97 : i32 to vector<8x128xi32>
    %eq3A_99 = arith.cmpi eq, %iota3A, %eq3A_98 : vector<8x128xi32>
    %eq3A_100 = arith.constant 1 : i32
    %eq3A_101 = vector.broadcast %eq3A_100 : i32 to vector<8x128xi32>
    %eq3A_102 = arith.cmpi eq, %iota3A_58, %eq3A_101 : vector<8x128xi32>
    %and3A_103 = arith.andi %eq3A_99, %eq3A_102 : vector<8x128xi1>
    %broadcast_in_dim3A_104 = vector.broadcast %reduce_sum3A_69 : f32 to vector<8x128xf32>
    %select_n3A_105 = arith.select %and3A_103, %broadcast_in_dim3A_104, %select_n3A : vector<8x128xi1>, vector<8x128xf32>
    %eq3A_106 = arith.constant 0 : i32
    %eq3A_107 = vector.broadcast %eq3A_106 : i32 to vector<8x128xi32>
    %eq3A_108 = arith.cmpi eq, %iota3A, %eq3A_107 : vector<8x128xi32>
    %eq3A_109 = arith.constant 2 : i32
    %eq3A_110 = vector.broadcast %eq3A_109 : i32 to vector<8x128xi32>
    %eq3A_111 = arith.cmpi eq, %iota3A_58, %eq3A_110 : vector<8x128xi32>
    %and3A_112 = arith.andi %eq3A_108, %eq3A_111 : vector<8x128xi1>
    %broadcast_in_dim3A_113 = vector.broadcast %reduce_sum3A_74 : f32 to vector<8x128xf32>
    %select_n3A_114 = arith.select %and3A_112, %broadcast_in_dim3A_113, %select_n3A_105 : vector<8x128xi1>, vector<8x128xf32>
    %eq3A_115 = arith.constant 1 : i32
    %eq3A_116 = vector.broadcast %eq3A_115 : i32 to vector<8x128xi32>
    %eq3A_117 = arith.cmpi eq, %iota3A, %eq3A_116 : vector<8x128xi32>
    %eq3A_118 = arith.constant 0 : i32
    %eq3A_119 = vector.broadcast %eq3A_118 : i32 to vector<8x128xi32>
    %eq3A_120 = arith.cmpi eq, %iota3A_58, %eq3A_119 : vector<8x128xi32>
    %and3A_121 = arith.andi %eq3A_117, %eq3A_120 : vector<8x128xi1>
    %broadcast_in_dim3A_122 = vector.broadcast %reduce_sum3A_79 : f32 to vector<8x128xf32>
    %select_n3A_123 = arith.select %and3A_121, %broadcast_in_dim3A_122, %select_n3A_114 : vector<8x128xi1>, vector<8x128xf32>
    %eq3A_124 = arith.constant 1 : i32
    %eq3A_125 = vector.broadcast %eq3A_124 : i32 to vector<8x128xi32>
    %eq3A_126 = arith.cmpi eq, %iota3A, %eq3A_125 : vector<8x128xi32>
    %eq3A_127 = arith.constant 1 : i32
    %eq3A_128 = vector.broadcast %eq3A_127 : i32 to vector<8x128xi32>
    %eq3A_129 = arith.cmpi eq, %iota3A_58, %eq3A_128 : vector<8x128xi32>
    %and3A_130 = arith.andi %eq3A_126, %eq3A_129 : vector<8x128xi1>
    %broadcast_in_dim3A_131 = vector.broadcast %reduce_sum3A_85 : f32 to vector<8x128xf32>
    %select_n3A_132 = arith.select %and3A_130, %broadcast_in_dim3A_131, %select_n3A_123 : vector<8x128xi1>, vector<8x128xf32>
    %eq3A_133 = arith.constant 1 : i32
    %eq3A_134 = vector.broadcast %eq3A_133 : i32 to vector<8x128xi32>
    %eq3A_135 = arith.cmpi eq, %iota3A, %eq3A_134 : vector<8x128xi32>
    %eq3A_136 = arith.constant 2 : i32
    %eq3A_137 = vector.broadcast %eq3A_136 : i32 to vector<8x128xi32>
    %eq3A_138 = arith.cmpi eq, %iota3A_58, %eq3A_137 : vector<8x128xi32>
    %and3A_139 = arith.andi %eq3A_135, %eq3A_138 : vector<8x128xi1>
    %broadcast_in_dim3A_140 = vector.broadcast %reduce_sum3A_90 : f32 to vector<8x128xf32>
    %select_n3A_141 = arith.select %and3A_139, %broadcast_in_dim3A_140, %select_n3A_132 : vector<8x128xi1>, vector<8x128xf32>
    %swap3A_142 = arith.constant 0 : index
    %swap3A_143 = arith.constant 0 : index
    %swap3A_144 = arith.constant 0 : index
    %swap3A_145 = vector.load %arg7[%swap3A_142, %swap3A_143, %swap3A_144] : memref<1x8x128xf32, #tpu.memory_space<vmem>>, vector<1x8x128xf32>
    %swap3A_146 = vector.shape_cast %swap3A_145 : vector<1x8x128xf32> to vector<8x128xf32>
    %swap3A_147 = vector.shape_cast %select_n3A_141 : vector<8x128xf32> to vector<1x8x128xf32>
    tpu.vector_store %arg7[%swap3A_142, %swap3A_143, %swap3A_144], %swap3A_147 {strides = array<i32>} : memref<1x8x128xf32, #tpu.memory_space<vmem>>, vector<1x8x128xf32>,
    return
  }
  func.func @transform_0(%arg0: i32) -> (i32, i32, i32) {
    %add3A = arith.constant 0 : i32
    %add3A_0 = arith.addi %arg0, %add3A : i32
    %c0_i32 = arith.constant 0 : i32
    %c0_i32_1 = arith.constant 0 : i32
    %c0_i32_2 = arith.constant 0 : i32
    return %add3A_0, %c0_i32, %c0_i32_1 : i32, i32, i32
  }
  func.func @transform_1(%arg0: i32) -> (i32, i32, i32) {
    %add3A = arith.constant 0 : i32
    %add3A_0 = arith.addi %arg0, %add3A : i32
    %c0_i32 = arith.constant 0 : i32
    %c0_i32_1 = arith.constant 0 : i32
    %c0_i32_2 = arith.constant 0 : i32
    return %add3A_0, %c0_i32, %c0_i32_1 : i32, i32, i32
  }
  func.func @transform_2(%arg0: i32) -> (i32, i32, i32) {
    %add3A = arith.constant 0 : i32
    %add3A_0 = arith.addi %arg0, %add3A : i32
    %c0_i32 = arith.constant 0 : i32
    %c0_i32_1 = arith.constant 0 : i32
    %c0_i32_2 = arith.constant 0 : i32
    return %add3A_0, %c0_i32, %c0_i32_1 : i32, i32, i32
  }
  func.func @transform_3(%arg0: i32) -> (i32, i32, i32) {
    %add3A = arith.constant 0 : i32
    %add3A_0 = arith.addi %arg0, %add3A : i32
    %c0_i32 = arith.constant 0 : i32
    %c0_i32_1 = arith.constant 0 : i32
    %c0_i32_2 = arith.constant 0 : i32
    return %add3A_0, %c0_i32, %c0_i32_1 : i32, i32, i32
  }
  func.func @transform_4(%arg0: i32) -> (i32, i32, i32) {
    %add3A = arith.constant 0 : i32
    %add3A_0 = arith.addi %arg0, %add3A : i32
    %c0_i32 = arith.constant 0 : i32
    %c0_i32_1 = arith.constant 0 : i32
    %c0_i32_2 = arith.constant 0 : i32
    return %add3A_0, %c0_i32, %c0_i32_1 : i32, i32, i32
  }
  func.func @transform_5(%arg0: i32) -> (i32, i32, i32, i32) {
    %c0_i32 = arith.constant 0 : i32
    %c0_i32_0 = arith.constant 0 : i32
    %c0_i32_1 = arith.constant 0 : i32
    %c0_i32_2 = arith.constant 0 : i32
    return %c0_i32, %arg0, %c0_i32_0, %c0_i32_1 : i32, i32, i32, i32
  }
  func.func @transform_6(%arg0: i32) -> (i32, i32, i32) {
    %c0_i32 = arith.constant 0 : i32
    %c0_i32_0 = arith.constant 0 : i32
    %c0_i32_1 = arith.constant 0 : i32
    return %arg0, %c0_i32, %c0_i32_0 : i32, i32, i32
  }
}

</mosaic_0001>

<sc_bundles>
// kernel: kernel.10.cloned.1.call-start
scs
__scs_entry_jumppad:
0x0: {  	(pc) =	sbr.rel $0x88, $3  }
0x1: {  	(tag) =	ssettag $0x0;
	lr =	simm.s32 $0x1  }
0x2: {  	[smem:$0x3F9B] =	sst lr;
	_ =	strace $0xD0000000  }
0x3: {  	_ = 	snop  }
0x4: {  	_ = 	snop  }
0x5: {  	_ = 	snop  }
0x6: {  	_ = 	snop  }
0x7: {  	_ = 	snop  }
__scs_overlays_trampoline_lowered:
0x8: {  	[smem:$0x3FAA] =	sst s0  }
0x9: {  	[smem:$0x3FAB] =	sst s1  }
0xa: {  	[smem:$0x3FAC] =	sst s2  }
0xb: {  	[smem:$0x3FAD] =	sst s3  }
0xc: {  	[smem:$0x3FAE] =	sst s4  }
0xd: {  	[smem:$0x3FAF] =	sst s5  }
0xe: {  	[smem:$0x3FB0] =	sst s6  }
0xf: {  	[smem:$0x3FB1] =	sst s7  }
0x10: {  	[smem:$0x3FB2] =	sst s8  }
0x11: {  	[smem:$0x3FB3] =	sst s9;
	s0 =	simm.s32 @!p0 $0x0  }
0x12: {  	s1 =	sld [smem:$0x3F99];
	s0 =	simm.s32 @p0 $0x1  }
0x13: {  	[smem:$0x3FB4] =	sst s0;
	s0 =	simm.s32 @!p1 $0x0  }
0x14: {  	s2 =	sld [smem:$0x3F98];
	s0 =	simm.s32 @p1 $0x1  }
0x15: {  	[smem:$0x3FB5] =	sst s0;
	s0 =	simm.s32 @!p2 $0x0  }
0x16: {  	s3 =	sld [smem:$0x3FDB];
	s0 =	simm.s32 @p2 $0x1  }
0x17: {  	s4 =	simm.s32 $0x1BF5;
	[smem:$0x3FB7] =	sst s0  }
0x18: {  	s0 =	sld [smem:$0x3F9A];
	_ =	swait.ge [sflag:s4], $0x0  }
0x19: {  	s7 =	sld [smem:$0x3F9B]  }
0x1a: {  	s8 =	sadd.s32 $0xFFFFE003, lr  }
0x1b: {  	s9 =	sadd.s32 $0xFFFFFEF7, lr;
	s5 =	simm.s32 $0xFFFFFFFF;
	p2 =	slt.u32 s8, $0xFFFFF086  }
0x1c: {  	p1 =	slt.u32 s9, $0xF7A;
	s5 =	simm.s32 @!p2 $0x0  }
0x1d: {  	s5 =	simm.s32 @p1 $0x1;
	p0 =	seq.s32 s7, s2  }
0x1e: {  	s7 =	smul.u32 @!p0 $0xF7A, s2;
	p2 =	seq.s32 @!p0 s5, $0x0  }
0x1f: {  	s9 =	smul.u32 $0xF7A, s1;
	s8 =	simm.s32 @!p0 $0x1BF5;
	p2 =	por !p2, p0  }
0x20: {  	[sflag:s8] =	ssyncset.s32 @!p0 $0xFFFFF086;
	s6 =	sadd.s32 @!p0 s3, s7;
	s7 =	simm.s32 @!p0 $0x108  }
0x21: {  	s3 =	sadd.s32 s3, s9;
	s6 =	sadd.s32 @!p0 $0x88, s6;
	s7 =	simm.s32 @p2 $0x1082  }
0x22: {  	[simem:s7], [sflag:s8] =	dma.local @!p0 [hbm:s6], $0xF7A  }
0x23: {  	s9 =	sor.u32 $0xD0000000, s2;
	s6 =	simm.s32 $0x108;
	_ =	swait.ge @!p0 [sflag:s8], $0x0  }
0x24: {  	s3 =	sadd.s32 $0x88, s3;
	s6 =	simm.s32 @!p1 $0x1082;
	[sflag:s4] =	ssyncset.s32 $0xFFFFF086  }
0x25: {  	[simem:s6], [sflag:s4] =	dma.local [hbm:s3], $0xF7A  }
0x26: {  	[smem:$0x3F9B] =	sst s1;
	(tag) =	ssettag s2;
	_ =	strace s9  }
0x27: {  	s1 =	sld [smem:$0x3FAB]  }
0x28: {  	s2 =	sld [smem:$0x3FAC]  }
0x29: {  	s4 =	sld [smem:$0x3FAE]  }
0x2a: {  	p0 =	seq.s32 s5, $0x0;
	s5 =	sld [smem:$0x3FAF]  }
0x2b: {  	s6 =	sld [smem:$0x3FB0]  }
0x2c: {  	s7 =	sld [smem:$0x3FB1]  }
0x2d: {  	s3 =	simm.s32 $0x108;
	s8 =	sld [smem:$0x3FB2]  }
0x2e: {  	s3 =	simm.s32 @!p0 $0x1082;
	s9 =	sld [smem:$0x3FB3]  }
0x2f: {  	lr =	sadd.s32 s0, s3;
	s0 =	sld [smem:$0x3FAA]  }
0x30: {  	s3 =	sld [smem:$0x3FAD]  }
0x31: {  	[smem:$0x3FB6] =	sst s10  }
0x32: {  	s10 =	sld [smem:$0x3FB4];
	_ =	sdelay $0x3  }
0x33: {  	p0 =	seq.s32 s10, $0x1;
	s10 =	sld [smem:$0x3FB6];
	_ =	sdelay $0x3  }
0x34: {  	[smem:$0x3FB6] =	sst s10  }
0x35: {  	s10 =	sld [smem:$0x3FB5];
	_ =	sdelay $0x3  }
0x36: {  	p1 =	seq.s32 s10, $0x1;
	s10 =	sld [smem:$0x3FB6];
	_ =	sdelay $0x3  }
0x37: {  	[smem:$0x3FB6] =	sst s10  }
0x38: {  	s10 =	sld [smem:$0x3FB7]  }
0x39: {  	_ = 	snop;
	(pc) =	sbr.ind lr, $3  }
0x3a: {  	_ = 	snop  }
0x3b: {  	_ = 	snop  }
0x3c: {  	p2 =	seq.s32 s10, $0x1;
	s10 =	sld [smem:$0x3FB6]  }
0x3d: {  	_ =	shalt  }
0x3e: {  	_ =	shalt  }
0x3f: {  	_ =	shalt  }
0x40: {  	_ =	shalt  }
0x41: {  	_ =	shalt  }
0x42: {  	_ =	shalt  }
0x43: {  	_ =	shalt  }
0x44: {  	_ =	shalt  }
0x45: {  	_ =	shalt  }
0x46: {  	_ =	shalt  }
0x47: {  	_ =	shalt  }
0x48: {  	_ =	shalt  }
0x49: {  	_ =	shalt  }
0x4a: {  	_ =	shalt  }
0x4b: {  	_ =	shalt  }
0x4c: {  	_ =	shalt  }
0x4d: {  	_ =	shalt  }
0x4e: {  	_ =	shalt  }
0x4f: {  	_ =	shalt  }
0x50: {  	_ =	shalt  }
0x51: {  	_ =	shalt  }
0x52: {  	_ =	shalt  }
0x53: {  	_ =	shalt  }
0x54: {  	_ =	shalt  }
0x55: {  	_ =	shalt  }
0x56: {  	_ =	shalt  }
0x57: {  	_ =	shalt  }
0x58: {  	_ =	shalt  }
0x59: {  	_ =	shalt  }
0x5a: {  	_ =	shalt  }
0x5b: {  	_ =	shalt  }
0x5c: {  	_ =	shalt  }
0x5d: {  	_ =	shalt  }
0x5e: {  	_ =	shalt  }
0x5f: {  	_ =	shalt  }
0x60: {  	_ =	shalt  }
0x61: {  	_ =	shalt  }
0x62: {  	_ =	shalt  }
0x63: {  	_ =	shalt  }
0x64: {  	_ =	shalt  }
0x65: {  	_ =	shalt  }
0x66: {  	_ =	shalt  }
0x67: {  	_ =	shalt  }
0x68: {  	_ =	shalt  }
0x69: {  	_ =	shalt  }
0x6a: {  	_ =	shalt  }
0x6b: {  	_ =	shalt  }
0x6c: {  	_ =	shalt  }
0x6d: {  	_ =	shalt  }
0x6e: {  	_ =	shalt  }
0x6f: {  	_ =	shalt  }
0x70: {  	_ =	shalt  }
0x71: {  	_ =	shalt  }
0x72: {  	_ =	shalt  }
0x73: {  	_ =	shalt  }
0x74: {  	_ =	shalt  }
0x75: {  	_ =	shalt  }
0x76: {  	_ =	shalt  }
0x77: {  	_ =	shalt  }
0x78: {  	_ =	shalt  }
0x79: {  	_ =	shalt  }
0x7a: {  	_ =	shalt  }
0x7b: {  	_ =	shalt  }
0x7c: {  	_ =	shalt  }
0x7d: {  	_ =	shalt  }
0x7e: {  	_ =	shalt  }
0x7f: {  	_ =	shalt  }
0x80: {  	_ =	shalt  }
0x81: {  	_ =	shalt  }
0x82: {  	_ =	shalt  }
0x83: {  	_ =	shalt  }
0x84: {  	_ =	shalt  }
0x85: {  	_ =	shalt  }
0x86: {  	_ =	shalt  }
0x87: {  	_ =	shalt  }
.Lfunc_end0:
.L_simem_size_0:
called_computation.1_lowered:
.L_overlay_start_0:
0x88: {  	s2 =	sld [smem:$0x3FD9]  }
0x89: {  	s3 =	sld [smem:$0x3FFE];
	_ =	sdelay $0x1  }
0x8a: {  	s1 =	srdreg.scid  }
0x8b: {  	s0 =	sand.u32 $0x1, s1  }
0x8c: {  	s16 =	sshll.u32 s0, $0xA;
	s2 =	sadd.s32 s3, s2  }
0x8d: {  	s2 =	sadd.s32 s2, s16  }
0x8e: {  	[smem:$0x3FC2] =	sst s2  }
0x8f: {  	_ = 	snop  }
0x90: {  	(tm) =	ssettm $0x1  }
0x91: {  	s17 =	sld [smem:$0x3FFB];
	_ =	sdelay $0x3  }
0x92: {  	_ =	strace s17  }
0x93: {  	s2 =	sld [smem:$0x3FFC];
	_ =	sdelay $0x3  }
0x94: {  	_ =	strace s2  }
0x95: {  	s2 =	sld [smem:$0x3FFD];
	_ =	sdelay $0x3  }
0x96: {  	_ =	strace s2  }
0x97: {  	_ =	strace $0x8FFFFFFF  }
0x98: {  	s18 =	sld [smem:$0x3FDB];
	_ =	sdelay $0x1  }
0x99: {  	s19 =	simm.s32 $_scs_section_size  }
0x9a: {  	s4 =	simm.s32 $_size__tile_overlayer_lowered;
	s5 =	simm.s32 $_tile_overlayer_lowered  }
0x9b: {  	s22 =	simm.s32 $0x1BFF;
	s21 =	sshll.u32 s5, $0x1;
	s2 =	sadd.s32 s19, s18  }
0x9c: {  	s6 =	simm.s32 $0x0;
	s20 =	sshll.u32 s4, $0x1;
	s4 =	sadd.s32 s21, s2  }
0x9d: {  	[timem:s6], [sflag:s22] =	dma.local [hbm:s4], s20  }
0x9e: {  	_ =	swait.ge [sflag:s22], s20  }
0x9f: {  	s3 =	ssub.s32 $0x0, s20;
	[sflag:s22] =	ssyncset.done $0x0  }
0xa0: {  	[sflag:s22] =	ssyncadd.s32 s3;
	_ =	sdelay $0x1  }
0xa1: {  	s23 =	simm.s32 $0x1B8B  }
0xa2: {  	_ =	swait.ge [sflag:s23], $0x1  }
0xa3: {  	[sflag:s23] =	ssyncset.done $0x0  }
0xa4: {  	s25 =	simm.s32 $0x1B8E;
	s24 =	sld [smem:$0x3FFE];
	[sflag:s23] =	ssyncadd.s32 $0xFFFFFFFF  }
0xa5: {  	s26 =	simm.s32 $execute0_lowered;
	[smem:$0x3FD2] =	sst s25  }
0xa6: {  	s4 =	sshll.u32 s26, $0x1;
	_ =	strace $0x80000046;
	[dreg:$0x1] =	wrdreg $0xFFFFFFFF  }
0xa7: {  	s28 =	simm.s32 $_size_execute0_lowered;
	s2 =	sadd.s32 s2, s4;
	[dreg:$0x0] =	wrdreg $0x0  }
0xa8: {  	s4 =	sshll.u32 s28, $0x1;
	[dreg:$0x2] =	wrdreg s2  }
0xa9: {  	[dreg:$0x3] =	wrdreg s4  }
0xaa: {  	[dreg:$0x4] =	wrdreg $0xC0  }
0xab: {  	_ =	task [dreg:s6], $0x5FFFF  }
0xac: {  	[dreg:$0x1] =	wrdreg $0xFFFFFFFF  }
0xad: {  	[dreg:$0x0] =	wrdreg $0x60  }
0xae: {  	[dreg:$0x2] =	wrdreg s24  }
0xaf: {  	[dreg:$0x3] =	wrdreg $0xA  }
0xb0: {  	_ =	task.clear_ibuf [dreg:s6], $0x4FFFF;
	_ =	strace $0x90000046  }
0xb1: {  	s29 =	simm.s32 $0xA;
	_ =	strace $0x80000048  }
0xb2: {  	_ =	swait.ge [sflag:s29], $0x1  }
0xb3: {  	[sflag:s29] =	ssyncadd.s32 $0xFFFFFFFF  }
0xb4: {  	_ =	strace $0x90000048  }
0xb5: {  	_ =	sfence  }
0xb6: {  	s30 =	sld [smem:$0x0];
	_ =	sdelay $0x2  }
0xb7: {  	s31 =	sshll.u32 s1, $0xD;
	s1 =	sshrl.u32 s1, $0x2  }
0xb8: {  	s3 =	sand.u32 $0x4000, s31;
	s1 =	sadd.s32 s1, s30  }
0xb9: {  	s0 =	sor.u32 s3, s0;
	s1 =	sshll.u32 s1, $0x11  }
0xba: {  	s0 =	sor.u32 s1, s0  }
0xbb: {  	s0 =	sadd.s32 $0x8F2B, s0  }
0xbc: {  	[sflag:s0] =	ssyncadd.remote.s32 $0x1  }
0xbd: {  	_ =	sfence.sel $0xFFFF  }
0xbe: {  	[dreg:$0x0] =	wrdreg $0xFFFFFFFF;
	(pc) =	sbr.abs _section_cstart, $3  }
0xbf: {  	[dreg:$0x1] =	wrdreg $0xFFFFFFFF  }
0xc0: {  	_ =	task.clear_ibuf [dreg:s6], $0x2FFFF;
	_ =	strace $0x9FFFFFFF  }
0xc1: {  	(tm) =	ssettm $0x7FFFFFFF  }
tec
execute0_lowered:
.L_overlay_start_1:
0x0: {  	(tag) =	ssettag $0x1  }
0x1: {  	s0 =	rddreg [dreg:$0x0];
	s2 =	simm.s32 $0x0;
	s7 =	stileid.u32  }
0x2: {  	s1 =	srdreg.scid;
	s28 =	simm.s32 $0x2400;
	s29 =	simm.s32 $0x2800  }
0x3: {  	s30 =	simm.s32 $0x2C00;
	s31 =	simm.s32 $0x3000;
	[smem:$0x7FF] =	sst s2  }
0x4: {  	s1 =	sand.u32 $0x1, s1;
	s3 =	sshll.u32 s7, $0x1;
	s10 =	sshll.u32 s7, $0xD  }
0x5: {  	s5 =	sshll.u32 s7, $0x13;
	s7 =	sshll.u32 s7, $0xE;
	_ =	strace $0x80000047  }
0x6: {  	s4 =	sor.u32 s1, s3;
	s5 =	sand.u32 $0x200000, s5;
	s8 =	sand.u32 $0x18000, s10  }
0x7: {  	s7 =	sand.u32 $0x20000, s7;
	s3 =	sadd.s32 $0x1400, s0;
	s6 =	sshll.u32 s4, $0x12  }
0x8: {  	s1 =	ssub.s32 $0x2, s1;
	s0 =	sadd.s32 s8, s0;
	s6 =	sand.u32 $0x1C0000, s6  }
0x9: {  	s12 =	sshll.u32 s4, $0x4;
	s13 =	sshrl.u32 s1, $0x1;
	s5 =	sor.u32 s5, s6  }
0xa: {  	s14 =	sand.u32 $0x70, s12;
	s1 =	ssub.s32 s1, s13;
	s5 =	sor.u32 s7, s5  }
0xb: {  	s0 =	sadd.s32 s14, s0;
	s16 =	smax.u32 s1, $0x1;
	s11 =	sshrl.u32 s5, $0x4  }
0xc: {  	s0 =	sadd.s32 $0x41400, s0;
	[dreg:$0x4] =	wrdreg s16;
	s4 =	sadd.s32 s3, s11  }
0xd: {  	s9 =	simm.s32 $0x1;
	[dreg:$0x3] =	wrdreg s0;
	s15 =	sadd.s32 $0x400, s4  }
0xe: {  	s10 =	simm.s32 $0x4000;
	s17 =	sadd.s32 $0x40, s4;
	[dreg:$0x2] =	wrdreg s15  }
0xf: {  	s8 =	simm.s32 $0x3C00;
	s18 =	sadd.s32 $0x80, s4;
	[dreg:$0x5] =	wrdreg s17  }
0x10: {  	s12 =	simm.s32 $0x3;
	s19 =	sadd.s32 $0xC0, s4;
	[dreg:$0x6] =	wrdreg s18  }
0x11: {  	s1 =	simm.s32 $0x2000;
	s20 =	sadd.s32 $0x200, s4;
	[dreg:$0x7] =	wrdreg s19  }
0x12: {  	s6 =	sor.u32 $0x8000, s5;
	s21 =	sadd.s32 $0x240, s4;
	[dreg:$0x8] =	wrdreg s20  }
0x13: {  	s7 =	sor.u32 $0xC000, s5;
	s22 =	sadd.s32 $0x280, s4;
	[dreg:$0x9] =	wrdreg s21  }
0x14: {  	s0 =	simm.s32 $0x3400;
	s23 =	sadd.s32 $0x2C0, s4;
	[dreg:$0xa] =	wrdreg s22  }
0x15: {  	s5 =	simm.s32 $0x3800;
	s24 =	sadd.s32 $0x440, s4;
	[dreg:$0xb] =	wrdreg s23  }
.Ltmp0:
0x16: {  	s25 =	sadd.s32 $0x480, s4;
	[dreg:$0xc] =	wrdreg s24;
	(pc) =	sbr.rel .LBB2_1-.Ltmp0, $4  }
0x17: {  	s11 =	simm.s32 $0x2;
	s26 =	sadd.s32 $0x4C0, s4;
	[dreg:$0xd] =	wrdreg s25  }
0x18: {  	[dreg:$0xe] =	wrdreg s26;
	s20 =	sadd.s32 $0x600, s4;
	s21 =	sadd.s32 $0x640, s4  }
0x19: {  	s22 =	sadd.s32 $0x680, s4;
	s23 =	sadd.s32 $0x6C0, s4;
	s24 =	simm.s32 $0x200  }
0x1a: {  	v0 =	vimm.s32 $0x0;
	v1 =	vlaneseq.u32;
	v2 =	vimm.s32 $0x1;
	s25 =	simm.s32 $0x800;
	s15 =	simm.s32 $0x400;
	s26 =	simm.s32 $0x0  }
.LBB2_10:
0x1b: {  	s13 =	rddreg [dreg:$0x3];
	s15 =	simm.s32 $0x400;
	s14 =	simm.s32 $0x80  }
0x1c: {  	[hbm4b:s13+s14] =	stream.strided.scatter [tilespmem:s10], [sflag:$0x3], $0x8000, s15, s14, $0x38;
	[tilespmem:$0xC000] =	vst v63  }
0x1d: {  	_ =	swait.ge [sflag:s12], $0x8000  }
0x1e: {  	s2 =	sadd.s32 $0x1, s2;
	s19 =	rddreg [dreg:$0x4]  }
0x1f: {  	p0 =	sne.s32 s2, s19  }
.Ltmp1:
0x20: {  	_ = 	snop;
	(pc) =	sbr.rel @!p0 .LBB2_11-.Ltmp1, $3  }
0x21: {  	_ =	sdelay $0x1  }
0x22: {  	[sflag:s12] =	ssyncset.done $0x0  }
0x23: {  	[sflag:s12] =	ssyncadd.s32 $0xFFFF8000  }
.LBB2_1:
0x24: {  	s13 =	simm.s32 $0x4040  }
0x25: {  	[tilespmem:s13+$0xFFFFFFC0] =	vst v0  }
0x26: {  	[tilespmem:s13+$0x30] =	vst v0  }
0x27: {  	[tilespmem:s13+$0x20] =	vst v0  }
0x28: {  	[tilespmem:s13+$0x10] =	vst v0  }
0x29: {  	[tilespmem:s13+$0x0] =	vst v0  }
0x2a: {  	[tilespmem:s13+$0xFFFFFFF0] =	vst v0  }
0x2b: {  	s14 =	simm.s32 $0x0;
	[tilespmem:s13+$0xFFFFFFE0] =	vst v0  }
.LBB2_2:
0x2c: {  	s14 =	sadd.s32 $0x8, s14;
	[tilespmem:s13+$0xFFFFFFD0] =	vst v0;
	s13 =	sadd.s32 $0x80, s13  }
0x2d: {  	[tilespmem:s13+$0xFFFFFFC0] =	vst v0;
	p0 =	slt.u32 s14, $0x7F8  }
0x2e: {  	[tilespmem:s13+$0x30] =	vst v0  }
.Ltmp2:
0x2f: {  	[tilespmem:s13+$0x20] =	vst v0;
	(pc) =	sbr.rel @p0 .LBB2_2-.Ltmp2, $4  }
0x30: {  	[tilespmem:s13+$0x10] =	vst v0  }
0x31: {  	[tilespmem:s13+$0x0] =	vst v0  }
0x32: {  	[tilespmem:s13+$0xFFFFFFF0] =	vst v0  }
0x33: {  	[tilespmem:s13+$0xFFFFFFE0] =	vst v0  }
0x34: {  	[tilespmem:s13+$0xFFFFFFD0] =	vst v0  }
0x35: {  	[tilespmem:s26], [sflag:$0x1] =	stream.strided.gather [hbm4b:s4+s24], $0x400, s25, s24, $0x38;
	[tilespmem:$0xC000] =	vst v63  }
0x36: {  	s13 =	rddreg [dreg:$0x5]  }
0x37: {  	[tilespmem:s15], [sflag:$0x1] =	stream.strided.gather [hbm4b:s13+s24], $0x400, s25, s24, $0x38;
	[tilespmem:$0xC000] =	vst v63  }
0x38: {  	s18 =	rddreg [dreg:$0x6]  }
0x39: {  	[tilespmem:s25], [sflag:$0x1] =	stream.strided.gather [hbm4b:s18+s24], $0x400, s25, s24, $0x38;
	[tilespmem:$0xC000] =	vst v63  }
0x3a: {  	s14 =	simm.s32 $0xC00;
	s19 =	rddreg [dreg:$0x7]  }
0x3b: {  	[tilespmem:s14], [sflag:$0x1] =	stream.strided.gather [hbm4b:s19+s24], $0x400, s25, s24, $0x38;
	[tilespmem:$0xC000] =	vst v63  }
0x3c: {  	s15 =	simm.s32 $0x1000;
	s14 =	rddreg [dreg:$0x8]  }
0x3d: {  	[tilespmem:s15], [sflag:$0x1] =	stream.strided.gather [hbm4b:s14+s24], $0x400, s25, s24, $0x38;
	[tilespmem:$0xC000] =	vst v63  }
0x3e: {  	s17 =	simm.s32 $0x1400;
	s16 =	rddreg [dreg:$0x9]  }
0x3f: {  	[tilespmem:s17], [sflag:$0x1] =	stream.strided.gather [hbm4b:s16+s24], $0x400, s25, s24, $0x38;
	[tilespmem:$0xC000] =	vst v63  }
0x40: {  	s18 =	rddreg [dreg:$0xa];
	s19 =	simm.s32 $0x1800  }
0x41: {  	[tilespmem:s19], [sflag:$0x1] =	stream.strided.gather [hbm4b:s18+s24], $0x400, s25, s24, $0x38;
	[tilespmem:$0xC000] =	vst v63  }
0x42: {  	s14 =	rddreg [dreg:$0xb];
	s15 =	simm.s32 $0x1C00  }
0x43: {  	[tilespmem:s15], [sflag:$0x1] =	stream.strided.gather [hbm4b:s14+s24], $0x400, s25, s24, $0x38;
	[tilespmem:$0xC000] =	vst v63  }
0x44: {  	s16 =	rddreg [dreg:$0x2]  }
0x45: {  	[tilespmem:s1], [sflag:$0x2] =	stream.strided.gather [hbm4b:s16+s24], $0x400, s25, s24, $0x38;
	[tilespmem:$0xC000] =	vst v63  }
0x46: {  	s17 =	rddreg [dreg:$0xc]  }
0x47: {  	[tilespmem:s28], [sflag:$0x2] =	stream.strided.gather [hbm4b:s17+s24], $0x400, s25, s24, $0x38;
	[tilespmem:$0xC000] =	vst v63  }
0x48: {  	s18 =	rddreg [dreg:$0xd]  }
0x49: {  	[tilespmem:s29], [sflag:$0x2] =	stream.strided.gather [hbm4b:s18+s24], $0x400, s25, s24, $0x38;
	[tilespmem:$0xC000] =	vst v63  }
0x4a: {  	s19 =	rddreg [dreg:$0xe]  }
0x4b: {  	[tilespmem:s30], [sflag:$0x2] =	stream.strided.gather [hbm4b:s19+s24], $0x400, s25, s24, $0x38;
	[tilespmem:$0xC000] =	vst v63  }
0x4c: {  	_ = 	snop  }
0x4d: {  	[tilespmem:s31], [sflag:$0x2] =	stream.strided.gather [hbm4b:s20+s24], $0x400, s25, s24, $0x38;
	[tilespmem:$0xC000] =	vst v63  }
0x4e: {  	_ = 	snop  }
0x4f: {  	[tilespmem:s0], [sflag:$0x2] =	stream.strided.gather [hbm4b:s21+s24], $0x400, s25, s24, $0x38;
	[tilespmem:$0xC000] =	vst v63  }
0x50: {  	_ = 	snop  }
0x51: {  	[tilespmem:s5], [sflag:$0x2] =	stream.strided.gather [hbm4b:s22+s24], $0x400, s25, s24, $0x38;
	[tilespmem:$0xC000] =	vst v63  }
0x52: {  	s13 =	simm.s32 $0x0  }
0x53: {  	[tilespmem:s8], [sflag:$0x2] =	stream.strided.gather [hbm4b:s23+s24], $0x400, s25, s24, $0x38;
	[tilespmem:$0xC000] =	vst v63  }
.LBB2_4:
0x54: {  	_ =	swait.ge [sflag:s9], $0x2000;
	s14 =	sand.u32 $0x1000, s26;
	s15 =	simm.s32 $0x0  }
0x55: {  	s16 =	simm.s32 $0x0;
	s15 =	sand.u32 $0x1000, s15;
	s14 =	sshrl.u32 s14, $0x1  }
0x56: {  	[sflag:s9] =	ssyncset.done $0x0;
	s16 =	sand.u32 $0x380, s16;
	s14 =	sor.u32 s14, s15  }
0x57: {  	[sflag:s9] =	ssyncadd.s32 $0xFFFFE000;
	s14 =	sor.u32 s16, s14  }
0x58: {  	v3 =	vld [tilespmem:s14+$0x460]  }
0x59: {  	v4 =	vld [tilespmem:s14+$0x0]  }
0x5a: {  	v5 =	vld [tilespmem:s14+$0x20]  }
0x5b: {  	v6 =	vld [tilespmem:s14+$0x40]  }
0x5c: {  	v7 =	vld [tilespmem:s14+$0x60]  }
0x5d: {  	v8 =	vld [tilespmem:s14+$0x400]  }
0x5e: {  	v11 =	vld [tilespmem:s14+$0x420]  }
0x5f: {  	v13 =	vld [tilespmem:s14+$0x440];
	_ =	sdelay $0x1  }
0x60: {  	v9 =	vshrl.u32 v3, $0x3  }
0x61: {  	v10 =	vshrl.u32 v4, $0x13;
	v4 =	vshrl.u32 v4, $0x3;
	v12 =	vshrl.u32 v5, $0x3  }
0x62: {  	v3 =	vshrl.u32 v3, $0x13;
	v14 =	vshrl.u32 v6, $0x3;
	v15 =	vshrl.u32 v7, $0x3  }
0x63: {  	v16 =	vshrl.u32 v8, $0x3;
	v17 =	vshrl.u32 v11, $0x3;
	v18 =	vshrl.u32 v13, $0x3  }
0x64: {  	v5 =	vshrl.u32 v5, $0x13;
	v6 =	vshrl.u32 v6, $0x13;
	v7 =	vshrl.u32 v7, $0x13  }
0x65: {  	v8 =	vshrl.u32 v8, $0x13;
	v11 =	vshrl.u32 v11, $0x13;
	v13 =	vshrl.u32 v13, $0x13  }
0x66: {  	v9 =	vand.u32 $0x1FFF, v9;
	v3 =	vmin.u32 v3, $0x7FF;
	v4 =	vand.u32 $0x1FFF, v4  }
0x67: {  	v12 =	vand.u32 $0x1FFF, v12;
	v14 =	vand.u32 $0x1FFF, v14;
	v15 =	vand.u32 $0x1FFF, v15  }
0x68: {  	v16 =	vand.u32 $0x1FFF, v16;
	v17 =	vand.u32 $0x1FFF, v17;
	v18 =	vand.u32 $0x1FFF, v18  }
0x69: {  	s14 =	simm.s32 $0x1000;
	v10 =	vmin.u32 v10, $0x7FF;
	v5 =	vmin.u32 v5, $0x7FF;
	v6 =	vmin.u32 v6, $0x7FF  }
0x6a: {  	s18 =	simm.s32 $0x80;
	s17 =	sand.u32 $0x1000, s14;
	v7 =	vmin.u32 v7, $0x7FF;
	v8 =	vmin.u32 v8, $0x7FF;
	v11 =	vmin.u32 v11, $0x7FF  }
0x6b: {  	s16 =	sand.u32 $0x1000, s18;
	s15 =	sshrl.u32 s17, $0x1;
	s17 =	simm.s32 $0x20;
	v13 =	vmin.u32 v13, $0x7FF;
	v9 =	vmin.u32 v9, $0x7FF;
	v3 =	vshll.u32 v3, $0x4  }
0x6c: {  	s15 =	sor.u32 s15, s16;
	s19 =	sand.u32 $0x380, s17;
	v4 =	vmin.u32 v4, $0x7FF;
	v12 =	vmin.u32 v12, $0x7FF;
	v14 =	vmin.u32 v14, $0x7FF  }
0x6d: {  	s15 =	sor.u32 s19, s15;
	v15 =	vmin.u32 v15, $0x7FF;
	v16 =	vmin.u32 v16, $0x7FF;
	v9 =	vshll.u32 v9, $0x4  }
0x6e: {  	v19 =	vld [tilespmem:s15+$0x0];
	v17 =	vmin.u32 v17, $0x7FF;
	v7 =	vshll.u32 v7, $0x4;
	v9 =	vor.u32 v1, v9  }
0x6f: {  	v21 =	vld [tilespmem:s15+$0x20];
	v8 =	vshll.u32 v8, $0x4;
	v4 =	vshll.u32 v4, $0x4;
	v16 =	vshll.u32 v16, $0x4  }
0x70: {  	v24 =	vor.u32 v1, v7;
	v7 =	vor.u32 v1, v8;
	v8 =	vld [tilespmem:s15+$0x400];
	v20 =	vor.u32 v1, v4  }
0x71: {  	v13 =	vshll.u32 v13, $0x4;
	v3 =	vor.u32 v1, v3;
	v23 =	vor.u32 v1, v16;
	v16 =	vld [tilespmem:s15+$0x60]  }
0x72: {  	v12 =	vshll.u32 v12, $0x4;
	v14 =	vshll.u32 v14, $0x4;
	v4 =	vor.u32 v1, v13;
	v13 =	vld [tilespmem:s15+$0x420]  }
0x73: {  	v18 =	vmin.u32 v18, $0x7FF;
	v12 =	vor.u32 v1, v12;
	v14 =	vor.u32 v1, v14;
	[tilespmem:v9+s10+$0x0] =	vst.idx.add.s32.msk $0xffff, v2  }
0x74: {  	v9 =	vshll.u32 v10, $0x4;
	v10 =	vshll.u32 v17, $0x4;
	v17 =	vshll.u32 v18, $0x4;
	v18 =	vld [tilespmem:s15+$0x460]  }
0x75: {  	v6 =	vshll.u32 v6, $0x4;
	v11 =	vshll.u32 v11, $0x4;
	v15 =	vshll.u32 v15, $0x4;
	[tilespmem:v20+s10+$0x0] =	vst.idx.add.s32.msk $0xffff, v2  }
0x76: {  	v22 =	vor.u32 v1, v15;
	v26 =	vshrl.u32 v19, $0x13;
	v63 =	vshrl.u32 v21, $0x3;
	[tilespmem:v3+s10+$0x0] =	vst.idx.add.s32.msk $0xffff, v2  }
0x77: {  	v31 =	vshrl.u32 v21, $0x13;
	v3 =	vshll.u32 v5, $0x4;
	v5 =	vor.u32 v1, v10;
	v10 =	vld [tilespmem:s15+$0x40]  }
0x78: {  	v20 =	vshrl.u32 v16, $0x3;
	[tilespmem:v12+s10+$0x0] =	vst.idx.add.s32.msk $0xffff, v2;
	v12 =	vshrl.u32 v13, $0x3;
	v9 =	vor.u32 v1, v9  }
0x79: {  	[tilespmem:v14+s10+$0x0] =	vst.idx.add.s32.msk $0xffff, v2;
	v14 =	vshrl.u32 v16, $0x13;
	v21 =	vand.u32 $0x1FFF, v12;
	v12 =	vshrl.u32 v8, $0x13  }
0x7a: {  	v27 =	vld [tilespmem:s15+$0x440];
	v15 =	vor.u32 v1, v3;
	v3 =	vor.u32 v1, v17;
	v17 =	vor.u32 v1, v6  }
0x7b: {  	v6 =	vor.u32 v1, v11;
	v11 =	vshrl.u32 v19, $0x3;
	v25 =	vshrl.u32 v18, $0x3  }
0x7c: {  	v18 =	vshrl.u32 v18, $0x13;
	v19 =	vand.u32 $0x1FFF, v25;
	v28 =	vshrl.u32 v10, $0x3  }
0x7d: {  	v18 =	vmin.u32 v18, $0x7FF;
	[tilespmem:v9+s10+$0x0] =	vst.idx.add.s32.msk $0xffff, v2;
	v9 =	vand.u32 $0x1FFF, v11;
	v19 =	vmin.u32 v19, $0x7FF  }
0x7e: {  	v11 =	vshrl.u32 v8, $0x3;
	v25 =	vand.u32 $0x1FFF, v63;
	v19 =	vshll.u32 v19, $0x4  }
0x7f: {  	[tilespmem:v22+s10+$0x0] =	vst.idx.add.s32.msk $0xffff, v2;
	v8 =	vshrl.u32 v27, $0x13;
	v18 =	vshll.u32 v18, $0x4;
	v19 =	vor.u32 v1, v19  }
0x80: {  	v28 =	vand.u32 $0x1FFF, v28;
	[tilespmem:v15+s10+$0x0] =	vst.idx.add.s32.msk $0xffff, v2;
	v15 =	vand.u32 $0x1FFF, v20;
	v29 =	vor.u32 v1, v18  }
0x81: {  	v30 =	vand.u32 $0x1FFF, v11;
	v11 =	vshrl.u32 v27, $0x3;
	[tilespmem:v17+s10+$0x0] =	vst.idx.add.s32.msk $0xffff, v2;
	v17 =	vshrl.u32 v10, $0x13  }
0x82: {  	[tilespmem:v23+s10+$0x0] =	vst.idx.add.s32.msk $0xffff, v2;
	v20 =	vmin.u32 v25, $0x7FF;
	v10 =	vmin.u32 v21, $0x7FF;
	v21 =	vmin.u32 v26, $0x7FF  }
0x83: {  	[tilespmem:v24+s10+$0x0] =	vst.idx.add.s32.msk $0xffff, v2;
	v32 =	vand.u32 $0x1FFF, v11;
	v18 =	vmin.u32 v9, $0x7FF;
	v11 =	vshrl.u32 v13, $0x13  }
0x84: {  	v16 =	vmin.u32 v28, $0x7FF;
	v15 =	vmin.u32 v15, $0x7FF;
	v13 =	vmin.u32 v30, $0x7FF;
	[tilespmem:v19+s10+$0x0] =	vst.idx.add.s32.msk $0xffff, v2  }
0x85: {  	s15 =	simm.s32 $0x8;
	v17 =	vmin.u32 v17, $0x7FF;
	v9 =	vmin.u32 v32, $0x7FF;
	v19 =	vmin.u32 v31, $0x7FF;
	[tilespmem:v29+s10+$0x0] =	vst.idx.add.s32.msk $0xffff, v2  }
.LBB2_5:
0x86: {  	s15 =	sadd.s32 $0x8, s15;
	v14 =	vmin.u32 v14, $0x7FF;
	v12 =	vmin.u32 v12, $0x7FF;
	v11 =	vmin.u32 v11, $0x7FF;
	s14 =	sadd.s32 $0x1000, s14;
	[tilespmem:v7+s10+$0x0] =	vst.idx.add.s32.msk $0xffff, v2  }
0x87: {  	v7 =	vshll.u32 v18, $0x4;
	v18 =	vshll.u32 v20, $0x4;
	v8 =	vmin.u32 v8, $0x7FF;
	s16 =	sand.u32 $0x1000, s14;
	s17 =	sshll.u32 s15, $0x4;
	p0 =	slt.u32 s15, $0x1F8;
	[tilespmem:v5+s10+$0x0] =	vst.idx.add.s32.msk $0xffff, v2  }
0x88: {  	v15 =	vshll.u32 v15, $0x4;
	v13 =	vshll.u32 v13, $0x4;
	s18 =	sshll.u32 s15, $0x2;
	v5 =	vshll.u32 v16, $0x4;
	s17 =	sand.u32 $0x1000, s17;
	s16 =	sshrl.u32 s16, $0x1;
	[tilespmem:v6+s10+$0x0] =	vst.idx.add.s32.msk $0xffff, v2  }
0x89: {  	v10 =	vshll.u32 v10, $0x4;
	v9 =	vshll.u32 v9, $0x4;
	v6 =	vshll.u32 v21, $0x4;
	s16 =	sor.u32 s16, s17;
	s17 =	sand.u32 $0x380, s18;
	[tilespmem:v3+s10+$0x0] =	vst.idx.add.s32.msk $0xffff, v2  }
0x8a: {  	v16 =	vshll.u32 v17, $0x4;
	v14 =	vshll.u32 v14, $0x4;
	v3 =	vshll.u32 v19, $0x4;
	s16 =	sor.u32 s17, s16;
	[tilespmem:v4+s10+$0x0] =	vst.idx.add.s32.msk $0xffff, v2  }
0x8b: {  	v11 =	vshll.u32 v11, $0x4;
	v8 =	vshll.u32 v8, $0x4;
	v4 =	vshll.u32 v12, $0x4;
	v17 =	vld [tilespmem:s16+$0x460]  }
0x8c: {  	v18 =	vor.u32 v1, v18;
	v20 =	vor.u32 v1, v5;
	v19 =	vor.u32 v1, v7;
	v12 =	vld [tilespmem:s16+$0x0]  }
0x8d: {  	v22 =	vor.u32 v1, v15;
	v23 =	vor.u32 v1, v13;
	v5 =	vor.u32 v1, v10;
	v21 =	vld [tilespmem:s16+$0x20]  }
0x8e: {  	v13 =	vor.u32 v1, v6;
	v15 =	vor.u32 v1, v3;
	v3 =	vor.u32 v1, v9;
	v10 =	vld [tilespmem:s16+$0x40]  }
0x8f: {  	v16 =	vor.u32 v1, v16;
	v24 =	vor.u32 v1, v14;
	v7 =	vor.u32 v1, v4;
	v9 =	vld [tilespmem:s16+$0x60]  }
0x90: {  	v6 =	vor.u32 v1, v11;
	v4 =	vor.u32 v1, v8;
	v25 =	vld [tilespmem:s16+$0x400];
	v14 =	vshrl.u32 v17, $0x3  }
0x91: {  	v26 =	vshrl.u32 v12, $0x13;
	v8 =	vshrl.u32 v12, $0x3;
	v11 =	vld [tilespmem:s16+$0x420];
	v12 =	vand.u32 $0x1FFF, v14  }
0x92: {  	v17 =	vshrl.u32 v17, $0x13;
	v14 =	vshrl.u32 v21, $0x3;
	v27 =	vld [tilespmem:s16+$0x440];
	v12 =	vmin.u32 v12, $0x7FF  }
0x93: {  	v17 =	vmin.u32 v17, $0x7FF;
	v28 =	vshrl.u32 v10, $0x3;
	v12 =	vshll.u32 v12, $0x4;
	[tilespmem:v19+s10+$0x0] =	vst.idx.add.s32.msk $0xffff, v2  }
0x94: {  	v19 =	vshrl.u32 v9, $0x3;
	v29 =	vor.u32 v1, v12;
	v12 =	vshll.u32 v17, $0x4;
	[tilespmem:v13+s10+$0x0] =	vst.idx.add.s32.msk $0xffff, v2  }
0x95: {  	v8 =	vand.u32 $0x1FFF, v8;
	v13 =	vshrl.u32 v25, $0x3;
	v17 =	vor.u32 v1, v12;
	[tilespmem:v18+s10+$0x0] =	vst.idx.add.s32.msk $0xffff, v2  }
0x96: {  	v30 =	vand.u32 $0x1FFF, v14;
	v28 =	vand.u32 $0x1FFF, v28;
	v12 =	vshrl.u32 v11, $0x3;
	[tilespmem:v15+s10+$0x0] =	vst.idx.add.s32.msk $0xffff, v2  }
0x97: {  	v15 =	vand.u32 $0x1FFF, v19;
	v13 =	vand.u32 $0x1FFF, v13;
	v14 =	vshrl.u32 v27, $0x3;
	[tilespmem:v20+s10+$0x0] =	vst.idx.add.s32.msk $0xffff, v2  }
0x98: {  	v19 =	vshrl.u32 v21, $0x13;
	v21 =	vand.u32 $0x1FFF, v12;
	v31 =	vand.u32 $0x1FFF, v14;
	[tilespmem:v16+s10+$0x0] =	vst.idx.add.s32.msk $0xffff, v2  }
.Ltmp3:
0x99: {  	v32 =	vshrl.u32 v10, $0x13;
	v12 =	vshrl.u32 v25, $0x13;
	v14 =	vshrl.u32 v9, $0x13;
	[tilespmem:v29+s10+$0x0] =	vst.idx.add.s32.msk $0xffff, v2;
	(pc) =	sbr.rel @p0 .LBB2_5-.Ltmp3, $4  }
0x9a: {  	v18 =	vmin.u32 v8, $0x7FF;
	v11 =	vshrl.u32 v11, $0x13;
	v8 =	vshrl.u32 v27, $0x13;
	[tilespmem:v17+s10+$0x0] =	vst.idx.add.s32.msk $0xffff, v2  }
0x9b: {  	v20 =	vmin.u32 v30, $0x7FF;
	v15 =	vmin.u32 v15, $0x7FF;
	v16 =	vmin.u32 v28, $0x7FF;
	[tilespmem:v22+s10+$0x0] =	vst.idx.add.s32.msk $0xffff, v2  }
0x9c: {  	v13 =	vmin.u32 v13, $0x7FF;
	v10 =	vmin.u32 v21, $0x7FF;
	v9 =	vmin.u32 v31, $0x7FF;
	[tilespmem:v24+s10+$0x0] =	vst.idx.add.s32.msk $0xffff, v2  }
0x9d: {  	v19 =	vmin.u32 v19, $0x7FF;
	v21 =	vmin.u32 v26, $0x7FF;
	v17 =	vmin.u32 v32, $0x7FF;
	[tilespmem:v23+s10+$0x0] =	vst.idx.add.s32.msk $0xffff, v2  }
0x9e: {  	_ =	sdelay $0x3  }
0x9f: {  	v18 =	vshll.u32 v18, $0x4;
	[tilespmem:v7+s10+$0x0] =	vst.idx.add.s32.msk $0xffff, v2  }
0xa0: {  	v7 =	vshll.u32 v21, $0x4;
	v20 =	vshll.u32 v20, $0x4;
	[tilespmem:v5+s10+$0x0] =	vst.idx.add.s32.msk $0xffff, v2;
	v18 =	vor.u32 v1, v18  }
0xa1: {  	v16 =	vshll.u32 v16, $0x4;
	[tilespmem:v3+s10+$0x0] =	vst.idx.add.s32.msk $0xffff, v2;
	v5 =	vor.u32 v1, v7;
	v7 =	vor.u32 v1, v20  }
0xa2: {  	[tilespmem:v4+s10+$0x0] =	vst.idx.add.s32.msk $0xffff, v2;
	v4 =	vor.u32 v1, v16  }
0xa3: {  	[tilespmem:v6+s10+$0x0] =	vst.idx.add.s32.msk $0xffff, v2;
	v6 =	vshll.u32 v19, $0x4  }
0xa4: {  	v15 =	vshll.u32 v15, $0x4;
	v3 =	vor.u32 v1, v6  }
0xa5: {  	v15 =	vor.u32 v1, v15;
	v6 =	vshll.u32 v17, $0x4;
	[tilespmem:v18+s10+$0x0] =	vst.idx.add.s32.msk $0xffff, v2  }
0xa6: {  	v14 =	vmin.u32 v14, $0x7FF;
	v10 =	vshll.u32 v10, $0x4;
	v6 =	vor.u32 v1, v6;
	[tilespmem:v7+s10+$0x0] =	vst.idx.add.s32.msk $0xffff, v2  }
0xa7: {  	v14 =	vshll.u32 v14, $0x4;
	[tilespmem:v4+s10+$0x0] =	vst.idx.add.s32.msk $0xffff, v2;
	v4 =	vor.u32 v1, v10  }
0xa8: {  	[tilespmem:v5+s10+$0x0] =	vst.idx.add.s32.msk $0xffff, v2;
	v5 =	vmin.u32 v12, $0x7FF;
	v12 =	vshll.u32 v13, $0x4;
	v13 =	vor.u32 v1, v14  }
0xa9: {  	[tilespmem:v3+s10+$0x0] =	vst.idx.add.s32.msk $0xffff, v2;
	v3 =	vmin.u32 v11, $0x7FF;
	v5 =	vshll.u32 v5, $0x4;
	v7 =	vor.u32 v1, v12  }
0xaa: {  	[tilespmem:v15+s10+$0x0] =	vst.idx.add.s32.msk $0xffff, v2;
	v3 =	vshll.u32 v3, $0x4;
	v5 =	vor.u32 v1, v5  }
0xab: {  	[tilespmem:v6+s10+$0x0] =	vst.idx.add.s32.msk $0xffff, v2;
	v6 =	vmin.u32 v8, $0x7FF;
	v8 =	vshll.u32 v9, $0x4;
	v3 =	vor.u32 v1, v3  }
0xac: {  	v6 =	vshll.u32 v6, $0x4;
	v8 =	vor.u32 v1, v8;
	[tilespmem:v4+s10+$0x0] =	vst.idx.add.s32.msk $0xffff, v2  }
0xad: {  	v6 =	vor.u32 v1, v6;
	[tilespmem:v13+s10+$0x0] =	vst.idx.add.s32.msk $0xffff, v2  }
0xae: {  	[tilespmem:v7+s10+$0x0] =	vst.idx.add.s32.msk $0xffff, v2  }
0xaf: {  	s14 =	sshll.u32 s13, $0xF;
	p0 =	seq.s32 s13, $0x3;
	[tilespmem:v5+s10+$0x0] =	vst.idx.add.s32.msk $0xffff, v2  }
0xb0: {  	s15 =	sadd.s32 @!p0 s14, s6;
	[tilespmem:v3+s10+$0x0] =	vst.idx.add.s32.msk $0xffff, v2  }
0xb1: {  	s16 =	simm.s32 @!p0 $0x200;
	s15 =	sshrl.u32 @!p0 s15, $0x4;
	[tilespmem:v8+s10+$0x0] =	vst.idx.add.s32.msk $0xffff, v2  }
0xb2: {  	s17 =	simm.s32 @!p0 $0x800;
	s18 =	simm.s32 @!p0 $0x0;
	s15 =	sadd.s32 @!p0 s3, s15;
	[tilespmem:v6+s10+$0x0] =	vst.idx.add.s32.msk $0xffff, v2  }
0xb3: {  	[tilespmem:s18], [sflag:$0x1] =	stream.strided.gather @!p0 [hbm4b:s15+s16], $0x400, s17, s16, $0x38;
	[tilespmem:$0xC000] =	vst v63  }
0xb4: {  	s19 =	simm.s32 @!p0 $0x400;
	s18 =	sadd.s32 @!p0 $0x40, s15  }
0xb5: {  	[tilespmem:s19], [sflag:$0x1] =	stream.strided.gather @!p0 [hbm4b:s18+s16], $0x400, s17, s16, $0x38;
	[tilespmem:$0xC000] =	vst v63  }
0xb6: {  	s18 =	sadd.s32 @!p0 $0x80, s15  }
0xb7: {  	[tilespmem:s17], [sflag:$0x1] =	stream.strided.gather @!p0 [hbm4b:s18+s16], $0x400, s17, s16, $0x38;
	[tilespmem:$0xC000] =	vst v63  }
0xb8: {  	s19 =	simm.s32 @!p0 $0xC00;
	s18 =	sadd.s32 @!p0 $0xC0, s15  }
0xb9: {  	[tilespmem:s19], [sflag:$0x1] =	stream.strided.gather @!p0 [hbm4b:s18+s16], $0x400, s17, s16, $0x38;
	[tilespmem:$0xC000] =	vst v63  }
0xba: {  	s18 =	sadd.s32 @!p0 $0x200, s15;
	s19 =	simm.s32 @!p0 $0x1000  }
0xbb: {  	[tilespmem:s19], [sflag:$0x1] =	stream.strided.gather @!p0 [hbm4b:s18+s16], $0x400, s17, s16, $0x38;
	[tilespmem:$0xC000] =	vst v63  }
0xbc: {  	s18 =	sadd.s32 @!p0 $0x240, s15;
	s19 =	simm.s32 @!p0 $0x1400  }
0xbd: {  	[tilespmem:s19], [sflag:$0x1] =	stream.strided.gather @!p0 [hbm4b:s18+s16], $0x400, s17, s16, $0x38;
	[tilespmem:$0xC000] =	vst v63  }
0xbe: {  	s18 =	sadd.s32 @!p0 $0x280, s15;
	s19 =	simm.s32 @!p0 $0x1800  }
0xbf: {  	[tilespmem:s19], [sflag:$0x1] =	stream.strided.gather @!p0 [hbm4b:s18+s16], $0x400, s17, s16, $0x38;
	[tilespmem:$0xC000] =	vst v63  }
0xc0: {  	s15 =	sadd.s32 @!p0 $0x2C0, s15;
	s18 =	simm.s32 @!p0 $0x1C00  }
0xc1: {  	[tilespmem:s18], [sflag:$0x1] =	stream.strided.gather @!p0 [hbm4b:s15+s16], $0x400, s17, s16, $0x38;
	[tilespmem:$0xC000] =	vst v63  }
0xc2: {  	s17 =	simm.s32 $0x0  }
0xc3: {  	s19 =	simm.s32 $0x0;
	s18 =	simm.s32 $0x0;
	s15 =	sand.u32 $0x1000, s17  }
0xc4: {  	_ =	swait.ge [sflag:s11], $0x2000;
	s16 =	sand.u32 $0x1000, s18;
	s15 =	sshrl.u32 s15, $0x1  }
0xc5: {  	s18 =	sand.u32 $0x380, s19;
	[sflag:s11] =	ssyncset.done $0x0;
	s15 =	sor.u32 s15, s16  }
0xc6: {  	[sflag:s11] =	ssyncadd.s32 $0xFFFFE000;
	s15 =	sor.u32 s18, s15  }
0xc7: {  	v3 =	vld [tilespmem:s15+$0x2460]  }
0xc8: {  	v4 =	vld [tilespmem:s15+$0x2000]  }
0xc9: {  	v5 =	vld [tilespmem:s15+$0x2020]  }
0xca: {  	v6 =	vld [tilespmem:s15+$0x2040]  }
0xcb: {  	v7 =	vld [tilespmem:s15+$0x2060]  }
0xcc: {  	v8 =	vld [tilespmem:s15+$0x2400]  }
0xcd: {  	v11 =	vld [tilespmem:s15+$0x2420]  }
0xce: {  	v13 =	vld [tilespmem:s15+$0x2440];
	_ =	sdelay $0x1  }
0xcf: {  	v9 =	vshrl.u32 v3, $0x3  }
0xd0: {  	v10 =	vshrl.u32 v4, $0x13;
	v4 =	vshrl.u32 v4, $0x3;
	v12 =	vshrl.u32 v5, $0x3  }
0xd1: {  	v3 =	vshrl.u32 v3, $0x13;
	v14 =	vshrl.u32 v6, $0x3;
	v15 =	vshrl.u32 v7, $0x3  }
0xd2: {  	v16 =	vshrl.u32 v8, $0x3;
	v17 =	vshrl.u32 v11, $0x3;
	v18 =	vshrl.u32 v13, $0x3  }
0xd3: {  	v5 =	vshrl.u32 v5, $0x13;
	v6 =	vshrl.u32 v6, $0x13;
	v7 =	vshrl.u32 v7, $0x13  }
0xd4: {  	v8 =	vshrl.u32 v8, $0x13;
	v11 =	vshrl.u32 v11, $0x13;
	v13 =	vshrl.u32 v13, $0x13  }
0xd5: {  	v9 =	vand.u32 $0x1FFF, v9;
	v3 =	vmin.u32 v3, $0x7FF;
	v4 =	vand.u32 $0x1FFF, v4  }
0xd6: {  	v12 =	vand.u32 $0x1FFF, v12;
	v14 =	vand.u32 $0x1FFF, v14;
	v15 =	vand.u32 $0x1FFF, v15  }
0xd7: {  	v16 =	vand.u32 $0x1FFF, v16;
	v17 =	vand.u32 $0x1FFF, v17;
	v18 =	vand.u32 $0x1FFF, v18  }
0xd8: {  	s15 =	simm.s32 $0x1000;
	v10 =	vmin.u32 v10, $0x7FF;
	v5 =	vmin.u32 v5, $0x7FF;
	v6 =	vmin.u32 v6, $0x7FF  }
0xd9: {  	s18 =	simm.s32 $0x80;
	s19 =	sand.u32 $0x1000, s15;
	v7 =	vmin.u32 v7, $0x7FF;
	v8 =	vmin.u32 v8, $0x7FF;
	v11 =	vmin.u32 v11, $0x7FF  }
0xda: {  	s17 =	sand.u32 $0x1000, s18;
	s16 =	sshrl.u32 s19, $0x1;
	s19 =	simm.s32 $0x20;
	v13 =	vmin.u32 v13, $0x7FF;
	v9 =	vmin.u32 v9, $0x7FF;
	v3 =	vshll.u32 v3, $0x4  }
0xdb: {  	s16 =	sor.u32 s16, s17;
	s19 =	sand.u32 $0x380, s19;
	v4 =	vmin.u32 v4, $0x7FF;
	v12 =	vmin.u32 v12, $0x7FF;
	v14 =	vmin.u32 v14, $0x7FF  }
0xdc: {  	s16 =	sor.u32 s19, s16;
	v15 =	vmin.u32 v15, $0x7FF;
	v16 =	vmin.u32 v16, $0x7FF;
	v9 =	vshll.u32 v9, $0x4  }
0xdd: {  	v19 =	vld [tilespmem:s16+$0x2000];
	v17 =	vmin.u32 v17, $0x7FF;
	v7 =	vshll.u32 v7, $0x4;
	v9 =	vor.u32 v1, v9  }
0xde: {  	v21 =	vld [tilespmem:s16+$0x2020];
	v8 =	vshll.u32 v8, $0x4;
	v4 =	vshll.u32 v4, $0x4;
	v16 =	vshll.u32 v16, $0x4  }
0xdf: {  	v24 =	vor.u32 v1, v7;
	v7 =	vor.u32 v1, v8;
	v8 =	vld [tilespmem:s16+$0x2400];
	v20 =	vor.u32 v1, v4  }
0xe0: {  	v13 =	vshll.u32 v13, $0x4;
	v3 =	vor.u32 v1, v3;
	v23 =	vor.u32 v1, v16;
	v16 =	vld [tilespmem:s16+$0x2060]  }
0xe1: {  	v12 =	vshll.u32 v12, $0x4;
	v14 =	vshll.u32 v14, $0x4;
	v4 =	vor.u32 v1, v13;
	v13 =	vld [tilespmem:s16+$0x2420]  }
0xe2: {  	v18 =	vmin.u32 v18, $0x7FF;
	v12 =	vor.u32 v1, v12;
	v14 =	vor.u32 v1, v14;
	[tilespmem:v9+s10+$0x0] =	vst.idx.add.s32.msk $0xffff, v2  }
0xe3: {  	v9 =	vshll.u32 v10, $0x4;
	v10 =	vshll.u32 v17, $0x4;
	v17 =	vshll.u32 v18, $0x4;
	v18 =	vld [tilespmem:s16+$0x2460]  }
0xe4: {  	v6 =	vshll.u32 v6, $0x4;
	v11 =	vshll.u32 v11, $0x4;
	v15 =	vshll.u32 v15, $0x4;
	[tilespmem:v20+s10+$0x0] =	vst.idx.add.s32.msk $0xffff, v2  }
0xe5: {  	v22 =	vor.u32 v1, v15;
	v26 =	vshrl.u32 v19, $0x13;
	v63 =	vshrl.u32 v21, $0x3;
	[tilespmem:v3+s10+$0x0] =	vst.idx.add.s32.msk $0xffff, v2  }
0xe6: {  	v31 =	vshrl.u32 v21, $0x13;
	v3 =	vshll.u32 v5, $0x4;
	v5 =	vor.u32 v1, v10;
	v10 =	vld [tilespmem:s16+$0x2040]  }
0xe7: {  	v20 =	vshrl.u32 v16, $0x3;
	[tilespmem:v12+s10+$0x0] =	vst.idx.add.s32.msk $0xffff, v2;
	v12 =	vshrl.u32 v13, $0x3;
	v9 =	vor.u32 v1, v9  }
0xe8: {  	[tilespmem:v14+s10+$0x0] =	vst.idx.add.s32.msk $0xffff, v2;
	v14 =	vshrl.u32 v16, $0x13;
	v21 =	vand.u32 $0x1FFF, v12;
	v12 =	vshrl.u32 v8, $0x13  }
0xe9: {  	v27 =	vld [tilespmem:s16+$0x2440];
	v15 =	vor.u32 v1, v3;
	v3 =	vor.u32 v1, v17;
	v17 =	vor.u32 v1, v6  }
0xea: {  	v6 =	vor.u32 v1, v11;
	v11 =	vshrl.u32 v19, $0x3;
	v25 =	vshrl.u32 v18, $0x3  }
0xeb: {  	v18 =	vshrl.u32 v18, $0x13;
	v19 =	vand.u32 $0x1FFF, v25;
	v28 =	vshrl.u32 v10, $0x3  }
0xec: {  	v18 =	vmin.u32 v18, $0x7FF;
	[tilespmem:v9+s10+$0x0] =	vst.idx.add.s32.msk $0xffff, v2;
	v9 =	vand.u32 $0x1FFF, v11;
	v19 =	vmin.u32 v19, $0x7FF  }
0xed: {  	v11 =	vshrl.u32 v8, $0x3;
	v25 =	vand.u32 $0x1FFF, v63;
	v19 =	vshll.u32 v19, $0x4  }
0xee: {  	[tilespmem:v22+s10+$0x0] =	vst.idx.add.s32.msk $0xffff, v2;
	v8 =	vshrl.u32 v27, $0x13;
	v18 =	vshll.u32 v18, $0x4;
	v19 =	vor.u32 v1, v19  }
0xef: {  	v28 =	vand.u32 $0x1FFF, v28;
	[tilespmem:v15+s10+$0x0] =	vst.idx.add.s32.msk $0xffff, v2;
	v15 =	vand.u32 $0x1FFF, v20;
	v29 =	vor.u32 v1, v18  }
0xf0: {  	v30 =	vand.u32 $0x1FFF, v11;
	v11 =	vshrl.u32 v27, $0x3;
	[tilespmem:v17+s10+$0x0] =	vst.idx.add.s32.msk $0xffff, v2;
	v17 =	vshrl.u32 v10, $0x13  }
0xf1: {  	[tilespmem:v23+s10+$0x0] =	vst.idx.add.s32.msk $0xffff, v2;
	v20 =	vmin.u32 v25, $0x7FF;
	v10 =	vmin.u32 v21, $0x7FF;
	v21 =	vmin.u32 v26, $0x7FF  }
0xf2: {  	[tilespmem:v24+s10+$0x0] =	vst.idx.add.s32.msk $0xffff, v2;
	v32 =	vand.u32 $0x1FFF, v11;
	v18 =	vmin.u32 v9, $0x7FF;
	v11 =	vshrl.u32 v13, $0x13  }
0xf3: {  	v16 =	vmin.u32 v28, $0x7FF;
	v15 =	vmin.u32 v15, $0x7FF;
	v13 =	vmin.u32 v30, $0x7FF;
	[tilespmem:v19+s10+$0x0] =	vst.idx.add.s32.msk $0xffff, v2  }
0xf4: {  	s16 =	simm.s32 $0x8;
	v17 =	vmin.u32 v17, $0x7FF;
	v9 =	vmin.u32 v32, $0x7FF;
	v19 =	vmin.u32 v31, $0x7FF;
	[tilespmem:v29+s10+$0x0] =	vst.idx.add.s32.msk $0xffff, v2  }
.LBB2_7:
0xf5: {  	s16 =	sadd.s32 $0x8, s16;
	v14 =	vmin.u32 v14, $0x7FF;
	v12 =	vmin.u32 v12, $0x7FF;
	v11 =	vmin.u32 v11, $0x7FF;
	s15 =	sadd.s32 $0x1000, s15;
	[tilespmem:v7+s10+$0x0] =	vst.idx.add.s32.msk $0xffff, v2  }
0xf6: {  	v7 =	vshll.u32 v18, $0x4;
	v18 =	vshll.u32 v20, $0x4;
	v8 =	vmin.u32 v8, $0x7FF;
	s17 =	sand.u32 $0x1000, s15;
	s18 =	sshll.u32 s16, $0x4;
	p1 =	slt.u32 s16, $0x1F8;
	[tilespmem:v5+s10+$0x0] =	vst.idx.add.s32.msk $0xffff, v2  }
0xf7: {  	v15 =	vshll.u32 v15, $0x4;
	v13 =	vshll.u32 v13, $0x4;
	s19 =	sshll.u32 s16, $0x2;
	v5 =	vshll.u32 v16, $0x4;
	s18 =	sand.u32 $0x1000, s18;
	s17 =	sshrl.u32 s17, $0x1;
	[tilespmem:v6+s10+$0x0] =	vst.idx.add.s32.msk $0xffff, v2  }
0xf8: {  	v10 =	vshll.u32 v10, $0x4;
	v9 =	vshll.u32 v9, $0x4;
	v6 =	vshll.u32 v21, $0x4;
	s17 =	sor.u32 s17, s18;
	s18 =	sand.u32 $0x380, s19;
	[tilespmem:v3+s10+$0x0] =	vst.idx.add.s32.msk $0xffff, v2  }
0xf9: {  	v16 =	vshll.u32 v17, $0x4;
	v14 =	vshll.u32 v14, $0x4;
	v3 =	vshll.u32 v19, $0x4;
	s17 =	sor.u32 s18, s17;
	[tilespmem:v4+s10+$0x0] =	vst.idx.add.s32.msk $0xffff, v2  }
0xfa: {  	v11 =	vshll.u32 v11, $0x4;
	v8 =	vshll.u32 v8, $0x4;
	v4 =	vshll.u32 v12, $0x4;
	v17 =	vld [tilespmem:s17+$0x2460]  }
0xfb: {  	v18 =	vor.u32 v1, v18;
	v20 =	vor.u32 v1, v5;
	v19 =	vor.u32 v1, v7;
	v12 =	vld [tilespmem:s17+$0x2000]  }
0xfc: {  	v22 =	vor.u32 v1, v15;
	v23 =	vor.u32 v1, v13;
	v5 =	vor.u32 v1, v10;
	v21 =	vld [tilespmem:s17+$0x2020]  }
0xfd: {  	v13 =	vor.u32 v1, v6;
	v15 =	vor.u32 v1, v3;
	v3 =	vor.u32 v1, v9;
	v10 =	vld [tilespmem:s17+$0x2040]  }
0xfe: {  	v16 =	vor.u32 v1, v16;
	v24 =	vor.u32 v1, v14;
	v7 =	vor.u32 v1, v4;
	v9 =	vld [tilespmem:s17+$0x2060]  }
0xff: {  	v6 =	vor.u32 v1, v11;
	v4 =	vor.u32 v1, v8;
	v25 =	vld [tilespmem:s17+$0x2400];
	v14 =	vshrl.u32 v17, $0x3  }
0x100: {  	v26 =	vshrl.u32 v12, $0x13;
	v8 =	vshrl.u32 v12, $0x3;
	v11 =	vld [tilespmem:s17+$0x2420];
	v12 =	vand.u32 $0x1FFF, v14  }
0x101: {  	v17 =	vshrl.u32 v17, $0x13;
	v14 =	vshrl.u32 v21, $0x3;
	v27 =	vld [tilespmem:s17+$0x2440];
	v12 =	vmin.u32 v12, $0x7FF  }
0x102: {  	v17 =	vmin.u32 v17, $0x7FF;
	v28 =	vshrl.u32 v10, $0x3;
	v12 =	vshll.u32 v12, $0x4;
	[tilespmem:v19+s10+$0x0] =	vst.idx.add.s32.msk $0xffff, v2  }
0x103: {  	v19 =	vshrl.u32 v9, $0x3;
	v29 =	vor.u32 v1, v12;
	v12 =	vshll.u32 v17, $0x4;
	[tilespmem:v13+s10+$0x0] =	vst.idx.add.s32.msk $0xffff, v2  }
0x104: {  	v8 =	vand.u32 $0x1FFF, v8;
	v13 =	vshrl.u32 v25, $0x3;
	v17 =	vor.u32 v1, v12;
	[tilespmem:v18+s10+$0x0] =	vst.idx.add.s32.msk $0xffff, v2  }
0x105: {  	v30 =	vand.u32 $0x1FFF, v14;
	v28 =	vand.u32 $0x1FFF, v28;
	v12 =	vshrl.u32 v11, $0x3;
	[tilespmem:v15+s10+$0x0] =	vst.idx.add.s32.msk $0xffff, v2  }
0x106: {  	v15 =	vand.u32 $0x1FFF, v19;
	v13 =	vand.u32 $0x1FFF, v13;
	v14 =	vshrl.u32 v27, $0x3;
	[tilespmem:v20+s10+$0x0] =	vst.idx.add.s32.msk $0xffff, v2  }
0x107: {  	v19 =	vshrl.u32 v21, $0x13;
	v21 =	vand.u32 $0x1FFF, v12;
	v31 =	vand.u32 $0x1FFF, v14;
	[tilespmem:v16+s10+$0x0] =	vst.idx.add.s32.msk $0xffff, v2  }
.Ltmp4:
0x108: {  	v32 =	vshrl.u32 v10, $0x13;
	v12 =	vshrl.u32 v25, $0x13;
	v14 =	vshrl.u32 v9, $0x13;
	[tilespmem:v29+s10+$0x0] =	vst.idx.add.s32.msk $0xffff, v2;
	(pc) =	sbr.rel @p1 .LBB2_7-.Ltmp4, $4  }
0x109: {  	v18 =	vmin.u32 v8, $0x7FF;
	v11 =	vshrl.u32 v11, $0x13;
	v8 =	vshrl.u32 v27, $0x13;
	[tilespmem:v17+s10+$0x0] =	vst.idx.add.s32.msk $0xffff, v2  }
0x10a: {  	v20 =	vmin.u32 v30, $0x7FF;
	v15 =	vmin.u32 v15, $0x7FF;
	v16 =	vmin.u32 v28, $0x7FF;
	[tilespmem:v22+s10+$0x0] =	vst.idx.add.s32.msk $0xffff, v2  }
0x10b: {  	v13 =	vmin.u32 v13, $0x7FF;
	v10 =	vmin.u32 v21, $0x7FF;
	v9 =	vmin.u32 v31, $0x7FF;
	[tilespmem:v24+s10+$0x0] =	vst.idx.add.s32.msk $0xffff, v2  }
0x10c: {  	v19 =	vmin.u32 v19, $0x7FF;
	v21 =	vmin.u32 v26, $0x7FF;
	v17 =	vmin.u32 v32, $0x7FF;
	[tilespmem:v23+s10+$0x0] =	vst.idx.add.s32.msk $0xffff, v2  }
0x10d: {  	_ =	sdelay $0x2  }
0x10e: {  	v18 =	vshll.u32 v18, $0x4  }
0x10f: {  	[tilespmem:v7+s10+$0x0] =	vst.idx.add.s32.msk $0xffff, v2;
	v20 =	vshll.u32 v20, $0x4;
	v18 =	vor.u32 v1, v18  }
0x110: {  	[tilespmem:v5+s10+$0x0] =	vst.idx.add.s32.msk $0xffff, v2;
	v16 =	vshll.u32 v16, $0x4;
	v54 =	vor.u32 v1, v20  }
0x111: {  	[tilespmem:v3+s10+$0x0] =	vst.idx.add.s32.msk $0xffff, v2;
	v15 =	vshll.u32 v15, $0x4;
	v56 =	vor.u32 v1, v16  }
0x112: {  	v58 =	vshll.u32 v13, $0x4;
	[tilespmem:v6+s10+$0x0] =	vst.idx.add.s32.msk $0xffff, v2;
	v15 =	vor.u32 v1, v15  }
0x113: {  	v53 =	vshll.u32 v19, $0x4;
	[tilespmem:v4+s10+$0x0] =	vst.idx.add.s32.msk $0xffff, v2;
	v60 =	vor.u32 v1, v58  }
0x114: {  	v55 =	vshll.u32 v17, $0x4;
	v3 =	vor.u32 v1, v53;
	[tilespmem:v18+s10+$0x0] =	vst.idx.add.s32.msk $0xffff, v2  }
0x115: {  	v10 =	vshll.u32 v10, $0x4;
	v6 =	vor.u32 v1, v55;
	[tilespmem:v54+s10+$0x0] =	vst.idx.add.s32.msk $0xffff, v2  }
0x116: {  	v51 =	vshll.u32 v21, $0x4;
	v63 =	vshll.u32 v9, $0x4;
	v61 =	vor.u32 v1, v10;
	[tilespmem:v56+s10+$0x0] =	vst.idx.add.s32.msk $0xffff, v2  }
0x117: {  	v14 =	vmin.u32 v14, $0x7FF;
	v62 =	vmin.u32 v8, $0x7FF;
	v8 =	vor.u32 v1, v63;
	[tilespmem:v15+s10+$0x0] =	vst.idx.add.s32.msk $0xffff, v2  }
0x118: {  	v57 =	vmin.u32 v12, $0x7FF;
	v52 =	vor.u32 v1, v51;
	v14 =	vshll.u32 v14, $0x4;
	[tilespmem:v60+s10+$0x0] =	vst.idx.add.s32.msk $0xffff, v2  }
0x119: {  	v5 =	vshll.u32 v57, $0x4;
	v59 =	vor.u32 v1, v14;
	[tilespmem:v3+s10+$0x0] =	vst.idx.add.s32.msk $0xffff, v2  }
0x11a: {  	v5 =	vor.u32 v1, v5;
	v3 =	vmin.u32 v11, $0x7FF;
	[tilespmem:v6+s10+$0x0] =	vst.idx.add.s32.msk $0xffff, v2;
	v6 =	vshll.u32 v62, $0x4  }
0x11b: {  	[tilespmem:v61+s10+$0x0] =	vst.idx.add.s32.msk $0xffff, v2;
	v3 =	vshll.u32 v3, $0x4;
	v6 =	vor.u32 v1, v6  }
0x11c: {  	[tilespmem:v8+s10+$0x0] =	vst.idx.add.s32.msk $0xffff, v2;
	v3 =	vor.u32 v1, v3  }
.Ltmp5:
0x11d: {  	[tilespmem:v52+s10+$0x0] =	vst.idx.add.s32.msk $0xffff, v2;
	(pc) =	sbr.rel @p0 .LBB2_10-.Ltmp5, $4  }
0x11e: {  	[tilespmem:v59+s10+$0x0] =	vst.idx.add.s32.msk $0xffff, v2  }
0x11f: {  	[tilespmem:v5+s10+$0x0] =	vst.idx.add.s32.msk $0xffff, v2  }
0x120: {  	[tilespmem:v6+s10+$0x0] =	vst.idx.add.s32.msk $0xffff, v2  }
0x121: {  	[tilespmem:v3+s10+$0x0] =	vst.idx.add.s32.msk $0xffff, v2  }
0x122: {  	s14 =	sadd.s32 s14, s7  }
0x123: {  	s14 =	sshrl.u32 s14, $0x4  }
0x124: {  	s14 =	sadd.s32 s3, s14  }
0x125: {  	[tilespmem:s1], [sflag:$0x2] =	stream.strided.gather [hbm4b:s14+s24], $0x400, s25, s24, $0x38;
	[tilespmem:$0xC000] =	vst v63  }
0x126: {  	s15 =	sadd.s32 $0x40, s14  }
0x127: {  	[tilespmem:s28], [sflag:$0x2] =	stream.strided.gather [hbm4b:s15+s24], $0x400, s25, s24, $0x38;
	[tilespmem:$0xC000] =	vst v63  }
0x128: {  	s19 =	sadd.s32 $0x80, s14  }
0x129: {  	[tilespmem:s29], [sflag:$0x2] =	stream.strided.gather [hbm4b:s19+s24], $0x400, s25, s24, $0x38;
	[tilespmem:$0xC000] =	vst v63  }
0x12a: {  	s16 =	sadd.s32 $0xC0, s14  }
0x12b: {  	[tilespmem:s30], [sflag:$0x2] =	stream.strided.gather [hbm4b:s16+s24], $0x400, s25, s24, $0x38;
	[tilespmem:$0xC000] =	vst v63  }
0x12c: {  	s17 =	sadd.s32 $0x200, s14  }
0x12d: {  	[tilespmem:s31], [sflag:$0x2] =	stream.strided.gather [hbm4b:s17+s24], $0x400, s25, s24, $0x38;
	[tilespmem:$0xC000] =	vst v63  }
0x12e: {  	s18 =	sadd.s32 $0x240, s14  }
0x12f: {  	[tilespmem:s0], [sflag:$0x2] =	stream.strided.gather [hbm4b:s18+s24], $0x400, s25, s24, $0x38;
	[tilespmem:$0xC000] =	vst v63  }
.Ltmp6:
0x130: {  	_ = 	snop;
	(pc) =	sbr.rel .LBB2_4-.Ltmp6, $4  }
0x131: {  	s19 =	sadd.s32 $0x280, s14  }
0x132: {  	[tilespmem:s5], [sflag:$0x2] =	stream.strided.gather [hbm4b:s19+s24], $0x400, s25, s24, $0x38;
	[tilespmem:$0xC000] =	vst v63  }
0x133: {  	s13 =	sadd.s32 $0x1, s13;
	s14 =	sadd.s32 $0x2C0, s14  }
0x134: {  	[tilespmem:s8], [sflag:$0x2] =	stream.strided.gather [hbm4b:s14+s24], $0x400, s25, s24, $0x38;
	[tilespmem:$0xC000] =	vst v63  }
.LBB2_11:
0x135: {  	_ =	sfence.sel $0x180000  }
0x136: {  	[bflag:$0x0] =	sbarrier.arrive $0xFFFF  }
0x137: {  	_ =	strace $0x90000047  }
0x138: {  	s0 =	stileid.u32;
	[bflag:$0x2] =	sbarrier.arrive $0xFFFF  }
0x139: {  	p0 =	sne.s32 s0, $0x0;
	s0 =	rddreg [dreg:$0x1]  }
0x13a: {  	s0 =	sadd.s32 @!p0 $0x100000, s0  }
0x13b: {  	[sflag:s0] =	ssyncadd.tile.s32 @!p0 $0x1;
	_ =	shalt  }
.Lfunc_end2:
_tile_overlayer_lowered:
.L_overlay_start_2:
0x13c: {  	(tag) =	ssettag $0x2  }
0x13d: {  	s0 =	rddreg [dreg:$0x0];
	s2 =	stileid.u32  }
0x13e: {  	s1 =	rddreg [dreg:$0x1];
	p0 =	sne.s32 s2, $0x0  }
0x13f: {  	s3 =	rddreg [dreg:$0x2];
	[bflag:$0x3] =	sbarrier.arrive $0xFFFF;
	s2 =	simm.s32 @!p0 $0x1C03  }
0x140: {  	[timem:s3], [sflag:s2] =	dma.local @!p0 [hbm:s0], s1  }
0x141: {  	s0 =	simm.s32 @!p0 $0x3  }
0x142: {  	_ =	swait.ge @!p0 [sflag:s0], s1  }
0x143: {  	s1 =	ssub.s32 @!p0 $0x0, s1;
	[sflag:s0] =	ssyncset.done @!p0 $0x0  }
0x144: {  	[sflag:s0] =	ssyncadd.s32 @!p0 s1  }
0x145: {  	[bflag:$0x3] =	sbarrier.arrive $0xFFFF  }
0x146: {  	_ =	shalt  }

// kernel: kernel.7.cloned.1.call-start
scs
__scs_entry_jumppad:
0x0: {  	(pc) =	sbr.rel $0x88, $3  }
0x1: {  	(tag) =	ssettag $0x0;
	lr =	simm.s32 $0x1  }
0x2: {  	[smem:$0x3F9B] =	sst lr;
	_ =	strace $0xD0000000  }
0x3: {  	_ = 	snop  }
0x4: {  	_ = 	snop  }
0x5: {  	_ = 	snop  }
0x6: {  	_ = 	snop  }
0x7: {  	_ = 	snop  }
__scs_overlays_trampoline_lowered:
0x8: {  	[smem:$0x3FAA] =	sst s0  }
0x9: {  	[smem:$0x3FAB] =	sst s1  }
0xa: {  	[smem:$0x3FAC] =	sst s2  }
0xb: {  	[smem:$0x3FAD] =	sst s3  }
0xc: {  	[smem:$0x3FAE] =	sst s4  }
0xd: {  	[smem:$0x3FAF] =	sst s5  }
0xe: {  	[smem:$0x3FB0] =	sst s6  }
0xf: {  	[smem:$0x3FB1] =	sst s7  }
0x10: {  	[smem:$0x3FB2] =	sst s8  }
0x11: {  	[smem:$0x3FB3] =	sst s9;
	s0 =	simm.s32 @!p0 $0x0  }
0x12: {  	s1 =	sld [smem:$0x3F99];
	s0 =	simm.s32 @p0 $0x1  }
0x13: {  	[smem:$0x3FB4] =	sst s0;
	s0 =	simm.s32 @!p1 $0x0  }
0x14: {  	s2 =	sld [smem:$0x3F98];
	s0 =	simm.s32 @p1 $0x1  }
0x15: {  	[smem:$0x3FB5] =	sst s0;
	s0 =	simm.s32 @!p2 $0x0  }
0x16: {  	s3 =	sld [smem:$0x3FDB];
	s0 =	simm.s32 @p2 $0x1  }
0x17: {  	s4 =	simm.s32 $0x1BF5;
	[smem:$0x3FB7] =	sst s0  }
0x18: {  	s0 =	sld [smem:$0x3F9A];
	_ =	swait.ge [sflag:s4], $0x0  }
0x19: {  	s7 =	sld [smem:$0x3F9B]  }
0x1a: {  	s8 =	sadd.s32 $0xFFFFE003, lr  }
0x1b: {  	s9 =	sadd.s32 $0xFFFFFEF7, lr;
	s5 =	simm.s32 $0xFFFFFFFF;
	p2 =	slt.u32 s8, $0xFFFFF086  }
0x1c: {  	p1 =	slt.u32 s9, $0xF7A;
	s5 =	simm.s32 @!p2 $0x0  }
0x1d: {  	s5 =	simm.s32 @p1 $0x1;
	p0 =	seq.s32 s7, s2  }
0x1e: {  	s7 =	smul.u32 @!p0 $0xF7A, s2;
	p2 =	seq.s32 @!p0 s5, $0x0  }
0x1f: {  	s9 =	smul.u32 $0xF7A, s1;
	s8 =	simm.s32 @!p0 $0x1BF5;
	p2 =	por !p2, p0  }
0x20: {  	[sflag:s8] =	ssyncset.s32 @!p0 $0xFFFFF086;
	s6 =	sadd.s32 @!p0 s3, s7;
	s7 =	simm.s32 @!p0 $0x108  }
0x21: {  	s3 =	sadd.s32 s3, s9;
	s6 =	sadd.s32 @!p0 $0x88, s6;
	s7 =	simm.s32 @p2 $0x1082  }
0x22: {  	[simem:s7], [sflag:s8] =	dma.local @!p0 [hbm:s6], $0xF7A  }
0x23: {  	s9 =	sor.u32 $0xD0000000, s2;
	s6 =	simm.s32 $0x108;
	_ =	swait.ge @!p0 [sflag:s8], $0x0  }
0x24: {  	s3 =	sadd.s32 $0x88, s3;
	s6 =	simm.s32 @!p1 $0x1082;
	[sflag:s4] =	ssyncset.s32 $0xFFFFF086  }
0x25: {  	[simem:s6], [sflag:s4] =	dma.local [hbm:s3], $0xF7A  }
0x26: {  	[smem:$0x3F9B] =	sst s1;
	(tag) =	ssettag s2;
	_ =	strace s9  }
0x27: {  	s1 =	sld [smem:$0x3FAB]  }
0x28: {  	s2 =	sld [smem:$0x3FAC]  }
0x29: {  	s4 =	sld [smem:$0x3FAE]  }
0x2a: {  	p0 =	seq.s32 s5, $0x0;
	s5 =	sld [smem:$0x3FAF]  }
0x2b: {  	s6 =	sld [smem:$0x3FB0]  }
0x2c: {  	s7 =	sld [smem:$0x3FB1]  }
0x2d: {  	s3 =	simm.s32 $0x108;
	s8 =	sld [smem:$0x3FB2]  }
0x2e: {  	s3 =	simm.s32 @!p0 $0x1082;
	s9 =	sld [smem:$0x3FB3]  }
0x2f: {  	lr =	sadd.s32 s0, s3;
	s0 =	sld [smem:$0x3FAA]  }
0x30: {  	s3 =	sld [smem:$0x3FAD]  }
0x31: {  	[smem:$0x3FB6] =	sst s10  }
0x32: {  	s10 =	sld [smem:$0x3FB4];
	_ =	sdelay $0x3  }
0x33: {  	p0 =	seq.s32 s10, $0x1;
	s10 =	sld [smem:$0x3FB6];
	_ =	sdelay $0x3  }
0x34: {  	[smem:$0x3FB6] =	sst s10  }
0x35: {  	s10 =	sld [smem:$0x3FB5];
	_ =	sdelay $0x3  }
0x36: {  	p1 =	seq.s32 s10, $0x1;
	s10 =	sld [smem:$0x3FB6];
	_ =	sdelay $0x3  }
0x37: {  	[smem:$0x3FB6] =	sst s10  }
0x38: {  	s10 =	sld [smem:$0x3FB7]  }
0x39: {  	_ = 	snop;
	(pc) =	sbr.ind lr, $3  }
0x3a: {  	_ = 	snop  }
0x3b: {  	_ = 	snop  }
0x3c: {  	p2 =	seq.s32 s10, $0x1;
	s10 =	sld [smem:$0x3FB6]  }
0x3d: {  	_ =	shalt  }
0x3e: {  	_ =	shalt  }
0x3f: {  	_ =	shalt  }
0x40: {  	_ =	shalt  }
0x41: {  	_ =	shalt  }
0x42: {  	_ =	shalt  }
0x43: {  	_ =	shalt  }
0x44: {  	_ =	shalt  }
0x45: {  	_ =	shalt  }
0x46: {  	_ =	shalt  }
0x47: {  	_ =	shalt  }
0x48: {  	_ =	shalt  }
0x49: {  	_ =	shalt  }
0x4a: {  	_ =	shalt  }
0x4b: {  	_ =	shalt  }
0x4c: {  	_ =	shalt  }
0x4d: {  	_ =	shalt  }
0x4e: {  	_ =	shalt  }
0x4f: {  	_ =	shalt  }
0x50: {  	_ =	shalt  }
0x51: {  	_ =	shalt  }
0x52: {  	_ =	shalt  }
0x53: {  	_ =	shalt  }
0x54: {  	_ =	shalt  }
0x55: {  	_ =	shalt  }
0x56: {  	_ =	shalt  }
0x57: {  	_ =	shalt  }
0x58: {  	_ =	shalt  }
0x59: {  	_ =	shalt  }
0x5a: {  	_ =	shalt  }
0x5b: {  	_ =	shalt  }
0x5c: {  	_ =	shalt  }
0x5d: {  	_ =	shalt  }
0x5e: {  	_ =	shalt  }
0x5f: {  	_ =	shalt  }
0x60: {  	_ =	shalt  }
0x61: {  	_ =	shalt  }
0x62: {  	_ =	shalt  }
0x63: {  	_ =	shalt  }
0x64: {  	_ =	shalt  }
0x65: {  	_ =	shalt  }
0x66: {  	_ =	shalt  }
0x67: {  	_ =	shalt  }
0x68: {  	_ =	shalt  }
0x69: {  	_ =	shalt  }
0x6a: {  	_ =	shalt  }
0x6b: {  	_ =	shalt  }
0x6c: {  	_ =	shalt  }
0x6d: {  	_ =	shalt  }
0x6e: {  	_ =	shalt  }
0x6f: {  	_ =	shalt  }
0x70: {  	_ =	shalt  }
0x71: {  	_ =	shalt  }
0x72: {  	_ =	shalt  }
0x73: {  	_ =	shalt  }
0x74: {  	_ =	shalt  }
0x75: {  	_ =	shalt  }
0x76: {  	_ =	shalt  }
0x77: {  	_ =	shalt  }
0x78: {  	_ =	shalt  }
0x79: {  	_ =	shalt  }
0x7a: {  	_ =	shalt  }
0x7b: {  	_ =	shalt  }
0x7c: {  	_ =	shalt  }
0x7d: {  	_ =	shalt  }
0x7e: {  	_ =	shalt  }
0x7f: {  	_ =	shalt  }
0x80: {  	_ =	shalt  }
0x81: {  	_ =	shalt  }
0x82: {  	_ =	shalt  }
0x83: {  	_ =	shalt  }
0x84: {  	_ =	shalt  }
0x85: {  	_ =	shalt  }
0x86: {  	_ =	shalt  }
0x87: {  	_ =	shalt  }
.Lfunc_end0:
.L_simem_size_0:
called_computation_lowered:
.L_overlay_start_0:
0x88: {  	s2 =	sld [smem:$0x3FD9]  }
0x89: {  	s3 =	sld [smem:$0x3FFE];
	_ =	sdelay $0x1  }
0x8a: {  	s1 =	srdreg.scid  }
0x8b: {  	s0 =	sand.u32 $0x1, s1  }
0x8c: {  	s17 =	sshll.u32 s0, $0xA;
	s2 =	sadd.s32 s3, s2  }
0x8d: {  	s2 =	sadd.s32 s2, s17  }
0x8e: {  	[smem:$0x3FC2] =	sst s2  }
0x8f: {  	_ = 	snop  }
0x90: {  	(tm) =	ssettm $0x1  }
0x91: {  	s18 =	sld [smem:$0x3FFB];
	_ =	sdelay $0x3  }
0x92: {  	_ =	strace s18  }
0x93: {  	s2 =	sld [smem:$0x3FFC];
	_ =	sdelay $0x3  }
0x94: {  	_ =	strace s2  }
0x95: {  	s2 =	sld [smem:$0x3FFD];
	_ =	sdelay $0x3  }
0x96: {  	_ =	strace s2  }
0x97: {  	_ =	strace $0x8FFFFFFF  }
0x98: {  	s19 =	sld [smem:$0x3FDB];
	_ =	sdelay $0x1  }
0x99: {  	s20 =	simm.s32 $_scs_section_size  }
0x9a: {  	s4 =	simm.s32 $_size__tile_overlayer_lowered;
	s5 =	simm.s32 $_tile_overlayer_lowered  }
0x9b: {  	s6 =	simm.s32 $0x1BFF;
	s21 =	sshll.u32 s5, $0x1;
	s3 =	sadd.s32 s20, s19  }
0x9c: {  	s22 =	simm.s32 $0x0;
	s4 =	sshll.u32 s4, $0x1;
	s5 =	sadd.s32 s21, s3  }
0x9d: {  	[timem:s22], [sflag:s6] =	dma.local [hbm:s5], s4  }
0x9e: {  	_ =	swait.ge [sflag:s6], s4  }
0x9f: {  	s4 =	ssub.s32 $0x0, s4;
	[sflag:s6] =	ssyncset.done $0x0  }
0xa0: {  	[sflag:s6] =	ssyncadd.s32 s4;
	_ =	sdelay $0x1  }
0xa1: {  	s23 =	simm.s32 $0x1B8B  }
0xa2: {  	_ =	swait.ge [sflag:s23], $0x1  }
0xa3: {  	[sflag:s23] =	ssyncset.done $0x0  }
0xa4: {  	[sflag:s23] =	ssyncadd.s32 $0xFFFFFFFF  }
0xa5: {  	s4 =	sld [smem:$0x0]  }
0xa6: {  	s5 =	sand.u32 $0xFFFFFFFE, s1  }
0xa7: {  	p0 =	sne.s32 s1, s5  }
0xa8: {  	s5 =	sshll.u32 @p0 s5, $0xE  }
0xa9: {  	s5 =	sadd.s32 @p0 $0x11B8D, s5;
	s6 =	sshll.u32 @p0 s4, $0x11  }
0xaa: {  	s5 =	sor.u32 @p0 s6, s5  }
0xab: {  	[sflag:s5] =	ssyncadd.remote.s32 @p0 $0x1;
	_ =	sdelay $0x1  }
0xac: {  	s5 =	simm.s32 @p0 $0x1B8D  }
0xad: {  	_ =	swait.eq @p0 [sflag:s5], $0x1  }
0xae: {  	[sflag:s5] =	ssyncadd.s32 @p0 $0xFFFFFFFF  }
0xaf: {  	s6 =	sshll.u32 @!p0 s1, $0xE  }
0xb0: {  	s6 =	sor.u32 @!p0 $0x4000, s6;
	s5 =	simm.s32 @!p0 $0x1B8D  }
0xb1: {  	s4 =	sshll.u32 @!p0 s4, $0x11;
	s6 =	sadd.s32 @!p0 $0x11B8D, s6;
	_ =	swait.eq @!p0 [sflag:s5], $0x1  }
0xb2: {  	s4 =	sor.u32 @!p0 s4, s6;
	[sflag:s5] =	ssyncadd.s32 @!p0 $0xFFFFFFFF  }
0xb3: {  	s25 =	simm.s32 $0x1B8E;
	s24 =	sld [smem:$0x3FFE];
	[sflag:s4] =	ssyncadd.remote.s32 @!p0 $0x1  }
0xb4: {  	s26 =	simm.s32 $execute0_lowered;
	[smem:$0x3FD2] =	sst s25  }
0xb5: {  	s5 =	sshll.u32 s26, $0x1;
	_ =	strace $0x80000049;
	[dreg:$0x1] =	wrdreg $0xFFFFFFFF  }
0xb6: {  	s28 =	simm.s32 $_size_execute0_lowered;
	s3 =	sadd.s32 s3, s5;
	[dreg:$0x0] =	wrdreg $0x0  }
0xb7: {  	s5 =	sshll.u32 s28, $0x1;
	[dreg:$0x2] =	wrdreg s3  }
0xb8: {  	[dreg:$0x3] =	wrdreg s5  }
0xb9: {  	[dreg:$0x4] =	wrdreg $0xC0  }
0xba: {  	_ =	task [dreg:s22], $0x5FFFF  }
0xbb: {  	[dreg:$0x1] =	wrdreg $0xFFFFFFFF  }
0xbc: {  	[dreg:$0x0] =	wrdreg $0x60  }
0xbd: {  	[dreg:$0x2] =	wrdreg s24  }
0xbe: {  	[dreg:$0x3] =	wrdreg $0x9  }
0xbf: {  	_ =	task.clear_ibuf [dreg:s22], $0x4FFFF;
	_ =	strace $0x90000049  }
0xc0: {  	s29 =	simm.s32 $0x9;
	_ =	strace $0x8000004B  }
0xc1: {  	_ =	swait.ge [sflag:s29], $0x1  }
0xc2: {  	[sflag:s29] =	ssyncadd.s32 $0xFFFFFFFF  }
0xc3: {  	_ =	strace $0x9000004B  }
0xc4: {  	_ =	sfence  }
0xc5: {  	s30 =	sld [smem:$0x0];
	_ =	sdelay $0x2  }
0xc6: {  	s31 =	sshll.u32 s1, $0xD;
	s1 =	sshrl.u32 s1, $0x2  }
0xc7: {  	s4 =	sand.u32 $0x4000, s31;
	s1 =	sadd.s32 s1, s30  }
0xc8: {  	s0 =	sor.u32 s4, s0;
	s1 =	sshll.u32 s1, $0x11  }
0xc9: {  	s0 =	sor.u32 s1, s0  }
0xca: {  	s0 =	sadd.s32 $0x8F2B, s0  }
0xcb: {  	[sflag:s0] =	ssyncadd.remote.s32 $0x1  }
0xcc: {  	_ =	sfence.sel $0xFFFF  }
0xcd: {  	[dreg:$0x0] =	wrdreg $0xFFFFFFFF;
	(pc) =	sbr.abs _section_cstart, $3  }
0xce: {  	[dreg:$0x1] =	wrdreg $0xFFFFFFFF  }
0xcf: {  	_ =	task.clear_ibuf [dreg:s22], $0x2FFFF;
	_ =	strace $0x9FFFFFFF  }
0xd0: {  	(tm) =	ssettm $0x7FFFFFFF  }
0xd1: {  	_ =	shalt  }
tec
execute0_lowered:
.L_overlay_start_1:
0x0: {  	(tag) =	ssettag $0x1  }
0x1: {  	s0 =	rddreg [dreg:$0x0];
	s2 =	simm.s32 $0x0;
	s7 =	stileid.u32  }
0x2: {  	s1 =	srdreg.scid;
	s28 =	simm.s32 $0x2400;
	s29 =	simm.s32 $0x2800  }
0x3: {  	s30 =	simm.s32 $0x2C00;
	s31 =	simm.s32 $0x3000;
	[smem:$0x7FF] =	sst s2  }
0x4: {  	s1 =	sand.u32 $0x1, s1;
	s3 =	sshll.u32 s7, $0x1;
	s10 =	sshll.u32 s7, $0xD  }
0x5: {  	s5 =	sshll.u32 s7, $0x13;
	s7 =	sshll.u32 s7, $0xE;
	_ =	strace $0x8000004A  }
0x6: {  	s4 =	sor.u32 s1, s3;
	s5 =	sand.u32 $0x200000, s5;
	s8 =	sand.u32 $0x18000, s10  }
0x7: {  	s7 =	sand.u32 $0x20000, s7;
	s3 =	sadd.s32 $0x61400, s0;
	s6 =	sshll.u32 s4, $0x12  }
0x8: {  	s1 =	ssub.s32 $0x2, s1;
	s0 =	sadd.s32 s8, s0;
	s6 =	sand.u32 $0x1C0000, s6  }
0x9: {  	s12 =	sshll.u32 s4, $0x4;
	s13 =	sshrl.u32 s1, $0x1;
	s5 =	sor.u32 s5, s6  }
0xa: {  	s14 =	sand.u32 $0x70, s12;
	s1 =	ssub.s32 s1, s13;
	s5 =	sor.u32 s7, s5  }
0xb: {  	s0 =	sadd.s32 s14, s0;
	s16 =	smax.u32 s1, $0x1;
	s11 =	sshrl.u32 s5, $0x4  }
0xc: {  	s0 =	sadd.s32 $0xA1400, s0;
	[dreg:$0x4] =	wrdreg s16;
	s4 =	sadd.s32 s3, s11  }
0xd: {  	s9 =	simm.s32 $0x1;
	[dreg:$0x3] =	wrdreg s0;
	s15 =	sadd.s32 $0x400, s4  }
0xe: {  	s10 =	simm.s32 $0x4000;
	s17 =	sadd.s32 $0x40, s4;
	[dreg:$0x2] =	wrdreg s15  }
0xf: {  	s8 =	simm.s32 $0x3C00;
	s18 =	sadd.s32 $0x80, s4;
	[dreg:$0x5] =	wrdreg s17  }
0x10: {  	s12 =	simm.s32 $0x3;
	s19 =	sadd.s32 $0xC0, s4;
	[dreg:$0x6] =	wrdreg s18  }
0x11: {  	s1 =	simm.s32 $0x2000;
	s20 =	sadd.s32 $0x200, s4;
	[dreg:$0x7] =	wrdreg s19  }
0x12: {  	s6 =	sor.u32 $0x8000, s5;
	s21 =	sadd.s32 $0x240, s4;
	[dreg:$0x8] =	wrdreg s20  }
0x13: {  	s7 =	sor.u32 $0xC000, s5;
	s22 =	sadd.s32 $0x280, s4;
	[dreg:$0x9] =	wrdreg s21  }
0x14: {  	s0 =	simm.s32 $0x3400;
	s23 =	sadd.s32 $0x2C0, s4;
	[dreg:$0xa] =	wrdreg s22  }
0x15: {  	s5 =	simm.s32 $0x3800;
	s24 =	sadd.s32 $0x440, s4;
	[dreg:$0xb] =	wrdreg s23  }
.Ltmp0:
0x16: {  	s25 =	sadd.s32 $0x480, s4;
	[dreg:$0xc] =	wrdreg s24;
	(pc) =	sbr.rel .LBB2_1-.Ltmp0, $4  }
0x17: {  	s11 =	simm.s32 $0x2;
	s26 =	sadd.s32 $0x4C0, s4;
	[dreg:$0xd] =	wrdreg s25  }
0x18: {  	[dreg:$0xe] =	wrdreg s26;
	s20 =	sadd.s32 $0x600, s4;
	s21 =	sadd.s32 $0x640, s4  }
0x19: {  	s22 =	sadd.s32 $0x680, s4;
	s23 =	sadd.s32 $0x6C0, s4;
	s24 =	simm.s32 $0x200  }
0x1a: {  	v0 =	vimm.s32 $0x0;
	v1 =	vlaneseq.u32;
	v2 =	vimm.s32 $0x1;
	s25 =	simm.s32 $0x800;
	s15 =	simm.s32 $0x400;
	s26 =	simm.s32 $0x0  }
.LBB2_10:
0x1b: {  	s13 =	rddreg [dreg:$0x3];
	s15 =	simm.s32 $0x400;
	s14 =	simm.s32 $0x80  }
0x1c: {  	[hbm4b:s13+s14] =	stream.strided.scatter [tilespmem:s10], [sflag:$0x3], $0x8000, s15, s14, $0x38;
	[tilespmem:$0xC000] =	vst v63  }
0x1d: {  	_ =	swait.ge [sflag:s12], $0x8000  }
0x1e: {  	s2 =	sadd.s32 $0x1, s2;
	s19 =	rddreg [dreg:$0x4]  }
0x1f: {  	p0 =	sne.s32 s2, s19  }
.Ltmp1:
0x20: {  	_ = 	snop;
	(pc) =	sbr.rel @!p0 .LBB2_11-.Ltmp1, $3  }
0x21: {  	_ =	sdelay $0x1  }
0x22: {  	[sflag:s12] =	ssyncset.done $0x0  }
0x23: {  	[sflag:s12] =	ssyncadd.s32 $0xFFFF8000  }
.LBB2_1:
0x24: {  	s13 =	simm.s32 $0x4040  }
0x25: {  	[tilespmem:s13+$0xFFFFFFC0] =	vst v0  }
0x26: {  	[tilespmem:s13+$0x30] =	vst v0  }
0x27: {  	[tilespmem:s13+$0x20] =	vst v0  }
0x28: {  	[tilespmem:s13+$0x10] =	vst v0  }
0x29: {  	[tilespmem:s13+$0x0] =	vst v0  }
0x2a: {  	[tilespmem:s13+$0xFFFFFFF0] =	vst v0  }
0x2b: {  	s14 =	simm.s32 $0x0;
	[tilespmem:s13+$0xFFFFFFE0] =	vst v0  }
.LBB2_2:
0x2c: {  	s14 =	sadd.s32 $0x8, s14;
	[tilespmem:s13+$0xFFFFFFD0] =	vst v0;
	s13 =	sadd.s32 $0x80, s13  }
0x2d: {  	[tilespmem:s13+$0xFFFFFFC0] =	vst v0;
	p0 =	slt.u32 s14, $0x7F8  }
0x2e: {  	[tilespmem:s13+$0x30] =	vst v0  }
.Ltmp2:
0x2f: {  	[tilespmem:s13+$0x20] =	vst v0;
	(pc) =	sbr.rel @p0 .LBB2_2-.Ltmp2, $4  }
0x30: {  	[tilespmem:s13+$0x10] =	vst v0  }
0x31: {  	[tilespmem:s13+$0x0] =	vst v0  }
0x32: {  	[tilespmem:s13+$0xFFFFFFF0] =	vst v0  }
0x33: {  	[tilespmem:s13+$0xFFFFFFE0] =	vst v0  }
0x34: {  	[tilespmem:s13+$0xFFFFFFD0] =	vst v0  }
0x35: {  	[tilespmem:s26], [sflag:$0x1] =	stream.strided.gather [hbm4b:s4+s24], $0x400, s25, s24, $0x38;
	[tilespmem:$0xC000] =	vst v63  }
0x36: {  	s13 =	rddreg [dreg:$0x5]  }
0x37: {  	[tilespmem:s15], [sflag:$0x1] =	stream.strided.gather [hbm4b:s13+s24], $0x400, s25, s24, $0x38;
	[tilespmem:$0xC000] =	vst v63  }
0x38: {  	s18 =	rddreg [dreg:$0x6]  }
0x39: {  	[tilespmem:s25], [sflag:$0x1] =	stream.strided.gather [hbm4b:s18+s24], $0x400, s25, s24, $0x38;
	[tilespmem:$0xC000] =	vst v63  }
0x3a: {  	s14 =	simm.s32 $0xC00;
	s19 =	rddreg [dreg:$0x7]  }
0x3b: {  	[tilespmem:s14], [sflag:$0x1] =	stream.strided.gather [hbm4b:s19+s24], $0x400, s25, s24, $0x38;
	[tilespmem:$0xC000] =	vst v63  }
0x3c: {  	s15 =	simm.s32 $0x1000;
	s14 =	rddreg [dreg:$0x8]  }
0x3d: {  	[tilespmem:s15], [sflag:$0x1] =	stream.strided.gather [hbm4b:s14+s24], $0x400, s25, s24, $0x38;
	[tilespmem:$0xC000] =	vst v63  }
0x3e: {  	s17 =	simm.s32 $0x1400;
	s16 =	rddreg [dreg:$0x9]  }
0x3f: {  	[tilespmem:s17], [sflag:$0x1] =	stream.strided.gather [hbm4b:s16+s24], $0x400, s25, s24, $0x38;
	[tilespmem:$0xC000] =	vst v63  }
0x40: {  	s18 =	rddreg [dreg:$0xa];
	s19 =	simm.s32 $0x1800  }
0x41: {  	[tilespmem:s19], [sflag:$0x1] =	stream.strided.gather [hbm4b:s18+s24], $0x400, s25, s24, $0x38;
	[tilespmem:$0xC000] =	vst v63  }
0x42: {  	s14 =	rddreg [dreg:$0xb];
	s15 =	simm.s32 $0x1C00  }
0x43: {  	[tilespmem:s15], [sflag:$0x1] =	stream.strided.gather [hbm4b:s14+s24], $0x400, s25, s24, $0x38;
	[tilespmem:$0xC000] =	vst v63  }
0x44: {  	s16 =	rddreg [dreg:$0x2]  }
0x45: {  	[tilespmem:s1], [sflag:$0x2] =	stream.strided.gather [hbm4b:s16+s24], $0x400, s25, s24, $0x38;
	[tilespmem:$0xC000] =	vst v63  }
0x46: {  	s17 =	rddreg [dreg:$0xc]  }
0x47: {  	[tilespmem:s28], [sflag:$0x2] =	stream.strided.gather [hbm4b:s17+s24], $0x400, s25, s24, $0x38;
	[tilespmem:$0xC000] =	vst v63  }
0x48: {  	s18 =	rddreg [dreg:$0xd]  }
0x49: {  	[tilespmem:s29], [sflag:$0x2] =	stream.strided.gather [hbm4b:s18+s24], $0x400, s25, s24, $0x38;
	[tilespmem:$0xC000] =	vst v63  }
0x4a: {  	s19 =	rddreg [dreg:$0xe]  }
0x4b: {  	[tilespmem:s30], [sflag:$0x2] =	stream.strided.gather [hbm4b:s19+s24], $0x400, s25, s24, $0x38;
	[tilespmem:$0xC000] =	vst v63  }
0x4c: {  	_ = 	snop  }
0x4d: {  	[tilespmem:s31], [sflag:$0x2] =	stream.strided.gather [hbm4b:s20+s24], $0x400, s25, s24, $0x38;
	[tilespmem:$0xC000] =	vst v63  }
0x4e: {  	_ = 	snop  }
0x4f: {  	[tilespmem:s0], [sflag:$0x2] =	stream.strided.gather [hbm4b:s21+s24], $0x400, s25, s24, $0x38;
	[tilespmem:$0xC000] =	vst v63  }
0x50: {  	_ = 	snop  }
0x51: {  	[tilespmem:s5], [sflag:$0x2] =	stream.strided.gather [hbm4b:s22+s24], $0x400, s25, s24, $0x38;
	[tilespmem:$0xC000] =	vst v63  }
0x52: {  	s13 =	simm.s32 $0x0  }
0x53: {  	[tilespmem:s8], [sflag:$0x2] =	stream.strided.gather [hbm4b:s23+s24], $0x400, s25, s24, $0x38;
	[tilespmem:$0xC000] =	vst v63  }
.LBB2_4:
0x54: {  	_ =	swait.ge [sflag:s9], $0x2000;
	s14 =	sand.u32 $0x1000, s26;
	s15 =	simm.s32 $0x0  }
0x55: {  	s16 =	simm.s32 $0x0;
	s15 =	sand.u32 $0x1000, s15;
	s14 =	sshrl.u32 s14, $0x1  }
0x56: {  	[sflag:s9] =	ssyncset.done $0x0;
	s16 =	sand.u32 $0x380, s16;
	s14 =	sor.u32 s14, s15  }
0x57: {  	[sflag:s9] =	ssyncadd.s32 $0xFFFFE000;
	s14 =	sor.u32 s16, s14  }
0x58: {  	v3 =	vld [tilespmem:s14+$0x460]  }
0x59: {  	v4 =	vld [tilespmem:s14+$0x0]  }
0x5a: {  	v5 =	vld [tilespmem:s14+$0x20]  }
0x5b: {  	v6 =	vld [tilespmem:s14+$0x40]  }
0x5c: {  	v7 =	vld [tilespmem:s14+$0x60]  }
0x5d: {  	v8 =	vld [tilespmem:s14+$0x400]  }
0x5e: {  	v11 =	vld [tilespmem:s14+$0x420]  }
0x5f: {  	v13 =	vld [tilespmem:s14+$0x440];
	_ =	sdelay $0x1  }
0x60: {  	v9 =	vshrl.u32 v3, $0x3  }
0x61: {  	v10 =	vshrl.u32 v4, $0x13;
	v4 =	vshrl.u32 v4, $0x3;
	v12 =	vshrl.u32 v5, $0x3  }
0x62: {  	v3 =	vshrl.u32 v3, $0x13;
	v14 =	vshrl.u32 v6, $0x3;
	v15 =	vshrl.u32 v7, $0x3  }
0x63: {  	v16 =	vshrl.u32 v8, $0x3;
	v17 =	vshrl.u32 v11, $0x3;
	v18 =	vshrl.u32 v13, $0x3  }
0x64: {  	v5 =	vshrl.u32 v5, $0x13;
	v6 =	vshrl.u32 v6, $0x13;
	v7 =	vshrl.u32 v7, $0x13  }
0x65: {  	v8 =	vshrl.u32 v8, $0x13;
	v11 =	vshrl.u32 v11, $0x13;
	v13 =	vshrl.u32 v13, $0x13  }
0x66: {  	v9 =	vand.u32 $0x1FFF, v9;
	v3 =	vmin.u32 v3, $0x7FF;
	v4 =	vand.u32 $0x1FFF, v4  }
0x67: {  	v12 =	vand.u32 $0x1FFF, v12;
	v14 =	vand.u32 $0x1FFF, v14;
	v15 =	vand.u32 $0x1FFF, v15  }
0x68: {  	v16 =	vand.u32 $0x1FFF, v16;
	v17 =	vand.u32 $0x1FFF, v17;
	v18 =	vand.u32 $0x1FFF, v18  }
0x69: {  	s14 =	simm.s32 $0x1000;
	v10 =	vmin.u32 v10, $0x7FF;
	v5 =	vmin.u32 v5, $0x7FF;
	v6 =	vmin.u32 v6, $0x7FF  }
0x6a: {  	s18 =	simm.s32 $0x80;
	s17 =	sand.u32 $0x1000, s14;
	v7 =	vmin.u32 v7, $0x7FF;
	v8 =	vmin.u32 v8, $0x7FF;
	v11 =	vmin.u32 v11, $0x7FF  }
0x6b: {  	s16 =	sand.u32 $0x1000, s18;
	s15 =	sshrl.u32 s17, $0x1;
	s17 =	simm.s32 $0x20;
	v13 =	vmin.u32 v13, $0x7FF;
	v9 =	vmin.u32 v9, $0x7FF;
	v3 =	vshll.u32 v3, $0x4  }
0x6c: {  	s15 =	sor.u32 s15, s16;
	s19 =	sand.u32 $0x380, s17;
	v4 =	vmin.u32 v4, $0x7FF;
	v12 =	vmin.u32 v12, $0x7FF;
	v14 =	vmin.u32 v14, $0x7FF  }
0x6d: {  	s15 =	sor.u32 s19, s15;
	v15 =	vmin.u32 v15, $0x7FF;
	v16 =	vmin.u32 v16, $0x7FF;
	v9 =	vshll.u32 v9, $0x4  }
0x6e: {  	v19 =	vld [tilespmem:s15+$0x0];
	v17 =	vmin.u32 v17, $0x7FF;
	v7 =	vshll.u32 v7, $0x4;
	v9 =	vor.u32 v1, v9  }
0x6f: {  	v21 =	vld [tilespmem:s15+$0x20];
	v8 =	vshll.u32 v8, $0x4;
	v4 =	vshll.u32 v4, $0x4;
	v16 =	vshll.u32 v16, $0x4  }
0x70: {  	v24 =	vor.u32 v1, v7;
	v7 =	vor.u32 v1, v8;
	v8 =	vld [tilespmem:s15+$0x400];
	v20 =	vor.u32 v1, v4  }
0x71: {  	v13 =	vshll.u32 v13, $0x4;
	v3 =	vor.u32 v1, v3;
	v23 =	vor.u32 v1, v16;
	v16 =	vld [tilespmem:s15+$0x60]  }
0x72: {  	v12 =	vshll.u32 v12, $0x4;
	v14 =	vshll.u32 v14, $0x4;
	v4 =	vor.u32 v1, v13;
	v13 =	vld [tilespmem:s15+$0x420]  }
0x73: {  	v18 =	vmin.u32 v18, $0x7FF;
	v12 =	vor.u32 v1, v12;
	v14 =	vor.u32 v1, v14;
	[tilespmem:v9+s10+$0x0] =	vst.idx.add.s32.msk $0xffff, v2  }
0x74: {  	v9 =	vshll.u32 v10, $0x4;
	v10 =	vshll.u32 v17, $0x4;
	v17 =	vshll.u32 v18, $0x4;
	v18 =	vld [tilespmem:s15+$0x460]  }
0x75: {  	v6 =	vshll.u32 v6, $0x4;
	v11 =	vshll.u32 v11, $0x4;
	v15 =	vshll.u32 v15, $0x4;
	[tilespmem:v20+s10+$0x0] =	vst.idx.add.s32.msk $0xffff, v2  }
0x76: {  	v22 =	vor.u32 v1, v15;
	v26 =	vshrl.u32 v19, $0x13;
	v63 =	vshrl.u32 v21, $0x3;
	[tilespmem:v3+s10+$0x0] =	vst.idx.add.s32.msk $0xffff, v2  }
0x77: {  	v31 =	vshrl.u32 v21, $0x13;
	v3 =	vshll.u32 v5, $0x4;
	v5 =	vor.u32 v1, v10;
	v10 =	vld [tilespmem:s15+$0x40]  }
0x78: {  	v20 =	vshrl.u32 v16, $0x3;
	[tilespmem:v12+s10+$0x0] =	vst.idx.add.s32.msk $0xffff, v2;
	v12 =	vshrl.u32 v13, $0x3;
	v9 =	vor.u32 v1, v9  }
0x79: {  	[tilespmem:v14+s10+$0x0] =	vst.idx.add.s32.msk $0xffff, v2;
	v14 =	vshrl.u32 v16, $0x13;
	v21 =	vand.u32 $0x1FFF, v12;
	v12 =	vshrl.u32 v8, $0x13  }
0x7a: {  	v27 =	vld [tilespmem:s15+$0x440];
	v15 =	vor.u32 v1, v3;
	v3 =	vor.u32 v1, v17;
	v17 =	vor.u32 v1, v6  }
0x7b: {  	v6 =	vor.u32 v1, v11;
	v11 =	vshrl.u32 v19, $0x3;
	v25 =	vshrl.u32 v18, $0x3  }
0x7c: {  	v18 =	vshrl.u32 v18, $0x13;
	v19 =	vand.u32 $0x1FFF, v25;
	v28 =	vshrl.u32 v10, $0x3  }
0x7d: {  	v18 =	vmin.u32 v18, $0x7FF;
	[tilespmem:v9+s10+$0x0] =	vst.idx.add.s32.msk $0xffff, v2;
	v9 =	vand.u32 $0x1FFF, v11;
	v19 =	vmin.u32 v19, $0x7FF  }
0x7e: {  	v11 =	vshrl.u32 v8, $0x3;
	v25 =	vand.u32 $0x1FFF, v63;
	v19 =	vshll.u32 v19, $0x4  }
0x7f: {  	[tilespmem:v22+s10+$0x0] =	vst.idx.add.s32.msk $0xffff, v2;
	v8 =	vshrl.u32 v27, $0x13;
	v18 =	vshll.u32 v18, $0x4;
	v19 =	vor.u32 v1, v19  }
0x80: {  	v28 =	vand.u32 $0x1FFF, v28;
	[tilespmem:v15+s10+$0x0] =	vst.idx.add.s32.msk $0xffff, v2;
	v15 =	vand.u32 $0x1FFF, v20;
	v29 =	vor.u32 v1, v18  }
0x81: {  	v30 =	vand.u32 $0x1FFF, v11;
	v11 =	vshrl.u32 v27, $0x3;
	[tilespmem:v17+s10+$0x0] =	vst.idx.add.s32.msk $0xffff, v2;
	v17 =	vshrl.u32 v10, $0x13  }
0x82: {  	[tilespmem:v23+s10+$0x0] =	vst.idx.add.s32.msk $0xffff, v2;
	v20 =	vmin.u32 v25, $0x7FF;
	v10 =	vmin.u32 v21, $0x7FF;
	v21 =	vmin.u32 v26, $0x7FF  }
0x83: {  	[tilespmem:v24+s10+$0x0] =	vst.idx.add.s32.msk $0xffff, v2;
	v32 =	vand.u32 $0x1FFF, v11;
	v18 =	vmin.u32 v9, $0x7FF;
	v11 =	vshrl.u32 v13, $0x13  }
0x84: {  	v16 =	vmin.u32 v28, $0x7FF;
	v15 =	vmin.u32 v15, $0x7FF;
	v13 =	vmin.u32 v30, $0x7FF;
	[tilespmem:v19+s10+$0x0] =	vst.idx.add.s32.msk $0xffff, v2  }
0x85: {  	s15 =	simm.s32 $0x8;
	v17 =	vmin.u32 v17, $0x7FF;
	v9 =	vmin.u32 v32, $0x7FF;
	v19 =	vmin.u32 v31, $0x7FF;
	[tilespmem:v29+s10+$0x0] =	vst.idx.add.s32.msk $0xffff, v2  }
.LBB2_5:
0x86: {  	s15 =	sadd.s32 $0x8, s15;
	v14 =	vmin.u32 v14, $0x7FF;
	v12 =	vmin.u32 v12, $0x7FF;
	v11 =	vmin.u32 v11, $0x7FF;
	s14 =	sadd.s32 $0x1000, s14;
	[tilespmem:v7+s10+$0x0] =	vst.idx.add.s32.msk $0xffff, v2  }
0x87: {  	v7 =	vshll.u32 v18, $0x4;
	v18 =	vshll.u32 v20, $0x4;
	v8 =	vmin.u32 v8, $0x7FF;
	s16 =	sand.u32 $0x1000, s14;
	s17 =	sshll.u32 s15, $0x4;
	p0 =	slt.u32 s15, $0x1F8;
	[tilespmem:v5+s10+$0x0] =	vst.idx.add.s32.msk $0xffff, v2  }
0x88: {  	v15 =	vshll.u32 v15, $0x4;
	v13 =	vshll.u32 v13, $0x4;
	s18 =	sshll.u32 s15, $0x2;
	v5 =	vshll.u32 v16, $0x4;
	s17 =	sand.u32 $0x1000, s17;
	s16 =	sshrl.u32 s16, $0x1;
	[tilespmem:v6+s10+$0x0] =	vst.idx.add.s32.msk $0xffff, v2  }
0x89: {  	v10 =	vshll.u32 v10, $0x4;
	v9 =	vshll.u32 v9, $0x4;
	v6 =	vshll.u32 v21, $0x4;
	s16 =	sor.u32 s16, s17;
	s17 =	sand.u32 $0x380, s18;
	[tilespmem:v3+s10+$0x0] =	vst.idx.add.s32.msk $0xffff, v2  }
0x8a: {  	v16 =	vshll.u32 v17, $0x4;
	v14 =	vshll.u32 v14, $0x4;
	v3 =	vshll.u32 v19, $0x4;
	s16 =	sor.u32 s17, s16;
	[tilespmem:v4+s10+$0x0] =	vst.idx.add.s32.msk $0xffff, v2  }
0x8b: {  	v11 =	vshll.u32 v11, $0x4;
	v8 =	vshll.u32 v8, $0x4;
	v4 =	vshll.u32 v12, $0x4;
	v17 =	vld [tilespmem:s16+$0x460]  }
0x8c: {  	v18 =	vor.u32 v1, v18;
	v20 =	vor.u32 v1, v5;
	v19 =	vor.u32 v1, v7;
	v12 =	vld [tilespmem:s16+$0x0]  }
0x8d: {  	v22 =	vor.u32 v1, v15;
	v23 =	vor.u32 v1, v13;
	v5 =	vor.u32 v1, v10;
	v21 =	vld [tilespmem:s16+$0x20]  }
0x8e: {  	v13 =	vor.u32 v1, v6;
	v15 =	vor.u32 v1, v3;
	v3 =	vor.u32 v1, v9;
	v10 =	vld [tilespmem:s16+$0x40]  }
0x8f: {  	v16 =	vor.u32 v1, v16;
	v24 =	vor.u32 v1, v14;
	v7 =	vor.u32 v1, v4;
	v9 =	vld [tilespmem:s16+$0x60]  }
0x90: {  	v6 =	vor.u32 v1, v11;
	v4 =	vor.u32 v1, v8;
	v25 =	vld [tilespmem:s16+$0x400];
	v14 =	vshrl.u32 v17, $0x3  }
0x91: {  	v26 =	vshrl.u32 v12, $0x13;
	v8 =	vshrl.u32 v12, $0x3;
	v11 =	vld [tilespmem:s16+$0x420];
	v12 =	vand.u32 $0x1FFF, v14  }
0x92: {  	v17 =	vshrl.u32 v17, $0x13;
	v14 =	vshrl.u32 v21, $0x3;
	v27 =	vld [tilespmem:s16+$0x440];
	v12 =	vmin.u32 v12, $0x7FF  }
0x93: {  	v17 =	vmin.u32 v17, $0x7FF;
	v28 =	vshrl.u32 v10, $0x3;
	v12 =	vshll.u32 v12, $0x4;
	[tilespmem:v19+s10+$0x0] =	vst.idx.add.s32.msk $0xffff, v2  }
0x94: {  	v19 =	vshrl.u32 v9, $0x3;
	v29 =	vor.u32 v1, v12;
	v12 =	vshll.u32 v17, $0x4;
	[tilespmem:v13+s10+$0x0] =	vst.idx.add.s32.msk $0xffff, v2  }
0x95: {  	v8 =	vand.u32 $0x1FFF, v8;
	v13 =	vshrl.u32 v25, $0x3;
	v17 =	vor.u32 v1, v12;
	[tilespmem:v18+s10+$0x0] =	vst.idx.add.s32.msk $0xffff, v2  }
0x96: {  	v30 =	vand.u32 $0x1FFF, v14;
	v28 =	vand.u32 $0x1FFF, v28;
	v12 =	vshrl.u32 v11, $0x3;
	[tilespmem:v15+s10+$0x0] =	vst.idx.add.s32.msk $0xffff, v2  }
0x97: {  	v15 =	vand.u32 $0x1FFF, v19;
	v13 =	vand.u32 $0x1FFF, v13;
	v14 =	vshrl.u32 v27, $0x3;
	[tilespmem:v20+s10+$0x0] =	vst.idx.add.s32.msk $0xffff, v2  }
0x98: {  	v19 =	vshrl.u32 v21, $0x13;
	v21 =	vand.u32 $0x1FFF, v12;
	v31 =	vand.u32 $0x1FFF, v14;
	[tilespmem:v16+s10+$0x0] =	vst.idx.add.s32.msk $0xffff, v2  }
.Ltmp3:
0x99: {  	v32 =	vshrl.u32 v10, $0x13;
	v12 =	vshrl.u32 v25, $0x13;
	v14 =	vshrl.u32 v9, $0x13;
	[tilespmem:v29+s10+$0x0] =	vst.idx.add.s32.msk $0xffff, v2;
	(pc) =	sbr.rel @p0 .LBB2_5-.Ltmp3, $4  }
0x9a: {  	v18 =	vmin.u32 v8, $0x7FF;
	v11 =	vshrl.u32 v11, $0x13;
	v8 =	vshrl.u32 v27, $0x13;
	[tilespmem:v17+s10+$0x0] =	vst.idx.add.s32.msk $0xffff, v2  }
0x9b: {  	v20 =	vmin.u32 v30, $0x7FF;
	v15 =	vmin.u32 v15, $0x7FF;
	v16 =	vmin.u32 v28, $0x7FF;
	[tilespmem:v22+s10+$0x0] =	vst.idx.add.s32.msk $0xffff, v2  }
0x9c: {  	v13 =	vmin.u32 v13, $0x7FF;
	v10 =	vmin.u32 v21, $0x7FF;
	v9 =	vmin.u32 v31, $0x7FF;
	[tilespmem:v24+s10+$0x0] =	vst.idx.add.s32.msk $0xffff, v2  }
0x9d: {  	v19 =	vmin.u32 v19, $0x7FF;
	v21 =	vmin.u32 v26, $0x7FF;
	v17 =	vmin.u32 v32, $0x7FF;
	[tilespmem:v23+s10+$0x0] =	vst.idx.add.s32.msk $0xffff, v2  }
0x9e: {  	_ =	sdelay $0x3  }
0x9f: {  	v18 =	vshll.u32 v18, $0x4;
	[tilespmem:v7+s10+$0x0] =	vst.idx.add.s32.msk $0xffff, v2  }
0xa0: {  	v7 =	vshll.u32 v21, $0x4;
	v20 =	vshll.u32 v20, $0x4;
	[tilespmem:v5+s10+$0x0] =	vst.idx.add.s32.msk $0xffff, v2;
	v18 =	vor.u32 v1, v18  }
0xa1: {  	v16 =	vshll.u32 v16, $0x4;
	[tilespmem:v3+s10+$0x0] =	vst.idx.add.s32.msk $0xffff, v2;
	v5 =	vor.u32 v1, v7;
	v7 =	vor.u32 v1, v20  }
0xa2: {  	[tilespmem:v4+s10+$0x0] =	vst.idx.add.s32.msk $0xffff, v2;
	v4 =	vor.u32 v1, v16  }
0xa3: {  	[tilespmem:v6+s10+$0x0] =	vst.idx.add.s32.msk $0xffff, v2;
	v6 =	vshll.u32 v19, $0x4  }
0xa4: {  	v15 =	vshll.u32 v15, $0x4;
	v3 =	vor.u32 v1, v6  }
0xa5: {  	v15 =	vor.u32 v1, v15;
	v6 =	vshll.u32 v17, $0x4;
	[tilespmem:v18+s10+$0x0] =	vst.idx.add.s32.msk $0xffff, v2  }
0xa6: {  	v14 =	vmin.u32 v14, $0x7FF;
	v10 =	vshll.u32 v10, $0x4;
	v6 =	vor.u32 v1, v6;
	[tilespmem:v7+s10+$0x0] =	vst.idx.add.s32.msk $0xffff, v2  }
0xa7: {  	v14 =	vshll.u32 v14, $0x4;
	[tilespmem:v4+s10+$0x0] =	vst.idx.add.s32.msk $0xffff, v2;
	v4 =	vor.u32 v1, v10  }
0xa8: {  	[tilespmem:v5+s10+$0x0] =	vst.idx.add.s32.msk $0xffff, v2;
	v5 =	vmin.u32 v12, $0x7FF;
	v12 =	vshll.u32 v13, $0x4;
	v13 =	vor.u32 v1, v14  }
0xa9: {  	[tilespmem:v3+s10+$0x0] =	vst.idx.add.s32.msk $0xffff, v2;
	v3 =	vmin.u32 v11, $0x7FF;
	v5 =	vshll.u32 v5, $0x4;
	v7 =	vor.u32 v1, v12  }
0xaa: {  	[tilespmem:v15+s10+$0x0] =	vst.idx.add.s32.msk $0xffff, v2;
	v3 =	vshll.u32 v3, $0x4;
	v5 =	vor.u32 v1, v5  }
0xab: {  	[tilespmem:v6+s10+$0x0] =	vst.idx.add.s32.msk $0xffff, v2;
	v6 =	vmin.u32 v8, $0x7FF;
	v8 =	vshll.u32 v9, $0x4;
	v3 =	vor.u32 v1, v3  }
0xac: {  	v6 =	vshll.u32 v6, $0x4;
	v8 =	vor.u32 v1, v8;
	[tilespmem:v4+s10+$0x0] =	vst.idx.add.s32.msk $0xffff, v2  }
0xad: {  	v6 =	vor.u32 v1, v6;
	[tilespmem:v13+s10+$0x0] =	vst.idx.add.s32.msk $0xffff, v2  }
0xae: {  	[tilespmem:v7+s10+$0x0] =	vst.idx.add.s32.msk $0xffff, v2  }
0xaf: {  	s14 =	sshll.u32 s13, $0xF;
	p0 =	seq.s32 s13, $0x3;
	[tilespmem:v5+s10+$0x0] =	vst.idx.add.s32.msk $0xffff, v2  }
0xb0: {  	s15 =	sadd.s32 @!p0 s14, s6;
	[tilespmem:v3+s10+$0x0] =	vst.idx.add.s32.msk $0xffff, v2  }
0xb1: {  	s16 =	simm.s32 @!p0 $0x200;
	s15 =	sshrl.u32 @!p0 s15, $0x4;
	[tilespmem:v8+s10+$0x0] =	vst.idx.add.s32.msk $0xffff, v2  }
0xb2: {  	s17 =	simm.s32 @!p0 $0x800;
	s18 =	simm.s32 @!p0 $0x0;
	s15 =	sadd.s32 @!p0 s3, s15;
	[tilespmem:v6+s10+$0x0] =	vst.idx.add.s32.msk $0xffff, v2  }
0xb3: {  	[tilespmem:s18], [sflag:$0x1] =	stream.strided.gather @!p0 [hbm4b:s15+s16], $0x400, s17, s16, $0x38;
	[tilespmem:$0xC000] =	vst v63  }
0xb4: {  	s19 =	simm.s32 @!p0 $0x400;
	s18 =	sadd.s32 @!p0 $0x40, s15  }
0xb5: {  	[tilespmem:s19], [sflag:$0x1] =	stream.strided.gather @!p0 [hbm4b:s18+s16], $0x400, s17, s16, $0x38;
	[tilespmem:$0xC000] =	vst v63  }
0xb6: {  	s18 =	sadd.s32 @!p0 $0x80, s15  }
0xb7: {  	[tilespmem:s17], [sflag:$0x1] =	stream.strided.gather @!p0 [hbm4b:s18+s16], $0x400, s17, s16, $0x38;
	[tilespmem:$0xC000] =	vst v63  }
0xb8: {  	s19 =	simm.s32 @!p0 $0xC00;
	s18 =	sadd.s32 @!p0 $0xC0, s15  }
0xb9: {  	[tilespmem:s19], [sflag:$0x1] =	stream.strided.gather @!p0 [hbm4b:s18+s16], $0x400, s17, s16, $0x38;
	[tilespmem:$0xC000] =	vst v63  }
0xba: {  	s18 =	sadd.s32 @!p0 $0x200, s15;
	s19 =	simm.s32 @!p0 $0x1000  }
0xbb: {  	[tilespmem:s19], [sflag:$0x1] =	stream.strided.gather @!p0 [hbm4b:s18+s16], $0x400, s17, s16, $0x38;
	[tilespmem:$0xC000] =	vst v63  }
0xbc: {  	s18 =	sadd.s32 @!p0 $0x240, s15;
	s19 =	simm.s32 @!p0 $0x1400  }
0xbd: {  	[tilespmem:s19], [sflag:$0x1] =	stream.strided.gather @!p0 [hbm4b:s18+s16], $0x400, s17, s16, $0x38;
	[tilespmem:$0xC000] =	vst v63  }
0xbe: {  	s18 =	sadd.s32 @!p0 $0x280, s15;
	s19 =	simm.s32 @!p0 $0x1800  }
0xbf: {  	[tilespmem:s19], [sflag:$0x1] =	stream.strided.gather @!p0 [hbm4b:s18+s16], $0x400, s17, s16, $0x38;
	[tilespmem:$0xC000] =	vst v63  }
0xc0: {  	s15 =	sadd.s32 @!p0 $0x2C0, s15;
	s18 =	simm.s32 @!p0 $0x1C00  }
0xc1: {  	[tilespmem:s18], [sflag:$0x1] =	stream.strided.gather @!p0 [hbm4b:s15+s16], $0x400, s17, s16, $0x38;
	[tilespmem:$0xC000] =	vst v63  }
0xc2: {  	s17 =	simm.s32 $0x0  }
0xc3: {  	s19 =	simm.s32 $0x0;
	s18 =	simm.s32 $0x0;
	s15 =	sand.u32 $0x1000, s17  }
0xc4: {  	_ =	swait.ge [sflag:s11], $0x2000;
	s16 =	sand.u32 $0x1000, s18;
	s15 =	sshrl.u32 s15, $0x1  }
0xc5: {  	s18 =	sand.u32 $0x380, s19;
	[sflag:s11] =	ssyncset.done $0x0;
	s15 =	sor.u32 s15, s16  }
0xc6: {  	[sflag:s11] =	ssyncadd.s32 $0xFFFFE000;
	s15 =	sor.u32 s18, s15  }
0xc7: {  	v3 =	vld [tilespmem:s15+$0x2460]  }
0xc8: {  	v4 =	vld [tilespmem:s15+$0x2000]  }
0xc9: {  	v5 =	vld [tilespmem:s15+$0x2020]  }
0xca: {  	v6 =	vld [tilespmem:s15+$0x2040]  }
0xcb: {  	v7 =	vld [tilespmem:s15+$0x2060]  }
0xcc: {  	v8 =	vld [tilespmem:s15+$0x2400]  }
0xcd: {  	v11 =	vld [tilespmem:s15+$0x2420]  }
0xce: {  	v13 =	vld [tilespmem:s15+$0x2440];
	_ =	sdelay $0x1  }
0xcf: {  	v9 =	vshrl.u32 v3, $0x3  }
0xd0: {  	v10 =	vshrl.u32 v4, $0x13;
	v4 =	vshrl.u32 v4, $0x3;
	v12 =	vshrl.u32 v5, $0x3  }
0xd1: {  	v3 =	vshrl.u32 v3, $0x13;
	v14 =	vshrl.u32 v6, $0x3;
	v15 =	vshrl.u32 v7, $0x3  }
0xd2: {  	v16 =	vshrl.u32 v8, $0x3;
	v17 =	vshrl.u32 v11, $0x3;
	v18 =	vshrl.u32 v13, $0x3  }
0xd3: {  	v5 =	vshrl.u32 v5, $0x13;
	v6 =	vshrl.u32 v6, $0x13;
	v7 =	vshrl.u32 v7, $0x13  }
0xd4: {  	v8 =	vshrl.u32 v8, $0x13;
	v11 =	vshrl.u32 v11, $0x13;
	v13 =	vshrl.u32 v13, $0x13  }
0xd5: {  	v9 =	vand.u32 $0x1FFF, v9;
	v3 =	vmin.u32 v3, $0x7FF;
	v4 =	vand.u32 $0x1FFF, v4  }
0xd6: {  	v12 =	vand.u32 $0x1FFF, v12;
	v14 =	vand.u32 $0x1FFF, v14;
	v15 =	vand.u32 $0x1FFF, v15  }
0xd7: {  	v16 =	vand.u32 $0x1FFF, v16;
	v17 =	vand.u32 $0x1FFF, v17;
	v18 =	vand.u32 $0x1FFF, v18  }
0xd8: {  	s15 =	simm.s32 $0x1000;
	v10 =	vmin.u32 v10, $0x7FF;
	v5 =	vmin.u32 v5, $0x7FF;
	v6 =	vmin.u32 v6, $0x7FF  }
0xd9: {  	s18 =	simm.s32 $0x80;
	s19 =	sand.u32 $0x1000, s15;
	v7 =	vmin.u32 v7, $0x7FF;
	v8 =	vmin.u32 v8, $0x7FF;
	v11 =	vmin.u32 v11, $0x7FF  }
0xda: {  	s17 =	sand.u32 $0x1000, s18;
	s16 =	sshrl.u32 s19, $0x1;
	s19 =	simm.s32 $0x20;
	v13 =	vmin.u32 v13, $0x7FF;
	v9 =	vmin.u32 v9, $0x7FF;
	v3 =	vshll.u32 v3, $0x4  }
0xdb: {  	s16 =	sor.u32 s16, s17;
	s19 =	sand.u32 $0x380, s19;
	v4 =	vmin.u32 v4, $0x7FF;
	v12 =	vmin.u32 v12, $0x7FF;
	v14 =	vmin.u32 v14, $0x7FF  }
0xdc: {  	s16 =	sor.u32 s19, s16;
	v15 =	vmin.u32 v15, $0x7FF;
	v16 =	vmin.u32 v16, $0x7FF;
	v9 =	vshll.u32 v9, $0x4  }
0xdd: {  	v19 =	vld [tilespmem:s16+$0x2000];
	v17 =	vmin.u32 v17, $0x7FF;
	v7 =	vshll.u32 v7, $0x4;
	v9 =	vor.u32 v1, v9  }
0xde: {  	v21 =	vld [tilespmem:s16+$0x2020];
	v8 =	vshll.u32 v8, $0x4;
	v4 =	vshll.u32 v4, $0x4;
	v16 =	vshll.u32 v16, $0x4  }
0xdf: {  	v24 =	vor.u32 v1, v7;
	v7 =	vor.u32 v1, v8;
	v8 =	vld [tilespmem:s16+$0x2400];
	v20 =	vor.u32 v1, v4  }
0xe0: {  	v13 =	vshll.u32 v13, $0x4;
	v3 =	vor.u32 v1, v3;
	v23 =	vor.u32 v1, v16;
	v16 =	vld [tilespmem:s16+$0x2060]  }
0xe1: {  	v12 =	vshll.u32 v12, $0x4;
	v14 =	vshll.u32 v14, $0x4;
	v4 =	vor.u32 v1, v13;
	v13 =	vld [tilespmem:s16+$0x2420]  }
0xe2: {  	v18 =	vmin.u32 v18, $0x7FF;
	v12 =	vor.u32 v1, v12;
	v14 =	vor.u32 v1, v14;
	[tilespmem:v9+s10+$0x0] =	vst.idx.add.s32.msk $0xffff, v2  }
0xe3: {  	v9 =	vshll.u32 v10, $0x4;
	v10 =	vshll.u32 v17, $0x4;
	v17 =	vshll.u32 v18, $0x4;
	v18 =	vld [tilespmem:s16+$0x2460]  }
0xe4: {  	v6 =	vshll.u32 v6, $0x4;
	v11 =	vshll.u32 v11, $0x4;
	v15 =	vshll.u32 v15, $0x4;
	[tilespmem:v20+s10+$0x0] =	vst.idx.add.s32.msk $0xffff, v2  }
0xe5: {  	v22 =	vor.u32 v1, v15;
	v26 =	vshrl.u32 v19, $0x13;
	v63 =	vshrl.u32 v21, $0x3;
	[tilespmem:v3+s10+$0x0] =	vst.idx.add.s32.msk $0xffff, v2  }
0xe6: {  	v31 =	vshrl.u32 v21, $0x13;
	v3 =	vshll.u32 v5, $0x4;
	v5 =	vor.u32 v1, v10;
	v10 =	vld [tilespmem:s16+$0x2040]  }
0xe7: {  	v20 =	vshrl.u32 v16, $0x3;
	[tilespmem:v12+s10+$0x0] =	vst.idx.add.s32.msk $0xffff, v2;
	v12 =	vshrl.u32 v13, $0x3;
	v9 =	vor.u32 v1, v9  }
0xe8: {  	[tilespmem:v14+s10+$0x0] =	vst.idx.add.s32.msk $0xffff, v2;
	v14 =	vshrl.u32 v16, $0x13;
	v21 =	vand.u32 $0x1FFF, v12;
	v12 =	vshrl.u32 v8, $0x13  }
0xe9: {  	v27 =	vld [tilespmem:s16+$0x2440];
	v15 =	vor.u32 v1, v3;
	v3 =	vor.u32 v1, v17;
	v17 =	vor.u32 v1, v6  }
0xea: {  	v6 =	vor.u32 v1, v11;
	v11 =	vshrl.u32 v19, $0x3;
	v25 =	vshrl.u32 v18, $0x3  }
0xeb: {  	v18 =	vshrl.u32 v18, $0x13;
	v19 =	vand.u32 $0x1FFF, v25;
	v28 =	vshrl.u32 v10, $0x3  }
0xec: {  	v18 =	vmin.u32 v18, $0x7FF;
	[tilespmem:v9+s10+$0x0] =	vst.idx.add.s32.msk $0xffff, v2;
	v9 =	vand.u32 $0x1FFF, v11;
	v19 =	vmin.u32 v19, $0x7FF  }
0xed: {  	v11 =	vshrl.u32 v8, $0x3;
	v25 =	vand.u32 $0x1FFF, v63;
	v19 =	vshll.u32 v19, $0x4  }
0xee: {  	[tilespmem:v22+s10+$0x0] =	vst.idx.add.s32.msk $0xffff, v2;
	v8 =	vshrl.u32 v27, $0x13;
	v18 =	vshll.u32 v18, $0x4;
	v19 =	vor.u32 v1, v19  }
0xef: {  	v28 =	vand.u32 $0x1FFF, v28;
	[tilespmem:v15+s10+$0x0] =	vst.idx.add.s32.msk $0xffff, v2;
	v15 =	vand.u32 $0x1FFF, v20;
	v29 =	vor.u32 v1, v18  }
0xf0: {  	v30 =	vand.u32 $0x1FFF, v11;
	v11 =	vshrl.u32 v27, $0x3;
	[tilespmem:v17+s10+$0x0] =	vst.idx.add.s32.msk $0xffff, v2;
	v17 =	vshrl.u32 v10, $0x13  }
0xf1: {  	[tilespmem:v23+s10+$0x0] =	vst.idx.add.s32.msk $0xffff, v2;
	v20 =	vmin.u32 v25, $0x7FF;
	v10 =	vmin.u32 v21, $0x7FF;
	v21 =	vmin.u32 v26, $0x7FF  }
0xf2: {  	[tilespmem:v24+s10+$0x0] =	vst.idx.add.s32.msk $0xffff, v2;
	v32 =	vand.u32 $0x1FFF, v11;
	v18 =	vmin.u32 v9, $0x7FF;
	v11 =	vshrl.u32 v13, $0x13  }
0xf3: {  	v16 =	vmin.u32 v28, $0x7FF;
	v15 =	vmin.u32 v15, $0x7FF;
	v13 =	vmin.u32 v30, $0x7FF;
	[tilespmem:v19+s10+$0x0] =	vst.idx.add.s32.msk $0xffff, v2  }
0xf4: {  	s16 =	simm.s32 $0x8;
	v17 =	vmin.u32 v17, $0x7FF;
	v9 =	vmin.u32 v32, $0x7FF;
	v19 =	vmin.u32 v31, $0x7FF;
	[tilespmem:v29+s10+$0x0] =	vst.idx.add.s32.msk $0xffff, v2  }
.LBB2_7:
0xf5: {  	s16 =	sadd.s32 $0x8, s16;
	v14 =	vmin.u32 v14, $0x7FF;
	v12 =	vmin.u32 v12, $0x7FF;
	v11 =	vmin.u32 v11, $0x7FF;
	s15 =	sadd.s32 $0x1000, s15;
	[tilespmem:v7+s10+$0x0] =	vst.idx.add.s32.msk $0xffff, v2  }
0xf6: {  	v7 =	vshll.u32 v18, $0x4;
	v18 =	vshll.u32 v20, $0x4;
	v8 =	vmin.u32 v8, $0x7FF;
	s17 =	sand.u32 $0x1000, s15;
	s18 =	sshll.u32 s16, $0x4;
	p1 =	slt.u32 s16, $0x1F8;
	[tilespmem:v5+s10+$0x0] =	vst.idx.add.s32.msk $0xffff, v2  }
0xf7: {  	v15 =	vshll.u32 v15, $0x4;
	v13 =	vshll.u32 v13, $0x4;
	s19 =	sshll.u32 s16, $0x2;
	v5 =	vshll.u32 v16, $0x4;
	s18 =	sand.u32 $0x1000, s18;
	s17 =	sshrl.u32 s17, $0x1;
	[tilespmem:v6+s10+$0x0] =	vst.idx.add.s32.msk $0xffff, v2  }
0xf8: {  	v10 =	vshll.u32 v10, $0x4;
	v9 =	vshll.u32 v9, $0x4;
	v6 =	vshll.u32 v21, $0x4;
	s17 =	sor.u32 s17, s18;
	s18 =	sand.u32 $0x380, s19;
	[tilespmem:v3+s10+$0x0] =	vst.idx.add.s32.msk $0xffff, v2  }
0xf9: {  	v16 =	vshll.u32 v17, $0x4;
	v14 =	vshll.u32 v14, $0x4;
	v3 =	vshll.u32 v19, $0x4;
	s17 =	sor.u32 s18, s17;
	[tilespmem:v4+s10+$0x0] =	vst.idx.add.s32.msk $0xffff, v2  }
0xfa: {  	v11 =	vshll.u32 v11, $0x4;
	v8 =	vshll.u32 v8, $0x4;
	v4 =	vshll.u32 v12, $0x4;
	v17 =	vld [tilespmem:s17+$0x2460]  }
0xfb: {  	v18 =	vor.u32 v1, v18;
	v20 =	vor.u32 v1, v5;
	v19 =	vor.u32 v1, v7;
	v12 =	vld [tilespmem:s17+$0x2000]  }
0xfc: {  	v22 =	vor.u32 v1, v15;
	v23 =	vor.u32 v1, v13;
	v5 =	vor.u32 v1, v10;
	v21 =	vld [tilespmem:s17+$0x2020]  }
0xfd: {  	v13 =	vor.u32 v1, v6;
	v15 =	vor.u32 v1, v3;
	v3 =	vor.u32 v1, v9;
	v10 =	vld [tilespmem:s17+$0x2040]  }
0xfe: {  	v16 =	vor.u32 v1, v16;
	v24 =	vor.u32 v1, v14;
	v7 =	vor.u32 v1, v4;
	v9 =	vld [tilespmem:s17+$0x2060]  }
0xff: {  	v6 =	vor.u32 v1, v11;
	v4 =	vor.u32 v1, v8;
	v25 =	vld [tilespmem:s17+$0x2400];
	v14 =	vshrl.u32 v17, $0x3  }
0x100: {  	v26 =	vshrl.u32 v12, $0x13;
	v8 =	vshrl.u32 v12, $0x3;
	v11 =	vld [tilespmem:s17+$0x2420];
	v12 =	vand.u32 $0x1FFF, v14  }
0x101: {  	v17 =	vshrl.u32 v17, $0x13;
	v14 =	vshrl.u32 v21, $0x3;
	v27 =	vld [tilespmem:s17+$0x2440];
	v12 =	vmin.u32 v12, $0x7FF  }
0x102: {  	v17 =	vmin.u32 v17, $0x7FF;
	v28 =	vshrl.u32 v10, $0x3;
	v12 =	vshll.u32 v12, $0x4;
	[tilespmem:v19+s10+$0x0] =	vst.idx.add.s32.msk $0xffff, v2  }
0x103: {  	v19 =	vshrl.u32 v9, $0x3;
	v29 =	vor.u32 v1, v12;
	v12 =	vshll.u32 v17, $0x4;
	[tilespmem:v13+s10+$0x0] =	vst.idx.add.s32.msk $0xffff, v2  }
0x104: {  	v8 =	vand.u32 $0x1FFF, v8;
	v13 =	vshrl.u32 v25, $0x3;
	v17 =	vor.u32 v1, v12;
	[tilespmem:v18+s10+$0x0] =	vst.idx.add.s32.msk $0xffff, v2  }
0x105: {  	v30 =	vand.u32 $0x1FFF, v14;
	v28 =	vand.u32 $0x1FFF, v28;
	v12 =	vshrl.u32 v11, $0x3;
	[tilespmem:v15+s10+$0x0] =	vst.idx.add.s32.msk $0xffff, v2  }
0x106: {  	v15 =	vand.u32 $0x1FFF, v19;
	v13 =	vand.u32 $0x1FFF, v13;
	v14 =	vshrl.u32 v27, $0x3;
	[tilespmem:v20+s10+$0x0] =	vst.idx.add.s32.msk $0xffff, v2  }
0x107: {  	v19 =	vshrl.u32 v21, $0x13;
	v21 =	vand.u32 $0x1FFF, v12;
	v31 =	vand.u32 $0x1FFF, v14;
	[tilespmem:v16+s10+$0x0] =	vst.idx.add.s32.msk $0xffff, v2  }
.Ltmp4:
0x108: {  	v32 =	vshrl.u32 v10, $0x13;
	v12 =	vshrl.u32 v25, $0x13;
	v14 =	vshrl.u32 v9, $0x13;
	[tilespmem:v29+s10+$0x0] =	vst.idx.add.s32.msk $0xffff, v2;
	(pc) =	sbr.rel @p1 .LBB2_7-.Ltmp4, $4  }
0x109: {  	v18 =	vmin.u32 v8, $0x7FF;
	v11 =	vshrl.u32 v11, $0x13;
	v8 =	vshrl.u32 v27, $0x13;
	[tilespmem:v17+s10+$0x0] =	vst.idx.add.s32.msk $0xffff, v2  }
0x10a: {  	v20 =	vmin.u32 v30, $0x7FF;
	v15 =	vmin.u32 v15, $0x7FF;
	v16 =	vmin.u32 v28, $0x7FF;
	[tilespmem:v22+s10+$0x0] =	vst.idx.add.s32.msk $0xffff, v2  }
0x10b: {  	v13 =	vmin.u32 v13, $0x7FF;
	v10 =	vmin.u32 v21, $0x7FF;
	v9 =	vmin.u32 v31, $0x7FF;
	[tilespmem:v24+s10+$0x0] =	vst.idx.add.s32.msk $0xffff, v2  }
0x10c: {  	v19 =	vmin.u32 v19, $0x7FF;
	v21 =	vmin.u32 v26, $0x7FF;
	v17 =	vmin.u32 v32, $0x7FF;
	[tilespmem:v23+s10+$0x0] =	vst.idx.add.s32.msk $0xffff, v2  }
0x10d: {  	_ =	sdelay $0x2  }
0x10e: {  	v18 =	vshll.u32 v18, $0x4  }
0x10f: {  	[tilespmem:v7+s10+$0x0] =	vst.idx.add.s32.msk $0xffff, v2;
	v20 =	vshll.u32 v20, $0x4;
	v18 =	vor.u32 v1, v18  }
0x110: {  	[tilespmem:v5+s10+$0x0] =	vst.idx.add.s32.msk $0xffff, v2;
	v16 =	vshll.u32 v16, $0x4;
	v54 =	vor.u32 v1, v20  }
0x111: {  	[tilespmem:v3+s10+$0x0] =	vst.idx.add.s32.msk $0xffff, v2;
	v15 =	vshll.u32 v15, $0x4;
	v56 =	vor.u32 v1, v16  }
0x112: {  	v58 =	vshll.u32 v13, $0x4;
	[tilespmem:v6+s10+$0x0] =	vst.idx.add.s32.msk $0xffff, v2;
	v15 =	vor.u32 v1, v15  }
0x113: {  	v53 =	vshll.u32 v19, $0x4;
	[tilespmem:v4+s10+$0x0] =	vst.idx.add.s32.msk $0xffff, v2;
	v60 =	vor.u32 v1, v58  }
0x114: {  	v55 =	vshll.u32 v17, $0x4;
	v3 =	vor.u32 v1, v53;
	[tilespmem:v18+s10+$0x0] =	vst.idx.add.s32.msk $0xffff, v2  }
0x115: {  	v10 =	vshll.u32 v10, $0x4;
	v6 =	vor.u32 v1, v55;
	[tilespmem:v54+s10+$0x0] =	vst.idx.add.s32.msk $0xffff, v2  }
0x116: {  	v51 =	vshll.u32 v21, $0x4;
	v63 =	vshll.u32 v9, $0x4;
	v61 =	vor.u32 v1, v10;
	[tilespmem:v56+s10+$0x0] =	vst.idx.add.s32.msk $0xffff, v2  }
0x117: {  	v14 =	vmin.u32 v14, $0x7FF;
	v62 =	vmin.u32 v8, $0x7FF;
	v8 =	vor.u32 v1, v63;
	[tilespmem:v15+s10+$0x0] =	vst.idx.add.s32.msk $0xffff, v2  }
0x118: {  	v57 =	vmin.u32 v12, $0x7FF;
	v52 =	vor.u32 v1, v51;
	v14 =	vshll.u32 v14, $0x4;
	[tilespmem:v60+s10+$0x0] =	vst.idx.add.s32.msk $0xffff, v2  }
0x119: {  	v5 =	vshll.u32 v57, $0x4;
	v59 =	vor.u32 v1, v14;
	[tilespmem:v3+s10+$0x0] =	vst.idx.add.s32.msk $0xffff, v2  }
0x11a: {  	v5 =	vor.u32 v1, v5;
	v3 =	vmin.u32 v11, $0x7FF;
	[tilespmem:v6+s10+$0x0] =	vst.idx.add.s32.msk $0xffff, v2;
	v6 =	vshll.u32 v62, $0x4  }
0x11b: {  	[tilespmem:v61+s10+$0x0] =	vst.idx.add.s32.msk $0xffff, v2;
	v3 =	vshll.u32 v3, $0x4;
	v6 =	vor.u32 v1, v6  }
0x11c: {  	[tilespmem:v8+s10+$0x0] =	vst.idx.add.s32.msk $0xffff, v2;
	v3 =	vor.u32 v1, v3  }
.Ltmp5:
0x11d: {  	[tilespmem:v52+s10+$0x0] =	vst.idx.add.s32.msk $0xffff, v2;
	(pc) =	sbr.rel @p0 .LBB2_10-.Ltmp5, $4  }
0x11e: {  	[tilespmem:v59+s10+$0x0] =	vst.idx.add.s32.msk $0xffff, v2  }
0x11f: {  	[tilespmem:v5+s10+$0x0] =	vst.idx.add.s32.msk $0xffff, v2  }
0x120: {  	[tilespmem:v6+s10+$0x0] =	vst.idx.add.s32.msk $0xffff, v2  }
0x121: {  	[tilespmem:v3+s10+$0x0] =	vst.idx.add.s32.msk $0xffff, v2  }
0x122: {  	s14 =	sadd.s32 s14, s7  }
0x123: {  	s14 =	sshrl.u32 s14, $0x4  }
0x124: {  	s14 =	sadd.s32 s3, s14  }
0x125: {  	[tilespmem:s1], [sflag:$0x2] =	stream.strided.gather [hbm4b:s14+s24], $0x400, s25, s24, $0x38;
	[tilespmem:$0xC000] =	vst v63  }
0x126: {  	s15 =	sadd.s32 $0x40, s14  }
0x127: {  	[tilespmem:s28], [sflag:$0x2] =	stream.strided.gather [hbm4b:s15+s24], $0x400, s25, s24, $0x38;
	[tilespmem:$0xC000] =	vst v63  }
0x128: {  	s19 =	sadd.s32 $0x80, s14  }
0x129: {  	[tilespmem:s29], [sflag:$0x2] =	stream.strided.gather [hbm4b:s19+s24], $0x400, s25, s24, $0x38;
	[tilespmem:$0xC000] =	vst v63  }
0x12a: {  	s16 =	sadd.s32 $0xC0, s14  }
0x12b: {  	[tilespmem:s30], [sflag:$0x2] =	stream.strided.gather [hbm4b:s16+s24], $0x400, s25, s24, $0x38;
	[tilespmem:$0xC000] =	vst v63  }
0x12c: {  	s17 =	sadd.s32 $0x200, s14  }
0x12d: {  	[tilespmem:s31], [sflag:$0x2] =	stream.strided.gather [hbm4b:s17+s24], $0x400, s25, s24, $0x38;
	[tilespmem:$0xC000] =	vst v63  }
0x12e: {  	s18 =	sadd.s32 $0x240, s14  }
0x12f: {  	[tilespmem:s0], [sflag:$0x2] =	stream.strided.gather [hbm4b:s18+s24], $0x400, s25, s24, $0x38;
	[tilespmem:$0xC000] =	vst v63  }
.Ltmp6:
0x130: {  	_ = 	snop;
	(pc) =	sbr.rel .LBB2_4-.Ltmp6, $4  }
0x131: {  	s19 =	sadd.s32 $0x280, s14  }
0x132: {  	[tilespmem:s5], [sflag:$0x2] =	stream.strided.gather [hbm4b:s19+s24], $0x400, s25, s24, $0x38;
	[tilespmem:$0xC000] =	vst v63  }
0x133: {  	s13 =	sadd.s32 $0x1, s13;
	s14 =	sadd.s32 $0x2C0, s14  }
0x134: {  	[tilespmem:s8], [sflag:$0x2] =	stream.strided.gather [hbm4b:s14+s24], $0x400, s25, s24, $0x38;
	[tilespmem:$0xC000] =	vst v63  }
.LBB2_11:
0x135: {  	_ =	sfence.sel $0x180000  }
0x136: {  	[bflag:$0x0] =	sbarrier.arrive $0xFFFF  }
0x137: {  	_ =	strace $0x9000004A  }
0x138: {  	s0 =	stileid.u32;
	[bflag:$0x2] =	sbarrier.arrive $0xFFFF  }
0x139: {  	p0 =	sne.s32 s0, $0x0;
	s0 =	rddreg [dreg:$0x1]  }
0x13a: {  	s0 =	sadd.s32 @!p0 $0x100000, s0  }
0x13b: {  	[sflag:s0] =	ssyncadd.tile.s32 @!p0 $0x1;
	_ =	shalt  }
.Lfunc_end2:
_tile_overlayer_lowered:
.L_overlay_start_2:
0x13c: {  	(tag) =	ssettag $0x2  }
0x13d: {  	s0 =	rddreg [dreg:$0x0];
	s2 =	stileid.u32  }
0x13e: {  	s1 =	rddreg [dreg:$0x1];
	p0 =	sne.s32 s2, $0x0  }
0x13f: {  	s3 =	rddreg [dreg:$0x2];
	[bflag:$0x3] =	sbarrier.arrive $0xFFFF;
	s2 =	simm.s32 @!p0 $0x1C03  }
0x140: {  	[timem:s3], [sflag:s2] =	dma.local @!p0 [hbm:s0], s1  }
0x141: {  	s0 =	simm.s32 @!p0 $0x3  }
0x142: {  	_ =	swait.ge @!p0 [sflag:s0], s1  }
0x143: {  	s1 =	ssub.s32 @!p0 $0x0, s1;
	[sflag:s0] =	ssyncset.done @!p0 $0x0  }
0x144: {  	[sflag:s0] =	ssyncadd.s32 @!p0 s1  }
0x145: {  	[bflag:$0x3] =	sbarrier.arrive $0xFFFF  }
0x146: {  	_ =	shalt  }

</sc_bundles>
